<compile_context>
chip_gen: v7x
topology: tpu7x:2x2x1
jax: 0.10.2.dev20260603
libtpu: 0.0.44.dev20260713+nightly
codegen_flags: <defaults>
</compile_context>

<pallas_src>
import functools

import jax
import jax.numpy as jnp
from jax import lax
from jax.experimental import pallas as pl
from jax.experimental.pallas import tpu as pltpu
from jax.experimental.pallas import tpu_sc as plsc

NC = 2
NS = 16
NW = NC * NS
LANE = 16


def _mesh():
    return plsc.VectorSubcoreMesh(core_axis_name="c", subcore_axis_name="s")


def _fill_1d(ref, n, value):
    def body(i, _):
        ref[pl.ds(i * LANE, LANE)] = jnp.full((LANE,), value, jnp.float32)
        return 0
    lax.fori_loop(0, n // LANE, body, 0)


def _fill_2d(ref, rows, cols, value):
    def rbody(r, _):
        def cbody(k, _2):
            ref[r, pl.ds(k * LANE, LANE)] = jnp.full((LANE,), value, jnp.float32)
            return 0
        lax.fori_loop(0, cols // LANE, cbody, 0)
        return 0
    lax.fori_loop(0, rows, rbody, 0)


def _sc_degree(dst, n_pad):
    e_total = dst.shape[0]
    epw = e_total // NW
    C = 2000
    nchunks = epw // C
    rpt = n_pad // NS

    @functools.partial(
        pl.kernel,
        out_type=jax.ShapeDtypeStruct((NC, n_pad), jnp.float32),
        mesh=_mesh(),
        scratch_types=[
            pltpu.VMEM((C,), jnp.int32),
            pltpu.VMEM((C,), jnp.float32),
            pltpu.VMEM((rpt,), jnp.float32),
            pltpu.VMEM_SHARED((n_pad,), jnp.float32),
        ],
    )
    def deg_kernel(dst_hbm, out_hbm, idx_v, ones_v, zbuf_v, deg_sh):
        c = lax.axis_index("c")
        s = lax.axis_index("s")
        wid = s * NC + c
        _fill_1d(ones_v, C, 1.0)
        _fill_1d(zbuf_v, rpt, 0.0)
        pltpu.sync_copy(zbuf_v, deg_sh.at[pl.ds(s * rpt, rpt)])
        plsc.subcore_barrier()

        def body(j, _):
            pltpu.sync_copy(dst_hbm.at[pl.ds(wid * epw + j * C, C)], idx_v)
            pltpu.sync_copy(ones_v, deg_sh.at[idx_v], add=True)
            return 0
        lax.fori_loop(0, nchunks, body, 0)
        plsc.subcore_barrier()
        pltpu.sync_copy(deg_sh.at[pl.ds(s * rpt, rpt)],
                        out_hbm.at[c, pl.ds(s * rpt, rpt)])

    return deg_kernel(dst)


def _tc_encode(x, w, deg2):
    n, d = x.shape
    h_dim = w.shape[1]
    blk = 512

    n_pad = deg2.shape[1]

    def body(x_ref, w_ref, deg_ref, g_ref):
        i = pl.program_id(0)
        deg = (deg_ref[0, pl.ds(i * blk, blk)]
               + deg_ref[1, pl.ds(i * blk, blk)] + 1.0)
        dinv = lax.rsqrt(deg)
        h = jnp.dot(x_ref[...], w_ref[...], preferred_element_type=jnp.float32)
        g_ref[...] = h * dinv[:, None]

    return pl.pallas_call(
        body,
        grid=((n + blk - 1) // blk,),
        in_specs=[
            pl.BlockSpec((blk, d), lambda i: (i, 0)),
            pl.BlockSpec((d, h_dim), lambda i: (0, 0)),
            pl.BlockSpec((2, n_pad), lambda i: (0, 0)),
        ],
        out_specs=pl.BlockSpec((blk, h_dim), lambda i: (i, 0)),
        out_shape=jax.ShapeDtypeStruct((n, h_dim), jnp.float32),
    )(x, w, deg2)


def _sc_scatter(g, src, dst, n_pad):
    n, h_dim = g.shape
    e_total = src.shape[0]
    epw = e_total // NW
    C = 80
    nchunks = epw // C
    rpt = n_pad // NS
    zrows = 64

    @functools.partial(
        pl.kernel,
        out_type=jax.ShapeDtypeStruct((NC, n_pad, h_dim), jnp.float32),
        mesh=_mesh(),
        scratch_types=[
            pltpu.VMEM((C,), jnp.int32),
            pltpu.VMEM((C,), jnp.int32),
            pltpu.VMEM((C,), jnp.int32),
            pltpu.VMEM((C,), jnp.int32),
            pltpu.VMEM((C, h_dim), jnp.float32),
            pltpu.VMEM((C, h_dim), jnp.float32),
            pltpu.VMEM((zrows, h_dim), jnp.float32),
            pltpu.VMEM_SHARED((n_pad, h_dim), jnp.float32),
            pltpu.SemaphoreType.DMA,
            pltpu.SemaphoreType.DMA,
        ],
    )
    def scat_kernel(g_hbm, src_hbm, dst_hbm, out_hbm,
                    sidx0_v, sidx1_v, didx0_v, didx1_v, rows0_v, rows1_v,
                    zbuf_v, acc_sh, sem0, sem1):
        c = lax.axis_index("c")
        s = lax.axis_index("s")
        wid = s * NC + c
        ebase = wid * epw
        sems = (sem0, sem1)
        sidxs = (sidx0_v, sidx1_v)
        didxs = (didx0_v, didx1_v)
        rows = (rows0_v, rows1_v)
        _fill_2d(zbuf_v, zrows, h_dim, 0.0)

        def zinit(k, _):
            pltpu.sync_copy(zbuf_v, acc_sh.at[pl.ds(s * rpt + k * zrows, zrows)])
            return 0
        lax.fori_loop(0, rpt // zrows, zinit, 0)
        plsc.subcore_barrier()

        def fetch(j, b):
            base = ebase + j * C
            pltpu.sync_copy(src_hbm.at[pl.ds(base, C)], sidxs[b])
            pltpu.sync_copy(dst_hbm.at[pl.ds(base, C)], didxs[b])
            pltpu.async_copy(g_hbm.at[sidxs[b]], rows[b], sems[b])

        def drain(b):
            pltpu.make_async_copy(g_hbm.at[sidxs[b]], rows[b],
                                  sems[b]).wait()

        def process(b):
            pltpu.sync_copy(rows[b], acc_sh.at[didxs[b]], add=True)

        fetch(0, 0)

        def body(gi, _):
            j0 = gi * 2
            fetch(j0 + 1, 1)
            drain(0)
            process(0)
            fetch(lax.rem(j0 + 2, nchunks), 0)
            drain(1)
            process(1)
            return 0
        lax.fori_loop(0, nchunks // 2, body, 0)
        drain(0)
        if nchunks % 2 == 1:
            process(0)
        plsc.subcore_barrier()

        def wback(k, _):
            off = s * rpt + k * zrows
            pltpu.sync_copy(acc_sh.at[pl.ds(off, zrows)],
                            out_hbm.at[c, pl.ds(off, zrows)])
            return 0
        lax.fori_loop(0, rpt // zrows, wback, 0)

    return scat_kernel(g, src, dst)


def _tc_normalize(acc2, g, deg2, b2):
    n, h_dim = g.shape
    blk = 512

    n_pad = deg2.shape[1]

    def body(a_ref, g_ref, deg_ref, b_ref, z_ref):
        i = pl.program_id(0)
        deg = (deg_ref[0, pl.ds(i * blk, blk)]
               + deg_ref[1, pl.ds(i * blk, blk)] + 1.0)
        dinv = lax.rsqrt(deg)
        out = (a_ref[0] + a_ref[1] + g_ref[...]) * dinv[:, None] + b_ref[...]
        z = jnp.maximum(out, 0.0)
        nrm = jnp.sqrt(jnp.sum(z * z, axis=1, keepdims=True))
        z_ref[...] = z / jnp.maximum(nrm, 1e-12)

    return pl.pallas_call(
        body,
        grid=((n + blk - 1) // blk,),
        in_specs=[
            pl.BlockSpec((2, blk, h_dim), lambda i: (0, i, 0)),
            pl.BlockSpec((blk, h_dim), lambda i: (i, 0)),
            pl.BlockSpec((2, n_pad), lambda i: (0, 0)),
            pl.BlockSpec((1, h_dim), lambda i: (0, 0)),
        ],
        out_specs=pl.BlockSpec((blk, h_dim), lambda i: (i, 0)),
        out_shape=jax.ShapeDtypeStruct((n, h_dim), jnp.float32),
    )(acc2, g, deg2, b2)


def _sc_dots(z, src, dstm1e):
    n, h_dim = z.shape
    e_total = src.shape[0]
    epw = e_total // NW
    C = 200
    CE = C + 8
    nchunks = epw // C
    K = h_dim // LANE

    @functools.partial(
        pl.kernel,
        out_type=(jax.ShapeDtypeStruct((e_total * LANE,), jnp.float32),
                  jax.ShapeDtypeStruct((e_total * LANE,), jnp.float32)),
        mesh=_mesh(),
        scratch_types=[
            pltpu.VMEM((C,), jnp.int32),
            pltpu.VMEM((C,), jnp.int32),
            pltpu.VMEM((CE,), jnp.int32),
            pltpu.VMEM((CE,), jnp.int32),
            pltpu.VMEM((C, h_dim), jnp.float32),
            pltpu.VMEM((C, h_dim), jnp.float32),
            pltpu.VMEM((CE, h_dim), jnp.float32),
            pltpu.VMEM((CE, h_dim), jnp.float32),
            pltpu.VMEM((C * LANE,), jnp.float32),
            pltpu.VMEM((C * LANE,), jnp.float32),
            pltpu.SemaphoreType.DMA,
            pltpu.SemaphoreType.DMA,
        ],
    )
    def dots_kernel(z_hbm, src_hbm, dm1_hbm, pos_hbm, neg_hbm,
                    sidx0_v, sidx1_v, didx0_v, didx1_v, zs0_v, zs1_v,
                    ze0_v, ze1_v, pos_v, neg_v, sem0, sem1):
        c = lax.axis_index("c")
        s = lax.axis_index("s")
        wid = s * NC + c
        ebase = wid * epw
        sems = (sem0, sem1)
        sidxs = (sidx0_v, sidx1_v)
        didxs = (didx0_v, didx1_v)
        zss = (zs0_v, zs1_v)
        zes = (ze0_v, ze1_v)

        def fetch(j, b):
            base = ebase + j * C
            pltpu.sync_copy(src_hbm.at[pl.ds(base, C)], sidxs[b])
            pltpu.sync_copy(dm1_hbm.at[pl.ds(base, CE)], didxs[b])
            pltpu.async_copy(z_hbm.at[sidxs[b]], zss[b], sems[b])
            pltpu.async_copy(z_hbm.at[didxs[b]], zes[b], sems[b])

        def drain(b):
            pltpu.make_async_copy(z_hbm.at[sidxs[b]], zss[b],
                                  sems[b]).wait()
            pltpu.make_async_copy(z_hbm.at[didxs[b]], zes[b],
                                  sems[b]).wait()

        def compute(j, b):
            base = ebase + j * C
            zs_v = zss[b]
            ze_v = zes[b]
            init = tuple(ze_v[0, pl.ds(k * LANE, LANE)] for k in range(K))

            def edge(r, carry):
                acc_p = jnp.zeros((LANE,), jnp.float32)
                acc_q = jnp.zeros((LANE,), jnp.float32)
                nxt = []
                for k in range(K):
                    vs = zs_v[r, pl.ds(k * LANE, LANE)]
                    zn = ze_v[r + 1, pl.ds(k * LANE, LANE)]
                    acc_q = acc_q + vs * carry[k]
                    acc_p = acc_p + vs * zn
                    nxt.append(zn)
                pos_v[pl.ds(r * LANE, LANE)] = acc_p
                neg_v[pl.ds(r * LANE, LANE)] = acc_q
                return tuple(nxt)
            lax.fori_loop(0, C, edge, init, unroll=4)
            pltpu.sync_copy(pos_v, pos_hbm.at[pl.ds(base * LANE, C * LANE)])
            pltpu.sync_copy(neg_v, neg_hbm.at[pl.ds(base * LANE, C * LANE)])

        fetch(0, 0)

        def body(gi, _):
            j0 = gi * 2
            fetch(j0 + 1, 1)
            drain(0)
            compute(j0, 0)
            fetch(lax.rem(j0 + 2, nchunks), 0)
            drain(1)
            compute(j0 + 1, 1)
            return 0
        lax.fori_loop(0, nchunks // 2, body, 0)
        drain(0)
        if nchunks % 2 == 1:
            compute(nchunks - 1, 0)

    return dots_kernel(z, src, dstm1e)


def _tc_loss(pos2, neg2, e_real):
    rows = pos2.shape[0]
    blk = rows // 8
    nsteps = rows // blk
    rows_real = e_real // 8

    def body(p_ref, n_ref, o_ref):
        i = pl.program_id(0)
        ri = lax.broadcasted_iota(jnp.int32, (128, 8), 0) // LANE
        ci = lax.broadcasted_iota(jnp.int32, (128, 8), 1)
        m = (ri == ci).astype(jnp.float32)
        ps = jnp.dot(p_ref[...], m, preferred_element_type=jnp.float32)
        ns = jnp.dot(n_ref[...], m, preferred_element_type=jnp.float32)

        def ls(x):
            return jnp.minimum(x, 0.0) - jnp.log1p(jnp.exp(-jnp.abs(x)))
        rid = i * blk + lax.broadcasted_iota(jnp.int32, (blk, 8), 0)
        valid = (rid < rows_real).astype(jnp.float32)
        part = jnp.sum((ls(ps) + ls(-ns)) * valid)
        prev = jnp.where(i == 0, 0.0, o_ref[0, 0])
        tot = prev + part
        o_ref[0, 0] = jnp.where(i == nsteps - 1, -tot / float(e_real), tot)

    return pl.pallas_call(
        body,
        grid=(nsteps,),
        in_specs=[
            pl.BlockSpec((blk, 128), lambda i: (i, 0)),
            pl.BlockSpec((blk, 128), lambda i: (i, 0)),
        ],
        out_specs=pl.BlockSpec((1, 1), lambda i: (0, 0),
                               memory_space=pltpu.SMEM),
        out_shape=jax.ShapeDtypeStruct((1, 1), jnp.float32),
    )(pos2, neg2)


def kernel(node_features, edge_indices, W, b):
    n, _ = node_features.shape
    h_dim = W.shape[1]
    n_pad = ((n + 2047) // 2048) * 2048
    src = edge_indices[0]
    dst = edge_indices[1]
    e_total = src.shape[0]
    dstm1e = jnp.concatenate([dst[-1:], dst, jnp.zeros((7,), dst.dtype)])

    deg2 = _sc_degree(dst, n_pad)
    g = _tc_encode(node_features, W, deg2)
    acc2 = _sc_scatter(g, src, dst, n_pad)
    z = _tc_normalize(acc2, g, deg2, b.reshape(1, h_dim))
    pos, neg = _sc_dots(z, src, dstm1e)
    loss = _tc_loss(pos.reshape(-1, 128), neg.reshape(-1, 128), e_total)
    return z, loss[0, 0]

# --- scband reference (transcript-rebuilt; emitter-appended) ---
"""Pipeline reference for scband-rtgnn-85237920956482 (READ-ONLY COPY).

The authoritative reference and input builder live on the scoring server;
editing this copy changes nothing except your own understanding.
"""

import jax, jax.numpy as jnp
import numpy as np

N = 10000
D = 128
H = 128
E = 320000
TAU = 0.1


def setup_inputs(seed: int = 0) -> dict:
    key = jax.random.key(seed)
    k1, k2, k3 = jax.random.split(key, 3)
    node_features = jax.random.normal(k1, (N, D), dtype=jnp.float32)
    edge_indices = jax.random.randint(k2, (2, E), 0, N, dtype=jnp.int32)
    W = jax.random.normal(k3, (D, H), dtype=jnp.float32) / np.sqrt(D)
    b = jnp.zeros((H,), dtype=jnp.float32)
    return {"node_features": node_features, "edge_indices": edge_indices, "W": W, "b": b}


def _gcn_conv(x, edge_index, W, b):
    # GCNConv with add_self_loops=True and symmetric normalization
    n = x.shape[0]
    loops = jnp.arange(n, dtype=edge_index.dtype)
    src = jnp.concatenate([edge_index[0], loops])
    dst = jnp.concatenate([edge_index[1], loops])
    ones = jnp.ones(dst.shape[0], dtype=x.dtype)
    deg = jax.ops.segment_sum(ones, dst, num_segments=n)
    dinv = jnp.where(deg > 0, 1.0 / jnp.sqrt(deg), 0.0)
    norm = dinv[src] * dinv[dst]
    h = x @ W
    msgs = h[src] * norm[:, None]
    out = jax.ops.segment_sum(msgs, dst, num_segments=n) + b
    return out


def reference(node_features, edge_indices, W, b):
    # GraphStructureEstimator.forward: encode -> relu -> L2 normalize, then
    # link-reconstruction loss over positive (observed) and negative edges.
    z = jax.nn.relu(_gcn_conv(node_features, edge_indices, W, b))
    nrm = jnp.maximum(jnp.linalg.norm(z, axis=1, keepdims=True), 1e-12)
    z = z / nrm
    src, dst = edge_indices[0], edge_indices[1]
    pos_sim = jnp.sum(z[src] * z[dst], axis=-1)
    # deterministic negative sampling: shift destination nodes
    neg_dst = jnp.roll(dst, 1)
    neg_sim = jnp.sum(z[src] * z[neg_dst], axis=-1)
    positive_loss = -jnp.mean(jax.nn.log_sigmoid(pos_sim))
    negative_loss = -jnp.mean(jax.nn.log_sigmoid(-neg_sim))
    reconstruction_loss = positive_loss + negative_loss
    return (z, reconstruction_loss)

if __name__ == "__main__":
    import jax
    _d = setup_inputs()
    print(jax.jit(kernel)(*tuple(_d.values())))

</pallas_src>

<mosaic_0001>
#map = affine_map<(d0, d1) -> (0, 0)>
#map1 = affine_map<(d0, d1) -> (0)>
module attributes {stable_mosaic.version = 14 : i64} {
  func.func @dots_kernel(%arg0: i32, %arg1: i32, %arg2: memref<10000x128xf32, #tpu.memory_space<hbm>>, %arg3: memref<320000xi32, #tpu.memory_space<hbm>>, %arg4: memref<320008xi32, #tpu.memory_space<hbm>>, %arg5: memref<5120000xf32, #tpu.memory_space<hbm>>, %arg6: memref<5120000xf32, #tpu.memory_space<hbm>>, %arg7: memref<200xi32, #tpu.memory_space<vmem>>, %arg8: memref<200xi32, #tpu.memory_space<vmem>>, %arg9: memref<208xi32, #tpu.memory_space<vmem>>, %arg10: memref<208xi32, #tpu.memory_space<vmem>>, %arg11: memref<200x128xf32, #tpu.memory_space<vmem>>, %arg12: memref<200x128xf32, #tpu.memory_space<vmem>>, %arg13: memref<208x128xf32, #tpu.memory_space<vmem>>, %arg14: memref<208x128xf32, #tpu.memory_space<vmem>>, %arg15: memref<3200xf32, #tpu.memory_space<vmem>>, %arg16: memref<3200xf32, #tpu.memory_space<vmem>>, %arg17: memref<!tpu.dma_semaphore, #tpu.memory_space<semaphore_mem>>, %arg18: memref<!tpu.dma_semaphore, #tpu.memory_space<semaphore_mem>>) attributes {dimension_semantics = [#tpu.dimension_semantics<core_parallel>, #tpu.dimension_semantics<subcore_parallel>], iteration_bounds = array<i64: 2, 16>, scalar_prefetch = 0 : i64, scratch_operands = 12 : i64, tpu.core_type = #tpu.core_type<sc_vector_subcore>, window_params = [{transform_indices = #map}, {transform_indices = #map1}, {transform_indices = #map1}, {transform_indices = #map1}, {transform_indices = #map1}]} {
    %mul3A = arith.constant 2 : i32
    %mul3A_0 = arith.muli %arg1, %mul3A : i32
    %add3A = arith.addi %mul3A_0, %arg0 : i32
    %mul3A_1 = arith.constant 10000 : i32
    %mul3A_2 = arith.muli %add3A, %mul3A_1 : i32
    %add3A_3 = arith.constant 0 : i32
    %add3A_4 = arith.addi %mul3A_2, %add3A_3 : i32
    "tpu.region"() ({
      %run_scoped3A = tpu.sem_alloc : memref<!tpu.dma_semaphore, #tpu.memory_space<semaphore_mem>>
      %dma_start3A_21 = tpu.memref_slice %arg3[%add3A_4] : memref<320000xi32, #tpu.memory_space<hbm>> -> memref<200xi32, #tpu.memory_space<hbm>>
      %dma_start3A_22 = tpu.memref_slice %arg3[%add3A_4] : memref<320000xi32, #tpu.memory_space<hbm>> -> memref<200xi32, #tpu.memory_space<hbm>>
      tpu.enqueue_dma source(%dma_start3A_22 : memref<200xi32, #tpu.memory_space<hbm>>) target(%arg7 : memref<200xi32, #tpu.memory_space<vmem>>) target_semaphore(%run_scoped3A : memref<!tpu.dma_semaphore, #tpu.memory_space<semaphore_mem>>)
      %dma_wait3A_23 = tpu.memref_slice %arg3[%add3A_4] : memref<320000xi32, #tpu.memory_space<hbm>> -> memref<200xi32, #tpu.memory_space<hbm>>
      %dma_wait3A_24 = tpu.memref_slice %arg3[%add3A_4] : memref<320000xi32, #tpu.memory_space<hbm>> -> memref<200xi32, #tpu.memory_space<hbm>>
      tpu.wait_dma2 semaphore(%run_scoped3A : memref<!tpu.dma_semaphore, #tpu.memory_space<semaphore_mem>>) src(%dma_wait3A_24 : memref<200xi32, #tpu.memory_space<hbm>>) dst(%arg7 : memref<200xi32, #tpu.memory_space<vmem>>)
      tpu.yield
    }) : () -> ()
    "tpu.region"() ({
      %run_scoped3A = tpu.sem_alloc : memref<!tpu.dma_semaphore, #tpu.memory_space<semaphore_mem>>
      %dma_start3A_21 = tpu.memref_slice %arg4[%add3A_4] : memref<320008xi32, #tpu.memory_space<hbm>> -> memref<208xi32, #tpu.memory_space<hbm>>
      %dma_start3A_22 = tpu.memref_slice %arg4[%add3A_4] : memref<320008xi32, #tpu.memory_space<hbm>> -> memref<208xi32, #tpu.memory_space<hbm>>
      tpu.enqueue_dma source(%dma_start3A_22 : memref<208xi32, #tpu.memory_space<hbm>>) target(%arg9 : memref<208xi32, #tpu.memory_space<vmem>>) target_semaphore(%run_scoped3A : memref<!tpu.dma_semaphore, #tpu.memory_space<semaphore_mem>>)
      %dma_wait3A_23 = tpu.memref_slice %arg4[%add3A_4] : memref<320008xi32, #tpu.memory_space<hbm>> -> memref<208xi32, #tpu.memory_space<hbm>>
      %dma_wait3A_24 = tpu.memref_slice %arg4[%add3A_4] : memref<320008xi32, #tpu.memory_space<hbm>> -> memref<208xi32, #tpu.memory_space<hbm>>
      tpu.wait_dma2 semaphore(%run_scoped3A : memref<!tpu.dma_semaphore, #tpu.memory_space<semaphore_mem>>) src(%dma_wait3A_24 : memref<208xi32, #tpu.memory_space<hbm>>) dst(%arg9 : memref<208xi32, #tpu.memory_space<vmem>>)
      tpu.yield
    }) : () -> ()
    %dma_start3A = arith.constant 0 : i32
    %dma_start3A_5 = arith.constant 0 : i32
    %dma_start3A_6 = tpu.memref_slice %arg2[%dma_start3A, %dma_start3A_5] : memref<10000x128xf32, #tpu.memory_space<hbm>> -> memref<10000x128xf32, #tpu.memory_space<hbm>>
    tpu.enqueue_indirect_dma source(%dma_start3A_6 : memref<10000x128xf32, #tpu.memory_space<hbm>>) target(%arg11 : memref<200x128xf32, #tpu.memory_space<vmem>>) offsets(%arg7 : memref<200xi32, #tpu.memory_space<vmem>>) semaphore(%arg17 : memref<!tpu.dma_semaphore, #tpu.memory_space<semaphore_mem>>)
    %dma_start3A_7 = arith.constant 0 : i32
    %dma_start3A_8 = arith.constant 0 : i32
    %dma_start3A_9 = tpu.memref_slice %arg2[%dma_start3A_7, %dma_start3A_8] : memref<10000x128xf32, #tpu.memory_space<hbm>> -> memref<10000x128xf32, #tpu.memory_space<hbm>>
    tpu.enqueue_indirect_dma source(%dma_start3A_9 : memref<10000x128xf32, #tpu.memory_space<hbm>>) target(%arg13 : memref<208x128xf32, #tpu.memory_space<vmem>>) offsets(%arg9 : memref<208xi32, #tpu.memory_space<vmem>>) semaphore(%arg17 : memref<!tpu.dma_semaphore, #tpu.memory_space<semaphore_mem>>)
    %scan3A = arith.constant 0 : i32
    %scan3A_10 = arith.constant 0 : i32
    %scan3A_11 = arith.constant 25 : i32
    %scan3A_12 = arith.addi %scan3A_10, %scan3A_11 : i32
    %scan3A_13 = arith.constant 1 : i32
    %scan3A_14 = scf.for %scan3A_21 = %scan3A_10 to %scan3A_12 step %scan3A_13 iter_args(%scan3A_22 = %scan3A) -> (i32)  : i32 {
      %mul3A_23 = arith.constant 2 : i32
      %mul3A_24 = arith.muli %scan3A_21, %mul3A_23 : i32
      %add3A_25 = arith.constant 1 : i32
      %add3A_26 = arith.addi %mul3A_24, %add3A_25 : i32
      %mul3A_27 = arith.constant 200 : i32
      %mul3A_28 = arith.muli %add3A_26, %mul3A_27 : i32
      %add3A_29 = arith.addi %mul3A_2, %mul3A_28 : i32
      "tpu.region"() ({
        %run_scoped3A = tpu.sem_alloc : memref<!tpu.dma_semaphore, #tpu.memory_space<semaphore_mem>>
        %dma_start3A_168 = tpu.memref_slice %arg3[%add3A_29] : memref<320000xi32, #tpu.memory_space<hbm>> -> memref<200xi32, #tpu.memory_space<hbm>>
        %dma_start3A_169 = tpu.memref_slice %arg3[%add3A_29] : memref<320000xi32, #tpu.memory_space<hbm>> -> memref<200xi32, #tpu.memory_space<hbm>>
        tpu.enqueue_dma source(%dma_start3A_169 : memref<200xi32, #tpu.memory_space<hbm>>) target(%arg8 : memref<200xi32, #tpu.memory_space<vmem>>) target_semaphore(%run_scoped3A : memref<!tpu.dma_semaphore, #tpu.memory_space<semaphore_mem>>)
        %dma_wait3A_170 = tpu.memref_slice %arg3[%add3A_29] : memref<320000xi32, #tpu.memory_space<hbm>> -> memref<200xi32, #tpu.memory_space<hbm>>
        %dma_wait3A_171 = tpu.memref_slice %arg3[%add3A_29] : memref<320000xi32, #tpu.memory_space<hbm>> -> memref<200xi32, #tpu.memory_space<hbm>>
        tpu.wait_dma2 semaphore(%run_scoped3A : memref<!tpu.dma_semaphore, #tpu.memory_space<semaphore_mem>>) src(%dma_wait3A_171 : memref<200xi32, #tpu.memory_space<hbm>>) dst(%arg8 : memref<200xi32, #tpu.memory_space<vmem>>)
        tpu.yield
      }) : () -> ()
      "tpu.region"() ({
        %run_scoped3A = tpu.sem_alloc : memref<!tpu.dma_semaphore, #tpu.memory_space<semaphore_mem>>
        %dma_start3A_168 = tpu.memref_slice %arg4[%add3A_29] : memref<320008xi32, #tpu.memory_space<hbm>> -> memref<208xi32, #tpu.memory_space<hbm>>
        %dma_start3A_169 = tpu.memref_slice %arg4[%add3A_29] : memref<320008xi32, #tpu.memory_space<hbm>> -> memref<208xi32, #tpu.memory_space<hbm>>
        tpu.enqueue_dma source(%dma_start3A_169 : memref<208xi32, #tpu.memory_space<hbm>>) target(%arg10 : memref<208xi32, #tpu.memory_space<vmem>>) target_semaphore(%run_scoped3A : memref<!tpu.dma_semaphore, #tpu.memory_space<semaphore_mem>>)
        %dma_wait3A_170 = tpu.memref_slice %arg4[%add3A_29] : memref<320008xi32, #tpu.memory_space<hbm>> -> memref<208xi32, #tpu.memory_space<hbm>>
        %dma_wait3A_171 = tpu.memref_slice %arg4[%add3A_29] : memref<320008xi32, #tpu.memory_space<hbm>> -> memref<208xi32, #tpu.memory_space<hbm>>
        tpu.wait_dma2 semaphore(%run_scoped3A : memref<!tpu.dma_semaphore, #tpu.memory_space<semaphore_mem>>) src(%dma_wait3A_171 : memref<208xi32, #tpu.memory_space<hbm>>) dst(%arg10 : memref<208xi32, #tpu.memory_space<vmem>>)
        tpu.yield
      }) : () -> ()
      %dma_start3A_30 = arith.constant 0 : i32
      %dma_start3A_31 = arith.constant 0 : i32
      %dma_start3A_32 = tpu.memref_slice %arg2[%dma_start3A_30, %dma_start3A_31] : memref<10000x128xf32, #tpu.memory_space<hbm>> -> memref<10000x128xf32, #tpu.memory_space<hbm>>
      tpu.enqueue_indirect_dma source(%dma_start3A_32 : memref<10000x128xf32, #tpu.memory_space<hbm>>) target(%arg12 : memref<200x128xf32, #tpu.memory_space<vmem>>) offsets(%arg8 : memref<200xi32, #tpu.memory_space<vmem>>) semaphore(%arg18 : memref<!tpu.dma_semaphore, #tpu.memory_space<semaphore_mem>>)
      %dma_start3A_33 = arith.constant 0 : i32
      %dma_start3A_34 = arith.constant 0 : i32
      %dma_start3A_35 = tpu.memref_slice %arg2[%dma_start3A_33, %dma_start3A_34] : memref<10000x128xf32, #tpu.memory_space<hbm>> -> memref<10000x128xf32, #tpu.memory_space<hbm>>
      tpu.enqueue_indirect_dma source(%dma_start3A_35 : memref<10000x128xf32, #tpu.memory_space<hbm>>) target(%arg14 : memref<208x128xf32, #tpu.memory_space<vmem>>) offsets(%arg10 : memref<208xi32, #tpu.memory_space<vmem>>) semaphore(%arg18 : memref<!tpu.dma_semaphore, #tpu.memory_space<semaphore_mem>>)
      %dma_wait3A_36 = arith.constant 0 : i32
      %dma_wait3A_37 = arith.constant 0 : i32
      %dma_wait3A_38 = tpu.memref_slice %arg2[%dma_wait3A_36, %dma_wait3A_37] : memref<10000x128xf32, #tpu.memory_space<hbm>> -> memref<10000x128xf32, #tpu.memory_space<hbm>>
      tpu.wait_indirect_dma semaphore(%arg17 : memref<!tpu.dma_semaphore, #tpu.memory_space<semaphore_mem>>) src(%dma_wait3A_38 : memref<10000x128xf32, #tpu.memory_space<hbm>>) dst(%arg11 : memref<200x128xf32, #tpu.memory_space<vmem>>)
      %dma_wait3A_39 = arith.constant 0 : i32
      %dma_wait3A_40 = arith.constant 0 : i32
      %dma_wait3A_41 = tpu.memref_slice %arg2[%dma_wait3A_39, %dma_wait3A_40] : memref<10000x128xf32, #tpu.memory_space<hbm>> -> memref<10000x128xf32, #tpu.memory_space<hbm>>
      tpu.wait_indirect_dma semaphore(%arg17 : memref<!tpu.dma_semaphore, #tpu.memory_space<semaphore_mem>>) src(%dma_wait3A_41 : memref<10000x128xf32, #tpu.memory_space<hbm>>) dst(%arg13 : memref<208x128xf32, #tpu.memory_space<vmem>>)
      %mul3A_42 = arith.constant 200 : i32
      %mul3A_43 = arith.muli %mul3A_24, %mul3A_42 : i32
      %add3A_44 = arith.addi %mul3A_2, %mul3A_43 : i32
      %get3A = arith.constant 0 : i32
      %get3A_45 = arith.index_cast %get3A : i32 to index
      %get3A_46 = arith.constant 0 : index
      %get3A_47 = tpu.vector_load %arg13[%get3A_45, %get3A_46] {strides = array<i32>} : memref<208x128xf32, #tpu.memory_space<vmem>>, vector<1x16xf32>,
      %get3A_48 = vector.shape_cast %get3A_47 : vector<1x16xf32> to vector<16xf32>
      %get3A_49 = arith.constant 0 : i32
      %get3A_50 = arith.index_cast %get3A_49 : i32 to index
      %get3A_51 = arith.constant 16 : index
      %get3A_52 = tpu.vector_load %arg13[%get3A_50, %get3A_51] {strides = array<i32>} : memref<208x128xf32, #tpu.memory_space<vmem>>, vector<1x16xf32>,
      %get3A_53 = vector.shape_cast %get3A_52 : vector<1x16xf32> to vector<16xf32>
      %get3A_54 = arith.constant 0 : i32
      %get3A_55 = arith.index_cast %get3A_54 : i32 to index
      %get3A_56 = arith.constant 32 : index
      %get3A_57 = tpu.vector_load %arg13[%get3A_55, %get3A_56] {strides = array<i32>} : memref<208x128xf32, #tpu.memory_space<vmem>>, vector<1x16xf32>,
      %get3A_58 = vector.shape_cast %get3A_57 : vector<1x16xf32> to vector<16xf32>
      %get3A_59 = arith.constant 0 : i32
      %get3A_60 = arith.index_cast %get3A_59 : i32 to index
      %get3A_61 = arith.constant 48 : index
      %get3A_62 = tpu.vector_load %arg13[%get3A_60, %get3A_61] {strides = array<i32>} : memref<208x128xf32, #tpu.memory_space<vmem>>, vector<1x16xf32>,
      %get3A_63 = vector.shape_cast %get3A_62 : vector<1x16xf32> to vector<16xf32>
      %get3A_64 = arith.constant 0 : i32
      %get3A_65 = arith.index_cast %get3A_64 : i32 to index
      %get3A_66 = arith.constant 64 : index
      %get3A_67 = tpu.vector_load %arg13[%get3A_65, %get3A_66] {strides = array<i32>} : memref<208x128xf32, #tpu.memory_space<vmem>>, vector<1x16xf32>,
      %get3A_68 = vector.shape_cast %get3A_67 : vector<1x16xf32> to vector<16xf32>
      %get3A_69 = arith.constant 0 : i32
      %get3A_70 = arith.index_cast %get3A_69 : i32 to index
      %get3A_71 = arith.constant 80 : index
      %get3A_72 = tpu.vector_load %arg13[%get3A_70, %get3A_71] {strides = array<i32>} : memref<208x128xf32, #tpu.memory_space<vmem>>, vector<1x16xf32>,
      %get3A_73 = vector.shape_cast %get3A_72 : vector<1x16xf32> to vector<16xf32>
      %get3A_74 = arith.constant 0 : i32
      %get3A_75 = arith.index_cast %get3A_74 : i32 to index
      %get3A_76 = arith.constant 96 : index
      %get3A_77 = tpu.vector_load %arg13[%get3A_75, %get3A_76] {strides = array<i32>} : memref<208x128xf32, #tpu.memory_space<vmem>>, vector<1x16xf32>,
      %get3A_78 = vector.shape_cast %get3A_77 : vector<1x16xf32> to vector<16xf32>
      %get3A_79 = arith.constant 0 : i32
      %get3A_80 = arith.index_cast %get3A_79 : i32 to index
      %get3A_81 = arith.constant 112 : index
      %get3A_82 = tpu.vector_load %arg13[%get3A_80, %get3A_81] {strides = array<i32>} : memref<208x128xf32, #tpu.memory_space<vmem>>, vector<1x16xf32>,
      %get3A_83 = vector.shape_cast %get3A_82 : vector<1x16xf32> to vector<16xf32>
      %scan3A_84 = arith.constant 0 : i32
      %scan3A_85 = arith.constant 200 : i32
      %scan3A_86 = arith.addi %scan3A_84, %scan3A_85 : i32
      %scan3A_87 = arith.constant 4 : i32
      %scan3A_88:8 = scf.for %scan3A_168 = %scan3A_84 to %scan3A_86 step %scan3A_87 iter_args(%scan3A_169 = %get3A_48, %scan3A_170 = %get3A_53, %scan3A_171 = %get3A_58, %scan3A_172 = %get3A_63, %scan3A_173 = %get3A_68, %scan3A_174 = %get3A_73, %scan3A_175 = %get3A_78, %scan3A_176 = %get3A_83) -> (vector<16xf32>, vector<16xf32>, vector<16xf32>, vector<16xf32>, vector<16xf32>, vector<16xf32>, vector<16xf32>, vector<16xf32>)  : i32 {
        %broadcast_in_dim3A = arith.constant 0.000000e+00 : f32
        %broadcast_in_dim3A_177 = vector.broadcast %broadcast_in_dim3A : f32 to vector<16xf32>
        %broadcast_in_dim3A_178 = arith.constant 0.000000e+00 : f32
        %broadcast_in_dim3A_179 = vector.broadcast %broadcast_in_dim3A_178 : f32 to vector<16xf32>
        %get3A_180 = arith.index_cast %scan3A_168 : i32 to index
        %get3A_181 = arith.constant 0 : index
        %get3A_182 = tpu.vector_load %arg11[%get3A_180, %get3A_181] {strides = array<i32>} : memref<200x128xf32, #tpu.memory_space<vmem>>, vector<1x16xf32>,
        %get3A_183 = vector.shape_cast %get3A_182 : vector<1x16xf32> to vector<16xf32>
        %add3A_184 = arith.constant 1 : i32
        %add3A_185 = arith.addi %scan3A_168, %add3A_184 : i32
        %get3A_186 = arith.index_cast %add3A_185 : i32 to index
        %get3A_187 = arith.constant 0 : index
        %get3A_188 = tpu.vector_load %arg13[%get3A_186, %get3A_187] {strides = array<i32>} : memref<208x128xf32, #tpu.memory_space<vmem>>, vector<1x16xf32>,
        %get3A_189 = vector.shape_cast %get3A_188 : vector<1x16xf32> to vector<16xf32>
        %mul3A_190 = arith.mulf %get3A_183, %scan3A_169 : vector<16xf32>
        %add3A_191 = arith.addf %broadcast_in_dim3A_179, %mul3A_190 : vector<16xf32>
        %mul3A_192 = arith.mulf %get3A_183, %get3A_189 : vector<16xf32>
        %add3A_193 = arith.addf %broadcast_in_dim3A_177, %mul3A_192 : vector<16xf32>
        %get3A_194 = arith.index_cast %scan3A_168 : i32 to index
        %get3A_195 = arith.constant 16 : index
        %get3A_196 = tpu.vector_load %arg11[%get3A_194, %get3A_195] {strides = array<i32>} : memref<200x128xf32, #tpu.memory_space<vmem>>, vector<1x16xf32>,
        %get3A_197 = vector.shape_cast %get3A_196 : vector<1x16xf32> to vector<16xf32>
        %add3A_198 = arith.constant 1 : i32
        %add3A_199 = arith.addi %scan3A_168, %add3A_198 : i32
        %get3A_200 = arith.index_cast %add3A_199 : i32 to index
        %get3A_201 = arith.constant 16 : index
        %get3A_202 = tpu.vector_load %arg13[%get3A_200, %get3A_201] {strides = array<i32>} : memref<208x128xf32, #tpu.memory_space<vmem>>, vector<1x16xf32>,
        %get3A_203 = vector.shape_cast %get3A_202 : vector<1x16xf32> to vector<16xf32>
        %mul3A_204 = arith.mulf %get3A_197, %scan3A_170 : vector<16xf32>
        %add3A_205 = arith.addf %add3A_191, %mul3A_204 : vector<16xf32>
        %mul3A_206 = arith.mulf %get3A_197, %get3A_203 : vector<16xf32>
        %add3A_207 = arith.addf %add3A_193, %mul3A_206 : vector<16xf32>
        %get3A_208 = arith.index_cast %scan3A_168 : i32 to index
        %get3A_209 = arith.constant 32 : index
        %get3A_210 = tpu.vector_load %arg11[%get3A_208, %get3A_209] {strides = array<i32>} : memref<200x128xf32, #tpu.memory_space<vmem>>, vector<1x16xf32>,
        %get3A_211 = vector.shape_cast %get3A_210 : vector<1x16xf32> to vector<16xf32>
        %add3A_212 = arith.constant 1 : i32
        %add3A_213 = arith.addi %scan3A_168, %add3A_212 : i32
        %get3A_214 = arith.index_cast %add3A_213 : i32 to index
        %get3A_215 = arith.constant 32 : index
        %get3A_216 = tpu.vector_load %arg13[%get3A_214, %get3A_215] {strides = array<i32>} : memref<208x128xf32, #tpu.memory_space<vmem>>, vector<1x16xf32>,
        %get3A_217 = vector.shape_cast %get3A_216 : vector<1x16xf32> to vector<16xf32>
        %mul3A_218 = arith.mulf %get3A_211, %scan3A_171 : vector<16xf32>
        %add3A_219 = arith.addf %add3A_205, %mul3A_218 : vector<16xf32>
        %mul3A_220 = arith.mulf %get3A_211, %get3A_217 : vector<16xf32>
        %add3A_221 = arith.addf %add3A_207, %mul3A_220 : vector<16xf32>
        %get3A_222 = arith.index_cast %scan3A_168 : i32 to index
        %get3A_223 = arith.constant 48 : index
        %get3A_224 = tpu.vector_load %arg11[%get3A_222, %get3A_223] {strides = array<i32>} : memref<200x128xf32, #tpu.memory_space<vmem>>, vector<1x16xf32>,
        %get3A_225 = vector.shape_cast %get3A_224 : vector<1x16xf32> to vector<16xf32>
        %add3A_226 = arith.constant 1 : i32
        %add3A_227 = arith.addi %scan3A_168, %add3A_226 : i32
        %get3A_228 = arith.index_cast %add3A_227 : i32 to index
        %get3A_229 = arith.constant 48 : index
        %get3A_230 = tpu.vector_load %arg13[%get3A_228, %get3A_229] {strides = array<i32>} : memref<208x128xf32, #tpu.memory_space<vmem>>, vector<1x16xf32>,
        %get3A_231 = vector.shape_cast %get3A_230 : vector<1x16xf32> to vector<16xf32>
        %mul3A_232 = arith.mulf %get3A_225, %scan3A_172 : vector<16xf32>
        %add3A_233 = arith.addf %add3A_219, %mul3A_232 : vector<16xf32>
        %mul3A_234 = arith.mulf %get3A_225, %get3A_231 : vector<16xf32>
        %add3A_235 = arith.addf %add3A_221, %mul3A_234 : vector<16xf32>
        %get3A_236 = arith.index_cast %scan3A_168 : i32 to index
        %get3A_237 = arith.constant 64 : index
        %get3A_238 = tpu.vector_load %arg11[%get3A_236, %get3A_237] {strides = array<i32>} : memref<200x128xf32, #tpu.memory_space<vmem>>, vector<1x16xf32>,
        %get3A_239 = vector.shape_cast %get3A_238 : vector<1x16xf32> to vector<16xf32>
        %add3A_240 = arith.constant 1 : i32
        %add3A_241 = arith.addi %scan3A_168, %add3A_240 : i32
        %get3A_242 = arith.index_cast %add3A_241 : i32 to index
        %get3A_243 = arith.constant 64 : index
        %get3A_244 = tpu.vector_load %arg13[%get3A_242, %get3A_243] {strides = array<i32>} : memref<208x128xf32, #tpu.memory_space<vmem>>, vector<1x16xf32>,
        %get3A_245 = vector.shape_cast %get3A_244 : vector<1x16xf32> to vector<16xf32>
        %mul3A_246 = arith.mulf %get3A_239, %scan3A_173 : vector<16xf32>
        %add3A_247 = arith.addf %add3A_233, %mul3A_246 : vector<16xf32>
        %mul3A_248 = arith.mulf %get3A_239, %get3A_245 : vector<16xf32>
        %add3A_249 = arith.addf %add3A_235, %mul3A_248 : vector<16xf32>
        %get3A_250 = arith.index_cast %scan3A_168 : i32 to index
        %get3A_251 = arith.constant 80 : index
        %get3A_252 = tpu.vector_load %arg11[%get3A_250, %get3A_251] {strides = array<i32>} : memref<200x128xf32, #tpu.memory_space<vmem>>, vector<1x16xf32>,
        %get3A_253 = vector.shape_cast %get3A_252 : vector<1x16xf32> to vector<16xf32>
        %add3A_254 = arith.constant 1 : i32
        %add3A_255 = arith.addi %scan3A_168, %add3A_254 : i32
        %get3A_256 = arith.index_cast %add3A_255 : i32 to index
        %get3A_257 = arith.constant 80 : index
        %get3A_258 = tpu.vector_load %arg13[%get3A_256, %get3A_257] {strides = array<i32>} : memref<208x128xf32, #tpu.memory_space<vmem>>, vector<1x16xf32>,
        %get3A_259 = vector.shape_cast %get3A_258 : vector<1x16xf32> to vector<16xf32>
        %mul3A_260 = arith.mulf %get3A_253, %scan3A_174 : vector<16xf32>
        %add3A_261 = arith.addf %add3A_247, %mul3A_260 : vector<16xf32>
        %mul3A_262 = arith.mulf %get3A_253, %get3A_259 : vector<16xf32>
        %add3A_263 = arith.addf %add3A_249, %mul3A_262 : vector<16xf32>
        %get3A_264 = arith.index_cast %scan3A_168 : i32 to index
        %get3A_265 = arith.constant 96 : index
        %get3A_266 = tpu.vector_load %arg11[%get3A_264, %get3A_265] {strides = array<i32>} : memref<200x128xf32, #tpu.memory_space<vmem>>, vector<1x16xf32>,
        %get3A_267 = vector.shape_cast %get3A_266 : vector<1x16xf32> to vector<16xf32>
        %add3A_268 = arith.constant 1 : i32
        %add3A_269 = arith.addi %scan3A_168, %add3A_268 : i32
        %get3A_270 = arith.index_cast %add3A_269 : i32 to index
        %get3A_271 = arith.constant 96 : index
        %get3A_272 = tpu.vector_load %arg13[%get3A_270, %get3A_271] {strides = array<i32>} : memref<208x128xf32, #tpu.memory_space<vmem>>, vector<1x16xf32>,
        %get3A_273 = vector.shape_cast %get3A_272 : vector<1x16xf32> to vector<16xf32>
        %mul3A_274 = arith.mulf %get3A_267, %scan3A_175 : vector<16xf32>
        %add3A_275 = arith.addf %add3A_261, %mul3A_274 : vector<16xf32>
        %mul3A_276 = arith.mulf %get3A_267, %get3A_273 : vector<16xf32>
        %add3A_277 = arith.addf %add3A_263, %mul3A_276 : vector<16xf32>
        %get3A_278 = arith.index_cast %scan3A_168 : i32 to index
        %get3A_279 = arith.constant 112 : index
        %get3A_280 = tpu.vector_load %arg11[%get3A_278, %get3A_279] {strides = array<i32>} : memref<200x128xf32, #tpu.memory_space<vmem>>, vector<1x16xf32>,
        %get3A_281 = vector.shape_cast %get3A_280 : vector<1x16xf32> to vector<16xf32>
        %add3A_282 = arith.constant 1 : i32
        %add3A_283 = arith.addi %scan3A_168, %add3A_282 : i32
        %get3A_284 = arith.index_cast %add3A_283 : i32 to index
        %get3A_285 = arith.constant 112 : index
        %get3A_286 = tpu.vector_load %arg13[%get3A_284, %get3A_285] {strides = array<i32>} : memref<208x128xf32, #tpu.memory_space<vmem>>, vector<1x16xf32>,
        %get3A_287 = vector.shape_cast %get3A_286 : vector<1x16xf32> to vector<16xf32>
        %mul3A_288 = arith.mulf %get3A_281, %scan3A_176 : vector<16xf32>
        %add3A_289 = arith.addf %add3A_275, %mul3A_288 : vector<16xf32>
        %mul3A_290 = arith.mulf %get3A_281, %get3A_287 : vector<16xf32>
        %add3A_291 = arith.addf %add3A_277, %mul3A_290 : vector<16xf32>
        %mul3A_292 = arith.constant 16 : i32
        %mul3A_293 = arith.muli %scan3A_168, %mul3A_292 : i32
        %swap3A = arith.index_cast %mul3A_293 : i32 to index
        %swap3A_294 = tpu.vector_load %arg15[%swap3A] {strides = array<i32>} : memref<3200xf32, #tpu.memory_space<vmem>>, vector<16xf32>,
        %swap3A_295 = vector.shape_cast %swap3A_294 : vector<16xf32> to vector<16xf32>
        %swap3A_296 = vector.shape_cast %add3A_291 : vector<16xf32> to vector<16xf32>
        tpu.vector_store %arg15[%swap3A], %swap3A_296 {strides = array<i32>} : memref<3200xf32, #tpu.memory_space<vmem>>, vector<16xf32>,
        %mul3A_297 = arith.constant 16 : i32
        %mul3A_298 = arith.muli %scan3A_168, %mul3A_297 : i32
        %swap3A_299 = arith.index_cast %mul3A_298 : i32 to index
        %swap3A_300 = tpu.vector_load %arg16[%swap3A_299] {strides = array<i32>} : memref<3200xf32, #tpu.memory_space<vmem>>, vector<16xf32>,
        %swap3A_301 = vector.shape_cast %swap3A_300 : vector<16xf32> to vector<16xf32>
        %swap3A_302 = vector.shape_cast %add3A_289 : vector<16xf32> to vector<16xf32>
        tpu.vector_store %arg16[%swap3A_299], %swap3A_302 {strides = array<i32>} : memref<3200xf32, #tpu.memory_space<vmem>>, vector<16xf32>,
        %scan3A_303 = arith.constant 1 : i32
        %scan3A_304 = arith.addi %scan3A_168, %scan3A_303 : i32
        %broadcast_in_dim3A_305 = arith.constant 0.000000e+00 : f32
        %broadcast_in_dim3A_306 = vector.broadcast %broadcast_in_dim3A_305 : f32 to vector<16xf32>
        %broadcast_in_dim3A_307 = arith.constant 0.000000e+00 : f32
        %broadcast_in_dim3A_308 = vector.broadcast %broadcast_in_dim3A_307 : f32 to vector<16xf32>
        %get3A_309 = arith.index_cast %scan3A_304 : i32 to index
        %get3A_310 = arith.constant 0 : index
        %get3A_311 = tpu.vector_load %arg11[%get3A_309, %get3A_310] {strides = array<i32>} : memref<200x128xf32, #tpu.memory_space<vmem>>, vector<1x16xf32>,
        %get3A_312 = vector.shape_cast %get3A_311 : vector<1x16xf32> to vector<16xf32>
        %add3A_313 = arith.constant 1 : i32
        %add3A_314 = arith.addi %scan3A_304, %add3A_313 : i32
        %get3A_315 = arith.index_cast %add3A_314 : i32 to index
        %get3A_316 = arith.constant 0 : index
        %get3A_317 = tpu.vector_load %arg13[%get3A_315, %get3A_316] {strides = array<i32>} : memref<208x128xf32, #tpu.memory_space<vmem>>, vector<1x16xf32>,
        %get3A_318 = vector.shape_cast %get3A_317 : vector<1x16xf32> to vector<16xf32>
        %mul3A_319 = arith.mulf %get3A_312, %get3A_189 : vector<16xf32>
        %add3A_320 = arith.addf %broadcast_in_dim3A_308, %mul3A_319 : vector<16xf32>
        %mul3A_321 = arith.mulf %get3A_312, %get3A_318 : vector<16xf32>
        %add3A_322 = arith.addf %broadcast_in_dim3A_306, %mul3A_321 : vector<16xf32>
        %get3A_323 = arith.index_cast %scan3A_304 : i32 to index
        %get3A_324 = arith.constant 16 : index
        %get3A_325 = tpu.vector_load %arg11[%get3A_323, %get3A_324] {strides = array<i32>} : memref<200x128xf32, #tpu.memory_space<vmem>>, vector<1x16xf32>,
        %get3A_326 = vector.shape_cast %get3A_325 : vector<1x16xf32> to vector<16xf32>
        %add3A_327 = arith.constant 1 : i32
        %add3A_328 = arith.addi %scan3A_304, %add3A_327 : i32
        %get3A_329 = arith.index_cast %add3A_328 : i32 to index
        %get3A_330 = arith.constant 16 : index
        %get3A_331 = tpu.vector_load %arg13[%get3A_329, %get3A_330] {strides = array<i32>} : memref<208x128xf32, #tpu.memory_space<vmem>>, vector<1x16xf32>,
        %get3A_332 = vector.shape_cast %get3A_331 : vector<1x16xf32> to vector<16xf32>
        %mul3A_333 = arith.mulf %get3A_326, %get3A_203 : vector<16xf32>
        %add3A_334 = arith.addf %add3A_320, %mul3A_333 : vector<16xf32>
        %mul3A_335 = arith.mulf %get3A_326, %get3A_332 : vector<16xf32>
        %add3A_336 = arith.addf %add3A_322, %mul3A_335 : vector<16xf32>
        %get3A_337 = arith.index_cast %scan3A_304 : i32 to index
        %get3A_338 = arith.constant 32 : index
        %get3A_339 = tpu.vector_load %arg11[%get3A_337, %get3A_338] {strides = array<i32>} : memref<200x128xf32, #tpu.memory_space<vmem>>, vector<1x16xf32>,
        %get3A_340 = vector.shape_cast %get3A_339 : vector<1x16xf32> to vector<16xf32>
        %add3A_341 = arith.constant 1 : i32
        %add3A_342 = arith.addi %scan3A_304, %add3A_341 : i32
        %get3A_343 = arith.index_cast %add3A_342 : i32 to index
        %get3A_344 = arith.constant 32 : index
        %get3A_345 = tpu.vector_load %arg13[%get3A_343, %get3A_344] {strides = array<i32>} : memref<208x128xf32, #tpu.memory_space<vmem>>, vector<1x16xf32>,
        %get3A_346 = vector.shape_cast %get3A_345 : vector<1x16xf32> to vector<16xf32>
        %mul3A_347 = arith.mulf %get3A_340, %get3A_217 : vector<16xf32>
        %add3A_348 = arith.addf %add3A_334, %mul3A_347 : vector<16xf32>
        %mul3A_349 = arith.mulf %get3A_340, %get3A_346 : vector<16xf32>
        %add3A_350 = arith.addf %add3A_336, %mul3A_349 : vector<16xf32>
        %get3A_351 = arith.index_cast %scan3A_304 : i32 to index
        %get3A_352 = arith.constant 48 : index
        %get3A_353 = tpu.vector_load %arg11[%get3A_351, %get3A_352] {strides = array<i32>} : memref<200x128xf32, #tpu.memory_space<vmem>>, vector<1x16xf32>,
        %get3A_354 = vector.shape_cast %get3A_353 : vector<1x16xf32> to vector<16xf32>
        %add3A_355 = arith.constant 1 : i32
        %add3A_356 = arith.addi %scan3A_304, %add3A_355 : i32
        %get3A_357 = arith.index_cast %add3A_356 : i32 to index
        %get3A_358 = arith.constant 48 : index
        %get3A_359 = tpu.vector_load %arg13[%get3A_357, %get3A_358] {strides = array<i32>} : memref<208x128xf32, #tpu.memory_space<vmem>>, vector<1x16xf32>,
        %get3A_360 = vector.shape_cast %get3A_359 : vector<1x16xf32> to vector<16xf32>
        %mul3A_361 = arith.mulf %get3A_354, %get3A_231 : vector<16xf32>
        %add3A_362 = arith.addf %add3A_348, %mul3A_361 : vector<16xf32>
        %mul3A_363 = arith.mulf %get3A_354, %get3A_360 : vector<16xf32>
        %add3A_364 = arith.addf %add3A_350, %mul3A_363 : vector<16xf32>
        %get3A_365 = arith.index_cast %scan3A_304 : i32 to index
        %get3A_366 = arith.constant 64 : index
        %get3A_367 = tpu.vector_load %arg11[%get3A_365, %get3A_366] {strides = array<i32>} : memref<200x128xf32, #tpu.memory_space<vmem>>, vector<1x16xf32>,
        %get3A_368 = vector.shape_cast %get3A_367 : vector<1x16xf32> to vector<16xf32>
        %add3A_369 = arith.constant 1 : i32
        %add3A_370 = arith.addi %scan3A_304, %add3A_369 : i32
        %get3A_371 = arith.index_cast %add3A_370 : i32 to index
        %get3A_372 = arith.constant 64 : index
        %get3A_373 = tpu.vector_load %arg13[%get3A_371, %get3A_372] {strides = array<i32>} : memref<208x128xf32, #tpu.memory_space<vmem>>, vector<1x16xf32>,
        %get3A_374 = vector.shape_cast %get3A_373 : vector<1x16xf32> to vector<16xf32>
        %mul3A_375 = arith.mulf %get3A_368, %get3A_245 : vector<16xf32>
        %add3A_376 = arith.addf %add3A_362, %mul3A_375 : vector<16xf32>
        %mul3A_377 = arith.mulf %get3A_368, %get3A_374 : vector<16xf32>
        %add3A_378 = arith.addf %add3A_364, %mul3A_377 : vector<16xf32>
        %get3A_379 = arith.index_cast %scan3A_304 : i32 to index
        %get3A_380 = arith.constant 80 : index
        %get3A_381 = tpu.vector_load %arg11[%get3A_379, %get3A_380] {strides = array<i32>} : memref<200x128xf32, #tpu.memory_space<vmem>>, vector<1x16xf32>,
        %get3A_382 = vector.shape_cast %get3A_381 : vector<1x16xf32> to vector<16xf32>
        %add3A_383 = arith.constant 1 : i32
        %add3A_384 = arith.addi %scan3A_304, %add3A_383 : i32
        %get3A_385 = arith.index_cast %add3A_384 : i32 to index
        %get3A_386 = arith.constant 80 : index
        %get3A_387 = tpu.vector_load %arg13[%get3A_385, %get3A_386] {strides = array<i32>} : memref<208x128xf32, #tpu.memory_space<vmem>>, vector<1x16xf32>,
        %get3A_388 = vector.shape_cast %get3A_387 : vector<1x16xf32> to vector<16xf32>
        %mul3A_389 = arith.mulf %get3A_382, %get3A_259 : vector<16xf32>
        %add3A_390 = arith.addf %add3A_376, %mul3A_389 : vector<16xf32>
        %mul3A_391 = arith.mulf %get3A_382, %get3A_388 : vector<16xf32>
        %add3A_392 = arith.addf %add3A_378, %mul3A_391 : vector<16xf32>
        %get3A_393 = arith.index_cast %scan3A_304 : i32 to index
        %get3A_394 = arith.constant 96 : index
        %get3A_395 = tpu.vector_load %arg11[%get3A_393, %get3A_394] {strides = array<i32>} : memref<200x128xf32, #tpu.memory_space<vmem>>, vector<1x16xf32>,
        %get3A_396 = vector.shape_cast %get3A_395 : vector<1x16xf32> to vector<16xf32>
        %add3A_397 = arith.constant 1 : i32
        %add3A_398 = arith.addi %scan3A_304, %add3A_397 : i32
        %get3A_399 = arith.index_cast %add3A_398 : i32 to index
        %get3A_400 = arith.constant 96 : index
        %get3A_401 = tpu.vector_load %arg13[%get3A_399, %get3A_400] {strides = array<i32>} : memref<208x128xf32, #tpu.memory_space<vmem>>, vector<1x16xf32>,
        %get3A_402 = vector.shape_cast %get3A_401 : vector<1x16xf32> to vector<16xf32>
        %mul3A_403 = arith.mulf %get3A_396, %get3A_273 : vector<16xf32>
        %add3A_404 = arith.addf %add3A_390, %mul3A_403 : vector<16xf32>
        %mul3A_405 = arith.mulf %get3A_396, %get3A_402 : vector<16xf32>
        %add3A_406 = arith.addf %add3A_392, %mul3A_405 : vector<16xf32>
        %get3A_407 = arith.index_cast %scan3A_304 : i32 to index
        %get3A_408 = arith.constant 112 : index
        %get3A_409 = tpu.vector_load %arg11[%get3A_407, %get3A_408] {strides = array<i32>} : memref<200x128xf32, #tpu.memory_space<vmem>>, vector<1x16xf32>,
        %get3A_410 = vector.shape_cast %get3A_409 : vector<1x16xf32> to vector<16xf32>
        %add3A_411 = arith.constant 1 : i32
        %add3A_412 = arith.addi %scan3A_304, %add3A_411 : i32
        %get3A_413 = arith.index_cast %add3A_412 : i32 to index
        %get3A_414 = arith.constant 112 : index
        %get3A_415 = tpu.vector_load %arg13[%get3A_413, %get3A_414] {strides = array<i32>} : memref<208x128xf32, #tpu.memory_space<vmem>>, vector<1x16xf32>,
        %get3A_416 = vector.shape_cast %get3A_415 : vector<1x16xf32> to vector<16xf32>
        %mul3A_417 = arith.mulf %get3A_410, %get3A_287 : vector<16xf32>
        %add3A_418 = arith.addf %add3A_404, %mul3A_417 : vector<16xf32>
        %mul3A_419 = arith.mulf %get3A_410, %get3A_416 : vector<16xf32>
        %add3A_420 = arith.addf %add3A_406, %mul3A_419 : vector<16xf32>
        %mul3A_421 = arith.constant 16 : i32
        %mul3A_422 = arith.muli %scan3A_304, %mul3A_421 : i32
        %swap3A_423 = arith.index_cast %mul3A_422 : i32 to index
        %swap3A_424 = tpu.vector_load %arg15[%swap3A_423] {strides = array<i32>} : memref<3200xf32, #tpu.memory_space<vmem>>, vector<16xf32>,
        %swap3A_425 = vector.shape_cast %swap3A_424 : vector<16xf32> to vector<16xf32>
        %swap3A_426 = vector.shape_cast %add3A_420 : vector<16xf32> to vector<16xf32>
        tpu.vector_store %arg15[%swap3A_423], %swap3A_426 {strides = array<i32>} : memref<3200xf32, #tpu.memory_space<vmem>>, vector<16xf32>,
        %mul3A_427 = arith.constant 16 : i32
        %mul3A_428 = arith.muli %scan3A_304, %mul3A_427 : i32
        %swap3A_429 = arith.index_cast %mul3A_428 : i32 to index
        %swap3A_430 = tpu.vector_load %arg16[%swap3A_429] {strides = array<i32>} : memref<3200xf32, #tpu.memory_space<vmem>>, vector<16xf32>,
        %swap3A_431 = vector.shape_cast %swap3A_430 : vector<16xf32> to vector<16xf32>
        %swap3A_432 = vector.shape_cast %add3A_418 : vector<16xf32> to vector<16xf32>
        tpu.vector_store %arg16[%swap3A_429], %swap3A_432 {strides = array<i32>} : memref<3200xf32, #tpu.memory_space<vmem>>, vector<16xf32>,
        %scan3A_433 = arith.constant 2 : i32
        %scan3A_434 = arith.addi %scan3A_168, %scan3A_433 : i32
        %broadcast_in_dim3A_435 = arith.constant 0.000000e+00 : f32
        %broadcast_in_dim3A_436 = vector.broadcast %broadcast_in_dim3A_435 : f32 to vector<16xf32>
        %broadcast_in_dim3A_437 = arith.constant 0.000000e+00 : f32
        %broadcast_in_dim3A_438 = vector.broadcast %broadcast_in_dim3A_437 : f32 to vector<16xf32>
        %get3A_439 = arith.index_cast %scan3A_434 : i32 to index
        %get3A_440 = arith.constant 0 : index
        %get3A_441 = tpu.vector_load %arg11[%get3A_439, %get3A_440] {strides = array<i32>} : memref<200x128xf32, #tpu.memory_space<vmem>>, vector<1x16xf32>,
        %get3A_442 = vector.shape_cast %get3A_441 : vector<1x16xf32> to vector<16xf32>
        %add3A_443 = arith.constant 1 : i32
        %add3A_444 = arith.addi %scan3A_434, %add3A_443 : i32
        %get3A_445 = arith.index_cast %add3A_444 : i32 to index
        %get3A_446 = arith.constant 0 : index
        %get3A_447 = tpu.vector_load %arg13[%get3A_445, %get3A_446] {strides = array<i32>} : memref<208x128xf32, #tpu.memory_space<vmem>>, vector<1x16xf32>,
        %get3A_448 = vector.shape_cast %get3A_447 : vector<1x16xf32> to vector<16xf32>
        %mul3A_449 = arith.mulf %get3A_442, %get3A_318 : vector<16xf32>
        %add3A_450 = arith.addf %broadcast_in_dim3A_438, %mul3A_449 : vector<16xf32>
        %mul3A_451 = arith.mulf %get3A_442, %get3A_448 : vector<16xf32>
        %add3A_452 = arith.addf %broadcast_in_dim3A_436, %mul3A_451 : vector<16xf32>
        %get3A_453 = arith.index_cast %scan3A_434 : i32 to index
        %get3A_454 = arith.constant 16 : index
        %get3A_455 = tpu.vector_load %arg11[%get3A_453, %get3A_454] {strides = array<i32>} : memref<200x128xf32, #tpu.memory_space<vmem>>, vector<1x16xf32>,
        %get3A_456 = vector.shape_cast %get3A_455 : vector<1x16xf32> to vector<16xf32>
        %add3A_457 = arith.constant 1 : i32
        %add3A_458 = arith.addi %scan3A_434, %add3A_457 : i32
        %get3A_459 = arith.index_cast %add3A_458 : i32 to index
        %get3A_460 = arith.constant 16 : index
        %get3A_461 = tpu.vector_load %arg13[%get3A_459, %get3A_460] {strides = array<i32>} : memref<208x128xf32, #tpu.memory_space<vmem>>, vector<1x16xf32>,
        %get3A_462 = vector.shape_cast %get3A_461 : vector<1x16xf32> to vector<16xf32>
        %mul3A_463 = arith.mulf %get3A_456, %get3A_332 : vector<16xf32>
        %add3A_464 = arith.addf %add3A_450, %mul3A_463 : vector<16xf32>
        %mul3A_465 = arith.mulf %get3A_456, %get3A_462 : vector<16xf32>
        %add3A_466 = arith.addf %add3A_452, %mul3A_465 : vector<16xf32>
        %get3A_467 = arith.index_cast %scan3A_434 : i32 to index
        %get3A_468 = arith.constant 32 : index
        %get3A_469 = tpu.vector_load %arg11[%get3A_467, %get3A_468] {strides = array<i32>} : memref<200x128xf32, #tpu.memory_space<vmem>>, vector<1x16xf32>,
        %get3A_470 = vector.shape_cast %get3A_469 : vector<1x16xf32> to vector<16xf32>
        %add3A_471 = arith.constant 1 : i32
        %add3A_472 = arith.addi %scan3A_434, %add3A_471 : i32
        %get3A_473 = arith.index_cast %add3A_472 : i32 to index
        %get3A_474 = arith.constant 32 : index
        %get3A_475 = tpu.vector_load %arg13[%get3A_473, %get3A_474] {strides = array<i32>} : memref<208x128xf32, #tpu.memory_space<vmem>>, vector<1x16xf32>,
        %get3A_476 = vector.shape_cast %get3A_475 : vector<1x16xf32> to vector<16xf32>
        %mul3A_477 = arith.mulf %get3A_470, %get3A_346 : vector<16xf32>
        %add3A_478 = arith.addf %add3A_464, %mul3A_477 : vector<16xf32>
        %mul3A_479 = arith.mulf %get3A_470, %get3A_476 : vector<16xf32>
        %add3A_480 = arith.addf %add3A_466, %mul3A_479 : vector<16xf32>
        %get3A_481 = arith.index_cast %scan3A_434 : i32 to index
        %get3A_482 = arith.constant 48 : index
        %get3A_483 = tpu.vector_load %arg11[%get3A_481, %get3A_482] {strides = array<i32>} : memref<200x128xf32, #tpu.memory_space<vmem>>, vector<1x16xf32>,
        %get3A_484 = vector.shape_cast %get3A_483 : vector<1x16xf32> to vector<16xf32>
        %add3A_485 = arith.constant 1 : i32
        %add3A_486 = arith.addi %scan3A_434, %add3A_485 : i32
        %get3A_487 = arith.index_cast %add3A_486 : i32 to index
        %get3A_488 = arith.constant 48 : index
        %get3A_489 = tpu.vector_load %arg13[%get3A_487, %get3A_488] {strides = array<i32>} : memref<208x128xf32, #tpu.memory_space<vmem>>, vector<1x16xf32>,
        %get3A_490 = vector.shape_cast %get3A_489 : vector<1x16xf32> to vector<16xf32>
        %mul3A_491 = arith.mulf %get3A_484, %get3A_360 : vector<16xf32>
        %add3A_492 = arith.addf %add3A_478, %mul3A_491 : vector<16xf32>
        %mul3A_493 = arith.mulf %get3A_484, %get3A_490 : vector<16xf32>
        %add3A_494 = arith.addf %add3A_480, %mul3A_493 : vector<16xf32>
        %get3A_495 = arith.index_cast %scan3A_434 : i32 to index
        %get3A_496 = arith.constant 64 : index
        %get3A_497 = tpu.vector_load %arg11[%get3A_495, %get3A_496] {strides = array<i32>} : memref<200x128xf32, #tpu.memory_space<vmem>>, vector<1x16xf32>,
        %get3A_498 = vector.shape_cast %get3A_497 : vector<1x16xf32> to vector<16xf32>
        %add3A_499 = arith.constant 1 : i32
        %add3A_500 = arith.addi %scan3A_434, %add3A_499 : i32
        %get3A_501 = arith.index_cast %add3A_500 : i32 to index
        %get3A_502 = arith.constant 64 : index
        %get3A_503 = tpu.vector_load %arg13[%get3A_501, %get3A_502] {strides = array<i32>} : memref<208x128xf32, #tpu.memory_space<vmem>>, vector<1x16xf32>,
        %get3A_504 = vector.shape_cast %get3A_503 : vector<1x16xf32> to vector<16xf32>
        %mul3A_505 = arith.mulf %get3A_498, %get3A_374 : vector<16xf32>
        %add3A_506 = arith.addf %add3A_492, %mul3A_505 : vector<16xf32>
        %mul3A_507 = arith.mulf %get3A_498, %get3A_504 : vector<16xf32>
        %add3A_508 = arith.addf %add3A_494, %mul3A_507 : vector<16xf32>
        %get3A_509 = arith.index_cast %scan3A_434 : i32 to index
        %get3A_510 = arith.constant 80 : index
        %get3A_511 = tpu.vector_load %arg11[%get3A_509, %get3A_510] {strides = array<i32>} : memref<200x128xf32, #tpu.memory_space<vmem>>, vector<1x16xf32>,
        %get3A_512 = vector.shape_cast %get3A_511 : vector<1x16xf32> to vector<16xf32>
        %add3A_513 = arith.constant 1 : i32
        %add3A_514 = arith.addi %scan3A_434, %add3A_513 : i32
        %get3A_515 = arith.index_cast %add3A_514 : i32 to index
        %get3A_516 = arith.constant 80 : index
        %get3A_517 = tpu.vector_load %arg13[%get3A_515, %get3A_516] {strides = array<i32>} : memref<208x128xf32, #tpu.memory_space<vmem>>, vector<1x16xf32>,
        %get3A_518 = vector.shape_cast %get3A_517 : vector<1x16xf32> to vector<16xf32>
        %mul3A_519 = arith.mulf %get3A_512, %get3A_388 : vector<16xf32>
        %add3A_520 = arith.addf %add3A_506, %mul3A_519 : vector<16xf32>
        %mul3A_521 = arith.mulf %get3A_512, %get3A_518 : vector<16xf32>
        %add3A_522 = arith.addf %add3A_508, %mul3A_521 : vector<16xf32>
        %get3A_523 = arith.index_cast %scan3A_434 : i32 to index
        %get3A_524 = arith.constant 96 : index
        %get3A_525 = tpu.vector_load %arg11[%get3A_523, %get3A_524] {strides = array<i32>} : memref<200x128xf32, #tpu.memory_space<vmem>>, vector<1x16xf32>,
        %get3A_526 = vector.shape_cast %get3A_525 : vector<1x16xf32> to vector<16xf32>
        %add3A_527 = arith.constant 1 : i32
        %add3A_528 = arith.addi %scan3A_434, %add3A_527 : i32
        %get3A_529 = arith.index_cast %add3A_528 : i32 to index
        %get3A_530 = arith.constant 96 : index
        %get3A_531 = tpu.vector_load %arg13[%get3A_529, %get3A_530] {strides = array<i32>} : memref<208x128xf32, #tpu.memory_space<vmem>>, vector<1x16xf32>,
        %get3A_532 = vector.shape_cast %get3A_531 : vector<1x16xf32> to vector<16xf32>
        %mul3A_533 = arith.mulf %get3A_526, %get3A_402 : vector<16xf32>
        %add3A_534 = arith.addf %add3A_520, %mul3A_533 : vector<16xf32>
        %mul3A_535 = arith.mulf %get3A_526, %get3A_532 : vector<16xf32>
        %add3A_536 = arith.addf %add3A_522, %mul3A_535 : vector<16xf32>
        %get3A_537 = arith.index_cast %scan3A_434 : i32 to index
        %get3A_538 = arith.constant 112 : index
        %get3A_539 = tpu.vector_load %arg11[%get3A_537, %get3A_538] {strides = array<i32>} : memref<200x128xf32, #tpu.memory_space<vmem>>, vector<1x16xf32>,
        %get3A_540 = vector.shape_cast %get3A_539 : vector<1x16xf32> to vector<16xf32>
        %add3A_541 = arith.constant 1 : i32
        %add3A_542 = arith.addi %scan3A_434, %add3A_541 : i32
        %get3A_543 = arith.index_cast %add3A_542 : i32 to index
        %get3A_544 = arith.constant 112 : index
        %get3A_545 = tpu.vector_load %arg13[%get3A_543, %get3A_544] {strides = array<i32>} : memref<208x128xf32, #tpu.memory_space<vmem>>, vector<1x16xf32>,
        %get3A_546 = vector.shape_cast %get3A_545 : vector<1x16xf32> to vector<16xf32>
        %mul3A_547 = arith.mulf %get3A_540, %get3A_416 : vector<16xf32>
        %add3A_548 = arith.addf %add3A_534, %mul3A_547 : vector<16xf32>
        %mul3A_549 = arith.mulf %get3A_540, %get3A_546 : vector<16xf32>
        %add3A_550 = arith.addf %add3A_536, %mul3A_549 : vector<16xf32>
        %mul3A_551 = arith.constant 16 : i32
        %mul3A_552 = arith.muli %scan3A_434, %mul3A_551 : i32
        %swap3A_553 = arith.index_cast %mul3A_552 : i32 to index
        %swap3A_554 = tpu.vector_load %arg15[%swap3A_553] {strides = array<i32>} : memref<3200xf32, #tpu.memory_space<vmem>>, vector<16xf32>,
        %swap3A_555 = vector.shape_cast %swap3A_554 : vector<16xf32> to vector<16xf32>
        %swap3A_556 = vector.shape_cast %add3A_550 : vector<16xf32> to vector<16xf32>
        tpu.vector_store %arg15[%swap3A_553], %swap3A_556 {strides = array<i32>} : memref<3200xf32, #tpu.memory_space<vmem>>, vector<16xf32>,
        %mul3A_557 = arith.constant 16 : i32
        %mul3A_558 = arith.muli %scan3A_434, %mul3A_557 : i32
        %swap3A_559 = arith.index_cast %mul3A_558 : i32 to index
        %swap3A_560 = tpu.vector_load %arg16[%swap3A_559] {strides = array<i32>} : memref<3200xf32, #tpu.memory_space<vmem>>, vector<16xf32>,
        %swap3A_561 = vector.shape_cast %swap3A_560 : vector<16xf32> to vector<16xf32>
        %swap3A_562 = vector.shape_cast %add3A_548 : vector<16xf32> to vector<16xf32>
        tpu.vector_store %arg16[%swap3A_559], %swap3A_562 {strides = array<i32>} : memref<3200xf32, #tpu.memory_space<vmem>>, vector<16xf32>,
        %scan3A_563 = arith.constant 3 : i32
        %scan3A_564 = arith.addi %scan3A_168, %scan3A_563 : i32
        %broadcast_in_dim3A_565 = arith.constant 0.000000e+00 : f32
        %broadcast_in_dim3A_566 = vector.broadcast %broadcast_in_dim3A_565 : f32 to vector<16xf32>
        %broadcast_in_dim3A_567 = arith.constant 0.000000e+00 : f32
        %broadcast_in_dim3A_568 = vector.broadcast %broadcast_in_dim3A_567 : f32 to vector<16xf32>
        %get3A_569 = arith.index_cast %scan3A_564 : i32 to index
        %get3A_570 = arith.constant 0 : index
        %get3A_571 = tpu.vector_load %arg11[%get3A_569, %get3A_570] {strides = array<i32>} : memref<200x128xf32, #tpu.memory_space<vmem>>, vector<1x16xf32>,
        %get3A_572 = vector.shape_cast %get3A_571 : vector<1x16xf32> to vector<16xf32>
        %add3A_573 = arith.constant 1 : i32
        %add3A_574 = arith.addi %scan3A_564, %add3A_573 : i32
        %get3A_575 = arith.index_cast %add3A_574 : i32 to index
        %get3A_576 = arith.constant 0 : index
        %get3A_577 = tpu.vector_load %arg13[%get3A_575, %get3A_576] {strides = array<i32>} : memref<208x128xf32, #tpu.memory_space<vmem>>, vector<1x16xf32>,
        %get3A_578 = vector.shape_cast %get3A_577 : vector<1x16xf32> to vector<16xf32>
        %mul3A_579 = arith.mulf %get3A_572, %get3A_448 : vector<16xf32>
        %add3A_580 = arith.addf %broadcast_in_dim3A_568, %mul3A_579 : vector<16xf32>
        %mul3A_581 = arith.mulf %get3A_572, %get3A_578 : vector<16xf32>
        %add3A_582 = arith.addf %broadcast_in_dim3A_566, %mul3A_581 : vector<16xf32>
        %get3A_583 = arith.index_cast %scan3A_564 : i32 to index
        %get3A_584 = arith.constant 16 : index
        %get3A_585 = tpu.vector_load %arg11[%get3A_583, %get3A_584] {strides = array<i32>} : memref<200x128xf32, #tpu.memory_space<vmem>>, vector<1x16xf32>,
        %get3A_586 = vector.shape_cast %get3A_585 : vector<1x16xf32> to vector<16xf32>
        %add3A_587 = arith.constant 1 : i32
        %add3A_588 = arith.addi %scan3A_564, %add3A_587 : i32
        %get3A_589 = arith.index_cast %add3A_588 : i32 to index
        %get3A_590 = arith.constant 16 : index
        %get3A_591 = tpu.vector_load %arg13[%get3A_589, %get3A_590] {strides = array<i32>} : memref<208x128xf32, #tpu.memory_space<vmem>>, vector<1x16xf32>,
        %get3A_592 = vector.shape_cast %get3A_591 : vector<1x16xf32> to vector<16xf32>
        %mul3A_593 = arith.mulf %get3A_586, %get3A_462 : vector<16xf32>
        %add3A_594 = arith.addf %add3A_580, %mul3A_593 : vector<16xf32>
        %mul3A_595 = arith.mulf %get3A_586, %get3A_592 : vector<16xf32>
        %add3A_596 = arith.addf %add3A_582, %mul3A_595 : vector<16xf32>
        %get3A_597 = arith.index_cast %scan3A_564 : i32 to index
        %get3A_598 = arith.constant 32 : index
        %get3A_599 = tpu.vector_load %arg11[%get3A_597, %get3A_598] {strides = array<i32>} : memref<200x128xf32, #tpu.memory_space<vmem>>, vector<1x16xf32>,
        %get3A_600 = vector.shape_cast %get3A_599 : vector<1x16xf32> to vector<16xf32>
        %add3A_601 = arith.constant 1 : i32
        %add3A_602 = arith.addi %scan3A_564, %add3A_601 : i32
        %get3A_603 = arith.index_cast %add3A_602 : i32 to index
        %get3A_604 = arith.constant 32 : index
        %get3A_605 = tpu.vector_load %arg13[%get3A_603, %get3A_604] {strides = array<i32>} : memref<208x128xf32, #tpu.memory_space<vmem>>, vector<1x16xf32>,
        %get3A_606 = vector.shape_cast %get3A_605 : vector<1x16xf32> to vector<16xf32>
        %mul3A_607 = arith.mulf %get3A_600, %get3A_476 : vector<16xf32>
        %add3A_608 = arith.addf %add3A_594, %mul3A_607 : vector<16xf32>
        %mul3A_609 = arith.mulf %get3A_600, %get3A_606 : vector<16xf32>
        %add3A_610 = arith.addf %add3A_596, %mul3A_609 : vector<16xf32>
        %get3A_611 = arith.index_cast %scan3A_564 : i32 to index
        %get3A_612 = arith.constant 48 : index
        %get3A_613 = tpu.vector_load %arg11[%get3A_611, %get3A_612] {strides = array<i32>} : memref<200x128xf32, #tpu.memory_space<vmem>>, vector<1x16xf32>,
        %get3A_614 = vector.shape_cast %get3A_613 : vector<1x16xf32> to vector<16xf32>
        %add3A_615 = arith.constant 1 : i32
        %add3A_616 = arith.addi %scan3A_564, %add3A_615 : i32
        %get3A_617 = arith.index_cast %add3A_616 : i32 to index
        %get3A_618 = arith.constant 48 : index
        %get3A_619 = tpu.vector_load %arg13[%get3A_617, %get3A_618] {strides = array<i32>} : memref<208x128xf32, #tpu.memory_space<vmem>>, vector<1x16xf32>,
        %get3A_620 = vector.shape_cast %get3A_619 : vector<1x16xf32> to vector<16xf32>
        %mul3A_621 = arith.mulf %get3A_614, %get3A_490 : vector<16xf32>
        %add3A_622 = arith.addf %add3A_608, %mul3A_621 : vector<16xf32>
        %mul3A_623 = arith.mulf %get3A_614, %get3A_620 : vector<16xf32>
        %add3A_624 = arith.addf %add3A_610, %mul3A_623 : vector<16xf32>
        %get3A_625 = arith.index_cast %scan3A_564 : i32 to index
        %get3A_626 = arith.constant 64 : index
        %get3A_627 = tpu.vector_load %arg11[%get3A_625, %get3A_626] {strides = array<i32>} : memref<200x128xf32, #tpu.memory_space<vmem>>, vector<1x16xf32>,
        %get3A_628 = vector.shape_cast %get3A_627 : vector<1x16xf32> to vector<16xf32>
        %add3A_629 = arith.constant 1 : i32
        %add3A_630 = arith.addi %scan3A_564, %add3A_629 : i32
        %get3A_631 = arith.index_cast %add3A_630 : i32 to index
        %get3A_632 = arith.constant 64 : index
        %get3A_633 = tpu.vector_load %arg13[%get3A_631, %get3A_632] {strides = array<i32>} : memref<208x128xf32, #tpu.memory_space<vmem>>, vector<1x16xf32>,
        %get3A_634 = vector.shape_cast %get3A_633 : vector<1x16xf32> to vector<16xf32>
        %mul3A_635 = arith.mulf %get3A_628, %get3A_504 : vector<16xf32>
        %add3A_636 = arith.addf %add3A_622, %mul3A_635 : vector<16xf32>
        %mul3A_637 = arith.mulf %get3A_628, %get3A_634 : vector<16xf32>
        %add3A_638 = arith.addf %add3A_624, %mul3A_637 : vector<16xf32>
        %get3A_639 = arith.index_cast %scan3A_564 : i32 to index
        %get3A_640 = arith.constant 80 : index
        %get3A_641 = tpu.vector_load %arg11[%get3A_639, %get3A_640] {strides = array<i32>} : memref<200x128xf32, #tpu.memory_space<vmem>>, vector<1x16xf32>,
        %get3A_642 = vector.shape_cast %get3A_641 : vector<1x16xf32> to vector<16xf32>
        %add3A_643 = arith.constant 1 : i32
        %add3A_644 = arith.addi %scan3A_564, %add3A_643 : i32
        %get3A_645 = arith.index_cast %add3A_644 : i32 to index
        %get3A_646 = arith.constant 80 : index
        %get3A_647 = tpu.vector_load %arg13[%get3A_645, %get3A_646] {strides = array<i32>} : memref<208x128xf32, #tpu.memory_space<vmem>>, vector<1x16xf32>,
        %get3A_648 = vector.shape_cast %get3A_647 : vector<1x16xf32> to vector<16xf32>
        %mul3A_649 = arith.mulf %get3A_642, %get3A_518 : vector<16xf32>
        %add3A_650 = arith.addf %add3A_636, %mul3A_649 : vector<16xf32>
        %mul3A_651 = arith.mulf %get3A_642, %get3A_648 : vector<16xf32>
        %add3A_652 = arith.addf %add3A_638, %mul3A_651 : vector<16xf32>
        %get3A_653 = arith.index_cast %scan3A_564 : i32 to index
        %get3A_654 = arith.constant 96 : index
        %get3A_655 = tpu.vector_load %arg11[%get3A_653, %get3A_654] {strides = array<i32>} : memref<200x128xf32, #tpu.memory_space<vmem>>, vector<1x16xf32>,
        %get3A_656 = vector.shape_cast %get3A_655 : vector<1x16xf32> to vector<16xf32>
        %add3A_657 = arith.constant 1 : i32
        %add3A_658 = arith.addi %scan3A_564, %add3A_657 : i32
        %get3A_659 = arith.index_cast %add3A_658 : i32 to index
        %get3A_660 = arith.constant 96 : index
        %get3A_661 = tpu.vector_load %arg13[%get3A_659, %get3A_660] {strides = array<i32>} : memref<208x128xf32, #tpu.memory_space<vmem>>, vector<1x16xf32>,
        %get3A_662 = vector.shape_cast %get3A_661 : vector<1x16xf32> to vector<16xf32>
        %mul3A_663 = arith.mulf %get3A_656, %get3A_532 : vector<16xf32>
        %add3A_664 = arith.addf %add3A_650, %mul3A_663 : vector<16xf32>
        %mul3A_665 = arith.mulf %get3A_656, %get3A_662 : vector<16xf32>
        %add3A_666 = arith.addf %add3A_652, %mul3A_665 : vector<16xf32>
        %get3A_667 = arith.index_cast %scan3A_564 : i32 to index
        %get3A_668 = arith.constant 112 : index
        %get3A_669 = tpu.vector_load %arg11[%get3A_667, %get3A_668] {strides = array<i32>} : memref<200x128xf32, #tpu.memory_space<vmem>>, vector<1x16xf32>,
        %get3A_670 = vector.shape_cast %get3A_669 : vector<1x16xf32> to vector<16xf32>
        %add3A_671 = arith.constant 1 : i32
        %add3A_672 = arith.addi %scan3A_564, %add3A_671 : i32
        %get3A_673 = arith.index_cast %add3A_672 : i32 to index
        %get3A_674 = arith.constant 112 : index
        %get3A_675 = tpu.vector_load %arg13[%get3A_673, %get3A_674] {strides = array<i32>} : memref<208x128xf32, #tpu.memory_space<vmem>>, vector<1x16xf32>,
        %get3A_676 = vector.shape_cast %get3A_675 : vector<1x16xf32> to vector<16xf32>
        %mul3A_677 = arith.mulf %get3A_670, %get3A_546 : vector<16xf32>
        %add3A_678 = arith.addf %add3A_664, %mul3A_677 : vector<16xf32>
        %mul3A_679 = arith.mulf %get3A_670, %get3A_676 : vector<16xf32>
        %add3A_680 = arith.addf %add3A_666, %mul3A_679 : vector<16xf32>
        %mul3A_681 = arith.constant 16 : i32
        %mul3A_682 = arith.muli %scan3A_564, %mul3A_681 : i32
        %swap3A_683 = arith.index_cast %mul3A_682 : i32 to index
        %swap3A_684 = tpu.vector_load %arg15[%swap3A_683] {strides = array<i32>} : memref<3200xf32, #tpu.memory_space<vmem>>, vector<16xf32>,
        %swap3A_685 = vector.shape_cast %swap3A_684 : vector<16xf32> to vector<16xf32>
        %swap3A_686 = vector.shape_cast %add3A_680 : vector<16xf32> to vector<16xf32>
        tpu.vector_store %arg15[%swap3A_683], %swap3A_686 {strides = array<i32>} : memref<3200xf32, #tpu.memory_space<vmem>>, vector<16xf32>,
        %mul3A_687 = arith.constant 16 : i32
        %mul3A_688 = arith.muli %scan3A_564, %mul3A_687 : i32
        %swap3A_689 = arith.index_cast %mul3A_688 : i32 to index
        %swap3A_690 = tpu.vector_load %arg16[%swap3A_689] {strides = array<i32>} : memref<3200xf32, #tpu.memory_space<vmem>>, vector<16xf32>,
        %swap3A_691 = vector.shape_cast %swap3A_690 : vector<16xf32> to vector<16xf32>
        %swap3A_692 = vector.shape_cast %add3A_678 : vector<16xf32> to vector<16xf32>
        tpu.vector_store %arg16[%swap3A_689], %swap3A_692 {strides = array<i32>} : memref<3200xf32, #tpu.memory_space<vmem>>, vector<16xf32>,
        scf.yield %get3A_578, %get3A_592, %get3A_606, %get3A_620, %get3A_634, %get3A_648, %get3A_662, %get3A_676 : vector<16xf32>, vector<16xf32>, vector<16xf32>, vector<16xf32>, vector<16xf32>, vector<16xf32>, vector<16xf32>, vector<16xf32>
      }
      %scan3A_89 = arith.constant 200 : i32
      %mul3A_90 = arith.constant 16 : i32
      %mul3A_91 = arith.muli %add3A_44, %mul3A_90 : i32
      "tpu.region"() ({
        %run_scoped3A = tpu.sem_alloc : memref<!tpu.dma_semaphore, #tpu.memory_space<semaphore_mem>>
        %dma_start3A_168 = tpu.memref_slice %arg5[%mul3A_91] : memref<5120000xf32, #tpu.memory_space<hbm>> -> memref<3200xf32, #tpu.memory_space<hbm>>
        %dma_start3A_169 = tpu.memref_slice %arg5[%mul3A_91] : memref<5120000xf32, #tpu.memory_space<hbm>> -> memref<3200xf32, #tpu.memory_space<hbm>>
        tpu.enqueue_dma source(%arg15 : memref<3200xf32, #tpu.memory_space<vmem>>) target(%dma_start3A_169 : memref<3200xf32, #tpu.memory_space<hbm>>) target_semaphore(%run_scoped3A : memref<!tpu.dma_semaphore, #tpu.memory_space<semaphore_mem>>)
        %dma_wait3A_170 = tpu.memref_slice %arg5[%mul3A_91] : memref<5120000xf32, #tpu.memory_space<hbm>> -> memref<3200xf32, #tpu.memory_space<hbm>>
        %dma_wait3A_171 = tpu.memref_slice %arg5[%mul3A_91] : memref<5120000xf32, #tpu.memory_space<hbm>> -> memref<3200xf32, #tpu.memory_space<hbm>>
        tpu.wait_dma2 semaphore(%run_scoped3A : memref<!tpu.dma_semaphore, #tpu.memory_space<semaphore_mem>>) src(%arg15 : memref<3200xf32, #tpu.memory_space<vmem>>) dst(%dma_wait3A_171 : memref<3200xf32, #tpu.memory_space<hbm>>)
        tpu.yield
      }) : () -> ()
      %mul3A_92 = arith.constant 16 : i32
      %mul3A_93 = arith.muli %add3A_44, %mul3A_92 : i32
      "tpu.region"() ({
        %run_scoped3A = tpu.sem_alloc : memref<!tpu.dma_semaphore, #tpu.memory_space<semaphore_mem>>
        %dma_start3A_168 = tpu.memref_slice %arg6[%mul3A_93] : memref<5120000xf32, #tpu.memory_space<hbm>> -> memref<3200xf32, #tpu.memory_space<hbm>>
        %dma_start3A_169 = tpu.memref_slice %arg6[%mul3A_93] : memref<5120000xf32, #tpu.memory_space<hbm>> -> memref<3200xf32, #tpu.memory_space<hbm>>
        tpu.enqueue_dma source(%arg16 : memref<3200xf32, #tpu.memory_space<vmem>>) target(%dma_start3A_169 : memref<3200xf32, #tpu.memory_space<hbm>>) target_semaphore(%run_scoped3A : memref<!tpu.dma_semaphore, #tpu.memory_space<semaphore_mem>>)
        %dma_wait3A_170 = tpu.memref_slice %arg6[%mul3A_93] : memref<5120000xf32, #tpu.memory_space<hbm>> -> memref<3200xf32, #tpu.memory_space<hbm>>
        %dma_wait3A_171 = tpu.memref_slice %arg6[%mul3A_93] : memref<5120000xf32, #tpu.memory_space<hbm>> -> memref<3200xf32, #tpu.memory_space<hbm>>
        tpu.wait_dma2 semaphore(%run_scoped3A : memref<!tpu.dma_semaphore, #tpu.memory_space<semaphore_mem>>) src(%arg16 : memref<3200xf32, #tpu.memory_space<vmem>>) dst(%dma_wait3A_171 : memref<3200xf32, #tpu.memory_space<hbm>>)
        tpu.yield
      }) : () -> ()
      %add3A_94 = arith.constant 2 : i32
      %add3A_95 = arith.addi %mul3A_24, %add3A_94 : i32
      %rem3A = arith.constant 50 : i32
      %rem3A_96 = arith.remsi %add3A_95, %rem3A : i32
      %mul3A_97 = arith.constant 200 : i32
      %mul3A_98 = arith.muli %rem3A_96, %mul3A_97 : i32
      %add3A_99 = arith.addi %mul3A_2, %mul3A_98 : i32
      "tpu.region"() ({
        %run_scoped3A = tpu.sem_alloc : memref<!tpu.dma_semaphore, #tpu.memory_space<semaphore_mem>>
        %dma_start3A_168 = tpu.memref_slice %arg3[%add3A_99] : memref<320000xi32, #tpu.memory_space<hbm>> -> memref<200xi32, #tpu.memory_space<hbm>>
        %dma_start3A_169 = tpu.memref_slice %arg3[%add3A_99] : memref<320000xi32, #tpu.memory_space<hbm>> -> memref<200xi32, #tpu.memory_space<hbm>>
        tpu.enqueue_dma source(%dma_start3A_169 : memref<200xi32, #tpu.memory_space<hbm>>) target(%arg7 : memref<200xi32, #tpu.memory_space<vmem>>) target_semaphore(%run_scoped3A : memref<!tpu.dma_semaphore, #tpu.memory_space<semaphore_mem>>)
        %dma_wait3A_170 = tpu.memref_slice %arg3[%add3A_99] : memref<320000xi32, #tpu.memory_space<hbm>> -> memref<200xi32, #tpu.memory_space<hbm>>
        %dma_wait3A_171 = tpu.memref_slice %arg3[%add3A_99] : memref<320000xi32, #tpu.memory_space<hbm>> -> memref<200xi32, #tpu.memory_space<hbm>>
        tpu.wait_dma2 semaphore(%run_scoped3A : memref<!tpu.dma_semaphore, #tpu.memory_space<semaphore_mem>>) src(%dma_wait3A_171 : memref<200xi32, #tpu.memory_space<hbm>>) dst(%arg7 : memref<200xi32, #tpu.memory_space<vmem>>)
        tpu.yield
      }) : () -> ()
      "tpu.region"() ({
        %run_scoped3A = tpu.sem_alloc : memref<!tpu.dma_semaphore, #tpu.memory_space<semaphore_mem>>
        %dma_start3A_168 = tpu.memref_slice %arg4[%add3A_99] : memref<320008xi32, #tpu.memory_space<hbm>> -> memref<208xi32, #tpu.memory_space<hbm>>
        %dma_start3A_169 = tpu.memref_slice %arg4[%add3A_99] : memref<320008xi32, #tpu.memory_space<hbm>> -> memref<208xi32, #tpu.memory_space<hbm>>
        tpu.enqueue_dma source(%dma_start3A_169 : memref<208xi32, #tpu.memory_space<hbm>>) target(%arg9 : memref<208xi32, #tpu.memory_space<vmem>>) target_semaphore(%run_scoped3A : memref<!tpu.dma_semaphore, #tpu.memory_space<semaphore_mem>>)
        %dma_wait3A_170 = tpu.memref_slice %arg4[%add3A_99] : memref<320008xi32, #tpu.memory_space<hbm>> -> memref<208xi32, #tpu.memory_space<hbm>>
        %dma_wait3A_171 = tpu.memref_slice %arg4[%add3A_99] : memref<320008xi32, #tpu.memory_space<hbm>> -> memref<208xi32, #tpu.memory_space<hbm>>
        tpu.wait_dma2 semaphore(%run_scoped3A : memref<!tpu.dma_semaphore, #tpu.memory_space<semaphore_mem>>) src(%dma_wait3A_171 : memref<208xi32, #tpu.memory_space<hbm>>) dst(%arg9 : memref<208xi32, #tpu.memory_space<vmem>>)
        tpu.yield
      }) : () -> ()
      %dma_start3A_100 = arith.constant 0 : i32
      %dma_start3A_101 = arith.constant 0 : i32
      %dma_start3A_102 = tpu.memref_slice %arg2[%dma_start3A_100, %dma_start3A_101] : memref<10000x128xf32, #tpu.memory_space<hbm>> -> memref<10000x128xf32, #tpu.memory_space<hbm>>
      tpu.enqueue_indirect_dma source(%dma_start3A_102 : memref<10000x128xf32, #tpu.memory_space<hbm>>) target(%arg11 : memref<200x128xf32, #tpu.memory_space<vmem>>) offsets(%arg7 : memref<200xi32, #tpu.memory_space<vmem>>) semaphore(%arg17 : memref<!tpu.dma_semaphore, #tpu.memory_space<semaphore_mem>>)
      %dma_start3A_103 = arith.constant 0 : i32
      %dma_start3A_104 = arith.constant 0 : i32
      %dma_start3A_105 = tpu.memref_slice %arg2[%dma_start3A_103, %dma_start3A_104] : memref<10000x128xf32, #tpu.memory_space<hbm>> -> memref<10000x128xf32, #tpu.memory_space<hbm>>
      tpu.enqueue_indirect_dma source(%dma_start3A_105 : memref<10000x128xf32, #tpu.memory_space<hbm>>) target(%arg13 : memref<208x128xf32, #tpu.memory_space<vmem>>) offsets(%arg9 : memref<208xi32, #tpu.memory_space<vmem>>) semaphore(%arg17 : memref<!tpu.dma_semaphore, #tpu.memory_space<semaphore_mem>>)
      %dma_wait3A_106 = arith.constant 0 : i32
      %dma_wait3A_107 = arith.constant 0 : i32
      %dma_wait3A_108 = tpu.memref_slice %arg2[%dma_wait3A_106, %dma_wait3A_107] : memref<10000x128xf32, #tpu.memory_space<hbm>> -> memref<10000x128xf32, #tpu.memory_space<hbm>>
      tpu.wait_indirect_dma semaphore(%arg18 : memref<!tpu.dma_semaphore, #tpu.memory_space<semaphore_mem>>) src(%dma_wait3A_108 : memref<10000x128xf32, #tpu.memory_space<hbm>>) dst(%arg12 : memref<200x128xf32, #tpu.memory_space<vmem>>)
      %dma_wait3A_109 = arith.constant 0 : i32
      %dma_wait3A_110 = arith.constant 0 : i32
      %dma_wait3A_111 = tpu.memref_slice %arg2[%dma_wait3A_109, %dma_wait3A_110] : memref<10000x128xf32, #tpu.memory_space<hbm>> -> memref<10000x128xf32, #tpu.memory_space<hbm>>
      tpu.wait_indirect_dma semaphore(%arg18 : memref<!tpu.dma_semaphore, #tpu.memory_space<semaphore_mem>>) src(%dma_wait3A_111 : memref<10000x128xf32, #tpu.memory_space<hbm>>) dst(%arg14 : memref<208x128xf32, #tpu.memory_space<vmem>>)
      %add3A_112 = arith.constant 1 : i32
      %add3A_113 = arith.addi %mul3A_24, %add3A_112 : i32
      %mul3A_114 = arith.constant 200 : i32
      %mul3A_115 = arith.muli %add3A_113, %mul3A_114 : i32
      %add3A_116 = arith.addi %mul3A_2, %mul3A_115 : i32
      %get3A_117 = arith.constant 0 : i32
      %get3A_118 = arith.index_cast %get3A_117 : i32 to index
      %get3A_119 = arith.constant 0 : index
      %get3A_120 = tpu.vector_load %arg14[%get3A_118, %get3A_119] {strides = array<i32>} : memref<208x128xf32, #tpu.memory_space<vmem>>, vector<1x16xf32>,
      %get3A_121 = vector.shape_cast %get3A_120 : vector<1x16xf32> to vector<16xf32>
      %get3A_122 = arith.constant 0 : i32
      %get3A_123 = arith.index_cast %get3A_122 : i32 to index
      %get3A_124 = arith.constant 16 : index
      %get3A_125 = tpu.vector_load %arg14[%get3A_123, %get3A_124] {strides = array<i32>} : memref<208x128xf32, #tpu.memory_space<vmem>>, vector<1x16xf32>,
      %get3A_126 = vector.shape_cast %get3A_125 : vector<1x16xf32> to vector<16xf32>
      %get3A_127 = arith.constant 0 : i32
      %get3A_128 = arith.index_cast %get3A_127 : i32 to index
      %get3A_129 = arith.constant 32 : index
      %get3A_130 = tpu.vector_load %arg14[%get3A_128, %get3A_129] {strides = array<i32>} : memref<208x128xf32, #tpu.memory_space<vmem>>, vector<1x16xf32>,
      %get3A_131 = vector.shape_cast %get3A_130 : vector<1x16xf32> to vector<16xf32>
      %get3A_132 = arith.constant 0 : i32
      %get3A_133 = arith.index_cast %get3A_132 : i32 to index
      %get3A_134 = arith.constant 48 : index
      %get3A_135 = tpu.vector_load %arg14[%get3A_133, %get3A_134] {strides = array<i32>} : memref<208x128xf32, #tpu.memory_space<vmem>>, vector<1x16xf32>,
      %get3A_136 = vector.shape_cast %get3A_135 : vector<1x16xf32> to vector<16xf32>
      %get3A_137 = arith.constant 0 : i32
      %get3A_138 = arith.index_cast %get3A_137 : i32 to index
      %get3A_139 = arith.constant 64 : index
      %get3A_140 = tpu.vector_load %arg14[%get3A_138, %get3A_139] {strides = array<i32>} : memref<208x128xf32, #tpu.memory_space<vmem>>, vector<1x16xf32>,
      %get3A_141 = vector.shape_cast %get3A_140 : vector<1x16xf32> to vector<16xf32>
      %get3A_142 = arith.constant 0 : i32
      %get3A_143 = arith.index_cast %get3A_142 : i32 to index
      %get3A_144 = arith.constant 80 : index
      %get3A_145 = tpu.vector_load %arg14[%get3A_143, %get3A_144] {strides = array<i32>} : memref<208x128xf32, #tpu.memory_space<vmem>>, vector<1x16xf32>,
      %get3A_146 = vector.shape_cast %get3A_145 : vector<1x16xf32> to vector<16xf32>
      %get3A_147 = arith.constant 0 : i32
      %get3A_148 = arith.index_cast %get3A_147 : i32 to index
      %get3A_149 = arith.constant 96 : index
      %get3A_150 = tpu.vector_load %arg14[%get3A_148, %get3A_149] {strides = array<i32>} : memref<208x128xf32, #tpu.memory_space<vmem>>, vector<1x16xf32>,
      %get3A_151 = vector.shape_cast %get3A_150 : vector<1x16xf32> to vector<16xf32>
      %get3A_152 = arith.constant 0 : i32
      %get3A_153 = arith.index_cast %get3A_152 : i32 to index
      %get3A_154 = arith.constant 112 : index
      %get3A_155 = tpu.vector_load %arg14[%get3A_153, %get3A_154] {strides = array<i32>} : memref<208x128xf32, #tpu.memory_space<vmem>>, vector<1x16xf32>,
      %get3A_156 = vector.shape_cast %get3A_155 : vector<1x16xf32> to vector<16xf32>
      %scan3A_157 = arith.constant 0 : i32
      %scan3A_158 = arith.constant 200 : i32
      %scan3A_159 = arith.addi %scan3A_157, %scan3A_158 : i32
      %scan3A_160 = arith.constant 4 : i32
      %scan3A_161:8 = scf.for %scan3A_168 = %scan3A_157 to %scan3A_159 step %scan3A_160 iter_args(%scan3A_169 = %get3A_121, %scan3A_170 = %get3A_126, %scan3A_171 = %get3A_131, %scan3A_172 = %get3A_136, %scan3A_173 = %get3A_141, %scan3A_174 = %get3A_146, %scan3A_175 = %get3A_151, %scan3A_176 = %get3A_156) -> (vector<16xf32>, vector<16xf32>, vector<16xf32>, vector<16xf32>, vector<16xf32>, vector<16xf32>, vector<16xf32>, vector<16xf32>)  : i32 {
        %broadcast_in_dim3A = arith.constant 0.000000e+00 : f32
        %broadcast_in_dim3A_177 = vector.broadcast %broadcast_in_dim3A : f32 to vector<16xf32>
        %broadcast_in_dim3A_178 = arith.constant 0.000000e+00 : f32
        %broadcast_in_dim3A_179 = vector.broadcast %broadcast_in_dim3A_178 : f32 to vector<16xf32>
        %get3A_180 = arith.index_cast %scan3A_168 : i32 to index
        %get3A_181 = arith.constant 0 : index
        %get3A_182 = tpu.vector_load %arg12[%get3A_180, %get3A_181] {strides = array<i32>} : memref<200x128xf32, #tpu.memory_space<vmem>>, vector<1x16xf32>,
        %get3A_183 = vector.shape_cast %get3A_182 : vector<1x16xf32> to vector<16xf32>
        %add3A_184 = arith.constant 1 : i32
        %add3A_185 = arith.addi %scan3A_168, %add3A_184 : i32
        %get3A_186 = arith.index_cast %add3A_185 : i32 to index
        %get3A_187 = arith.constant 0 : index
        %get3A_188 = tpu.vector_load %arg14[%get3A_186, %get3A_187] {strides = array<i32>} : memref<208x128xf32, #tpu.memory_space<vmem>>, vector<1x16xf32>,
        %get3A_189 = vector.shape_cast %get3A_188 : vector<1x16xf32> to vector<16xf32>
        %mul3A_190 = arith.mulf %get3A_183, %scan3A_169 : vector<16xf32>
        %add3A_191 = arith.addf %broadcast_in_dim3A_179, %mul3A_190 : vector<16xf32>
        %mul3A_192 = arith.mulf %get3A_183, %get3A_189 : vector<16xf32>
        %add3A_193 = arith.addf %broadcast_in_dim3A_177, %mul3A_192 : vector<16xf32>
        %get3A_194 = arith.index_cast %scan3A_168 : i32 to index
        %get3A_195 = arith.constant 16 : index
        %get3A_196 = tpu.vector_load %arg12[%get3A_194, %get3A_195] {strides = array<i32>} : memref<200x128xf32, #tpu.memory_space<vmem>>, vector<1x16xf32>,
        %get3A_197 = vector.shape_cast %get3A_196 : vector<1x16xf32> to vector<16xf32>
        %add3A_198 = arith.constant 1 : i32
        %add3A_199 = arith.addi %scan3A_168, %add3A_198 : i32
        %get3A_200 = arith.index_cast %add3A_199 : i32 to index
        %get3A_201 = arith.constant 16 : index
        %get3A_202 = tpu.vector_load %arg14[%get3A_200, %get3A_201] {strides = array<i32>} : memref<208x128xf32, #tpu.memory_space<vmem>>, vector<1x16xf32>,
        %get3A_203 = vector.shape_cast %get3A_202 : vector<1x16xf32> to vector<16xf32>
        %mul3A_204 = arith.mulf %get3A_197, %scan3A_170 : vector<16xf32>
        %add3A_205 = arith.addf %add3A_191, %mul3A_204 : vector<16xf32>
        %mul3A_206 = arith.mulf %get3A_197, %get3A_203 : vector<16xf32>
        %add3A_207 = arith.addf %add3A_193, %mul3A_206 : vector<16xf32>
        %get3A_208 = arith.index_cast %scan3A_168 : i32 to index
        %get3A_209 = arith.constant 32 : index
        %get3A_210 = tpu.vector_load %arg12[%get3A_208, %get3A_209] {strides = array<i32>} : memref<200x128xf32, #tpu.memory_space<vmem>>, vector<1x16xf32>,
        %get3A_211 = vector.shape_cast %get3A_210 : vector<1x16xf32> to vector<16xf32>
        %add3A_212 = arith.constant 1 : i32
        %add3A_213 = arith.addi %scan3A_168, %add3A_212 : i32
        %get3A_214 = arith.index_cast %add3A_213 : i32 to index
        %get3A_215 = arith.constant 32 : index
        %get3A_216 = tpu.vector_load %arg14[%get3A_214, %get3A_215] {strides = array<i32>} : memref<208x128xf32, #tpu.memory_space<vmem>>, vector<1x16xf32>,
        %get3A_217 = vector.shape_cast %get3A_216 : vector<1x16xf32> to vector<16xf32>
        %mul3A_218 = arith.mulf %get3A_211, %scan3A_171 : vector<16xf32>
        %add3A_219 = arith.addf %add3A_205, %mul3A_218 : vector<16xf32>
        %mul3A_220 = arith.mulf %get3A_211, %get3A_217 : vector<16xf32>
        %add3A_221 = arith.addf %add3A_207, %mul3A_220 : vector<16xf32>
        %get3A_222 = arith.index_cast %scan3A_168 : i32 to index
        %get3A_223 = arith.constant 48 : index
        %get3A_224 = tpu.vector_load %arg12[%get3A_222, %get3A_223] {strides = array<i32>} : memref<200x128xf32, #tpu.memory_space<vmem>>, vector<1x16xf32>,
        %get3A_225 = vector.shape_cast %get3A_224 : vector<1x16xf32> to vector<16xf32>
        %add3A_226 = arith.constant 1 : i32
        %add3A_227 = arith.addi %scan3A_168, %add3A_226 : i32
        %get3A_228 = arith.index_cast %add3A_227 : i32 to index
        %get3A_229 = arith.constant 48 : index
        %get3A_230 = tpu.vector_load %arg14[%get3A_228, %get3A_229] {strides = array<i32>} : memref<208x128xf32, #tpu.memory_space<vmem>>, vector<1x16xf32>,
        %get3A_231 = vector.shape_cast %get3A_230 : vector<1x16xf32> to vector<16xf32>
        %mul3A_232 = arith.mulf %get3A_225, %scan3A_172 : vector<16xf32>
        %add3A_233 = arith.addf %add3A_219, %mul3A_232 : vector<16xf32>
        %mul3A_234 = arith.mulf %get3A_225, %get3A_231 : vector<16xf32>
        %add3A_235 = arith.addf %add3A_221, %mul3A_234 : vector<16xf32>
        %get3A_236 = arith.index_cast %scan3A_168 : i32 to index
        %get3A_237 = arith.constant 64 : index
        %get3A_238 = tpu.vector_load %arg12[%get3A_236, %get3A_237] {strides = array<i32>} : memref<200x128xf32, #tpu.memory_space<vmem>>, vector<1x16xf32>,
        %get3A_239 = vector.shape_cast %get3A_238 : vector<1x16xf32> to vector<16xf32>
        %add3A_240 = arith.constant 1 : i32
        %add3A_241 = arith.addi %scan3A_168, %add3A_240 : i32
        %get3A_242 = arith.index_cast %add3A_241 : i32 to index
        %get3A_243 = arith.constant 64 : index
        %get3A_244 = tpu.vector_load %arg14[%get3A_242, %get3A_243] {strides = array<i32>} : memref<208x128xf32, #tpu.memory_space<vmem>>, vector<1x16xf32>,
        %get3A_245 = vector.shape_cast %get3A_244 : vector<1x16xf32> to vector<16xf32>
        %mul3A_246 = arith.mulf %get3A_239, %scan3A_173 : vector<16xf32>
        %add3A_247 = arith.addf %add3A_233, %mul3A_246 : vector<16xf32>
        %mul3A_248 = arith.mulf %get3A_239, %get3A_245 : vector<16xf32>
        %add3A_249 = arith.addf %add3A_235, %mul3A_248 : vector<16xf32>
        %get3A_250 = arith.index_cast %scan3A_168 : i32 to index
        %get3A_251 = arith.constant 80 : index
        %get3A_252 = tpu.vector_load %arg12[%get3A_250, %get3A_251] {strides = array<i32>} : memref<200x128xf32, #tpu.memory_space<vmem>>, vector<1x16xf32>,
        %get3A_253 = vector.shape_cast %get3A_252 : vector<1x16xf32> to vector<16xf32>
        %add3A_254 = arith.constant 1 : i32
        %add3A_255 = arith.addi %scan3A_168, %add3A_254 : i32
        %get3A_256 = arith.index_cast %add3A_255 : i32 to index
        %get3A_257 = arith.constant 80 : index
        %get3A_258 = tpu.vector_load %arg14[%get3A_256, %get3A_257] {strides = array<i32>} : memref<208x128xf32, #tpu.memory_space<vmem>>, vector<1x16xf32>,
        %get3A_259 = vector.shape_cast %get3A_258 : vector<1x16xf32> to vector<16xf32>
        %mul3A_260 = arith.mulf %get3A_253, %scan3A_174 : vector<16xf32>
        %add3A_261 = arith.addf %add3A_247, %mul3A_260 : vector<16xf32>
        %mul3A_262 = arith.mulf %get3A_253, %get3A_259 : vector<16xf32>
        %add3A_263 = arith.addf %add3A_249, %mul3A_262 : vector<16xf32>
        %get3A_264 = arith.index_cast %scan3A_168 : i32 to index
        %get3A_265 = arith.constant 96 : index
        %get3A_266 = tpu.vector_load %arg12[%get3A_264, %get3A_265] {strides = array<i32>} : memref<200x128xf32, #tpu.memory_space<vmem>>, vector<1x16xf32>,
        %get3A_267 = vector.shape_cast %get3A_266 : vector<1x16xf32> to vector<16xf32>
        %add3A_268 = arith.constant 1 : i32
        %add3A_269 = arith.addi %scan3A_168, %add3A_268 : i32
        %get3A_270 = arith.index_cast %add3A_269 : i32 to index
        %get3A_271 = arith.constant 96 : index
        %get3A_272 = tpu.vector_load %arg14[%get3A_270, %get3A_271] {strides = array<i32>} : memref<208x128xf32, #tpu.memory_space<vmem>>, vector<1x16xf32>,
        %get3A_273 = vector.shape_cast %get3A_272 : vector<1x16xf32> to vector<16xf32>
        %mul3A_274 = arith.mulf %get3A_267, %scan3A_175 : vector<16xf32>
        %add3A_275 = arith.addf %add3A_261, %mul3A_274 : vector<16xf32>
        %mul3A_276 = arith.mulf %get3A_267, %get3A_273 : vector<16xf32>
        %add3A_277 = arith.addf %add3A_263, %mul3A_276 : vector<16xf32>
        %get3A_278 = arith.index_cast %scan3A_168 : i32 to index
        %get3A_279 = arith.constant 112 : index
        %get3A_280 = tpu.vector_load %arg12[%get3A_278, %get3A_279] {strides = array<i32>} : memref<200x128xf32, #tpu.memory_space<vmem>>, vector<1x16xf32>,
        %get3A_281 = vector.shape_cast %get3A_280 : vector<1x16xf32> to vector<16xf32>
        %add3A_282 = arith.constant 1 : i32
        %add3A_283 = arith.addi %scan3A_168, %add3A_282 : i32
        %get3A_284 = arith.index_cast %add3A_283 : i32 to index
        %get3A_285 = arith.constant 112 : index
        %get3A_286 = tpu.vector_load %arg14[%get3A_284, %get3A_285] {strides = array<i32>} : memref<208x128xf32, #tpu.memory_space<vmem>>, vector<1x16xf32>,
        %get3A_287 = vector.shape_cast %get3A_286 : vector<1x16xf32> to vector<16xf32>
        %mul3A_288 = arith.mulf %get3A_281, %scan3A_176 : vector<16xf32>
        %add3A_289 = arith.addf %add3A_275, %mul3A_288 : vector<16xf32>
        %mul3A_290 = arith.mulf %get3A_281, %get3A_287 : vector<16xf32>
        %add3A_291 = arith.addf %add3A_277, %mul3A_290 : vector<16xf32>
        %mul3A_292 = arith.constant 16 : i32
        %mul3A_293 = arith.muli %scan3A_168, %mul3A_292 : i32
        %swap3A = arith.index_cast %mul3A_293 : i32 to index
        %swap3A_294 = tpu.vector_load %arg15[%swap3A] {strides = array<i32>} : memref<3200xf32, #tpu.memory_space<vmem>>, vector<16xf32>,
        %swap3A_295 = vector.shape_cast %swap3A_294 : vector<16xf32> to vector<16xf32>
        %swap3A_296 = vector.shape_cast %add3A_291 : vector<16xf32> to vector<16xf32>
        tpu.vector_store %arg15[%swap3A], %swap3A_296 {strides = array<i32>} : memref<3200xf32, #tpu.memory_space<vmem>>, vector<16xf32>,
        %mul3A_297 = arith.constant 16 : i32
        %mul3A_298 = arith.muli %scan3A_168, %mul3A_297 : i32
        %swap3A_299 = arith.index_cast %mul3A_298 : i32 to index
        %swap3A_300 = tpu.vector_load %arg16[%swap3A_299] {strides = array<i32>} : memref<3200xf32, #tpu.memory_space<vmem>>, vector<16xf32>,
        %swap3A_301 = vector.shape_cast %swap3A_300 : vector<16xf32> to vector<16xf32>
        %swap3A_302 = vector.shape_cast %add3A_289 : vector<16xf32> to vector<16xf32>
        tpu.vector_store %arg16[%swap3A_299], %swap3A_302 {strides = array<i32>} : memref<3200xf32, #tpu.memory_space<vmem>>, vector<16xf32>,
        %scan3A_303 = arith.constant 1 : i32
        %scan3A_304 = arith.addi %scan3A_168, %scan3A_303 : i32
        %broadcast_in_dim3A_305 = arith.constant 0.000000e+00 : f32
        %broadcast_in_dim3A_306 = vector.broadcast %broadcast_in_dim3A_305 : f32 to vector<16xf32>
        %broadcast_in_dim3A_307 = arith.constant 0.000000e+00 : f32
        %broadcast_in_dim3A_308 = vector.broadcast %broadcast_in_dim3A_307 : f32 to vector<16xf32>
        %get3A_309 = arith.index_cast %scan3A_304 : i32 to index
        %get3A_310 = arith.constant 0 : index
        %get3A_311 = tpu.vector_load %arg12[%get3A_309, %get3A_310] {strides = array<i32>} : memref<200x128xf32, #tpu.memory_space<vmem>>, vector<1x16xf32>,
        %get3A_312 = vector.shape_cast %get3A_311 : vector<1x16xf32> to vector<16xf32>
        %add3A_313 = arith.constant 1 : i32
        %add3A_314 = arith.addi %scan3A_304, %add3A_313 : i32
        %get3A_315 = arith.index_cast %add3A_314 : i32 to index
        %get3A_316 = arith.constant 0 : index
        %get3A_317 = tpu.vector_load %arg14[%get3A_315, %get3A_316] {strides = array<i32>} : memref<208x128xf32, #tpu.memory_space<vmem>>, vector<1x16xf32>,
        %get3A_318 = vector.shape_cast %get3A_317 : vector<1x16xf32> to vector<16xf32>
        %mul3A_319 = arith.mulf %get3A_312, %get3A_189 : vector<16xf32>
        %add3A_320 = arith.addf %broadcast_in_dim3A_308, %mul3A_319 : vector<16xf32>
        %mul3A_321 = arith.mulf %get3A_312, %get3A_318 : vector<16xf32>
        %add3A_322 = arith.addf %broadcast_in_dim3A_306, %mul3A_321 : vector<16xf32>
        %get3A_323 = arith.index_cast %scan3A_304 : i32 to index
        %get3A_324 = arith.constant 16 : index
        %get3A_325 = tpu.vector_load %arg12[%get3A_323, %get3A_324] {strides = array<i32>} : memref<200x128xf32, #tpu.memory_space<vmem>>, vector<1x16xf32>,
        %get3A_326 = vector.shape_cast %get3A_325 : vector<1x16xf32> to vector<16xf32>
        %add3A_327 = arith.constant 1 : i32
        %add3A_328 = arith.addi %scan3A_304, %add3A_327 : i32
        %get3A_329 = arith.index_cast %add3A_328 : i32 to index
        %get3A_330 = arith.constant 16 : index
        %get3A_331 = tpu.vector_load %arg14[%get3A_329, %get3A_330] {strides = array<i32>} : memref<208x128xf32, #tpu.memory_space<vmem>>, vector<1x16xf32>,
        %get3A_332 = vector.shape_cast %get3A_331 : vector<1x16xf32> to vector<16xf32>
        %mul3A_333 = arith.mulf %get3A_326, %get3A_203 : vector<16xf32>
        %add3A_334 = arith.addf %add3A_320, %mul3A_333 : vector<16xf32>
        %mul3A_335 = arith.mulf %get3A_326, %get3A_332 : vector<16xf32>
        %add3A_336 = arith.addf %add3A_322, %mul3A_335 : vector<16xf32>
        %get3A_337 = arith.index_cast %scan3A_304 : i32 to index
        %get3A_338 = arith.constant 32 : index
        %get3A_339 = tpu.vector_load %arg12[%get3A_337, %get3A_338] {strides = array<i32>} : memref<200x128xf32, #tpu.memory_space<vmem>>, vector<1x16xf32>,
        %get3A_340 = vector.shape_cast %get3A_339 : vector<1x16xf32> to vector<16xf32>
        %add3A_341 = arith.constant 1 : i32
        %add3A_342 = arith.addi %scan3A_304, %add3A_341 : i32
        %get3A_343 = arith.index_cast %add3A_342 : i32 to index
        %get3A_344 = arith.constant 32 : index
        %get3A_345 = tpu.vector_load %arg14[%get3A_343, %get3A_344] {strides = array<i32>} : memref<208x128xf32, #tpu.memory_space<vmem>>, vector<1x16xf32>,
        %get3A_346 = vector.shape_cast %get3A_345 : vector<1x16xf32> to vector<16xf32>
        %mul3A_347 = arith.mulf %get3A_340, %get3A_217 : vector<16xf32>
        %add3A_348 = arith.addf %add3A_334, %mul3A_347 : vector<16xf32>
        %mul3A_349 = arith.mulf %get3A_340, %get3A_346 : vector<16xf32>
        %add3A_350 = arith.addf %add3A_336, %mul3A_349 : vector<16xf32>
        %get3A_351 = arith.index_cast %scan3A_304 : i32 to index
        %get3A_352 = arith.constant 48 : index
        %get3A_353 = tpu.vector_load %arg12[%get3A_351, %get3A_352] {strides = array<i32>} : memref<200x128xf32, #tpu.memory_space<vmem>>, vector<1x16xf32>,
        %get3A_354 = vector.shape_cast %get3A_353 : vector<1x16xf32> to vector<16xf32>
        %add3A_355 = arith.constant 1 : i32
        %add3A_356 = arith.addi %scan3A_304, %add3A_355 : i32
        %get3A_357 = arith.index_cast %add3A_356 : i32 to index
        %get3A_358 = arith.constant 48 : index
        %get3A_359 = tpu.vector_load %arg14[%get3A_357, %get3A_358] {strides = array<i32>} : memref<208x128xf32, #tpu.memory_space<vmem>>, vector<1x16xf32>,
        %get3A_360 = vector.shape_cast %get3A_359 : vector<1x16xf32> to vector<16xf32>
        %mul3A_361 = arith.mulf %get3A_354, %get3A_231 : vector<16xf32>
        %add3A_362 = arith.addf %add3A_348, %mul3A_361 : vector<16xf32>
        %mul3A_363 = arith.mulf %get3A_354, %get3A_360 : vector<16xf32>
        %add3A_364 = arith.addf %add3A_350, %mul3A_363 : vector<16xf32>
        %get3A_365 = arith.index_cast %scan3A_304 : i32 to index
        %get3A_366 = arith.constant 64 : index
        %get3A_367 = tpu.vector_load %arg12[%get3A_365, %get3A_366] {strides = array<i32>} : memref<200x128xf32, #tpu.memory_space<vmem>>, vector<1x16xf32>,
        %get3A_368 = vector.shape_cast %get3A_367 : vector<1x16xf32> to vector<16xf32>
        %add3A_369 = arith.constant 1 : i32
        %add3A_370 = arith.addi %scan3A_304, %add3A_369 : i32
        %get3A_371 = arith.index_cast %add3A_370 : i32 to index
        %get3A_372 = arith.constant 64 : index
        %get3A_373 = tpu.vector_load %arg14[%get3A_371, %get3A_372] {strides = array<i32>} : memref<208x128xf32, #tpu.memory_space<vmem>>, vector<1x16xf32>,
        %get3A_374 = vector.shape_cast %get3A_373 : vector<1x16xf32> to vector<16xf32>
        %mul3A_375 = arith.mulf %get3A_368, %get3A_245 : vector<16xf32>
        %add3A_376 = arith.addf %add3A_362, %mul3A_375 : vector<16xf32>
        %mul3A_377 = arith.mulf %get3A_368, %get3A_374 : vector<16xf32>
        %add3A_378 = arith.addf %add3A_364, %mul3A_377 : vector<16xf32>
        %get3A_379 = arith.index_cast %scan3A_304 : i32 to index
        %get3A_380 = arith.constant 80 : index
        %get3A_381 = tpu.vector_load %arg12[%get3A_379, %get3A_380] {strides = array<i32>} : memref<200x128xf32, #tpu.memory_space<vmem>>, vector<1x16xf32>,
        %get3A_382 = vector.shape_cast %get3A_381 : vector<1x16xf32> to vector<16xf32>
        %add3A_383 = arith.constant 1 : i32
        %add3A_384 = arith.addi %scan3A_304, %add3A_383 : i32
        %get3A_385 = arith.index_cast %add3A_384 : i32 to index
        %get3A_386 = arith.constant 80 : index
        %get3A_387 = tpu.vector_load %arg14[%get3A_385, %get3A_386] {strides = array<i32>} : memref<208x128xf32, #tpu.memory_space<vmem>>, vector<1x16xf32>,
        %get3A_388 = vector.shape_cast %get3A_387 : vector<1x16xf32> to vector<16xf32>
        %mul3A_389 = arith.mulf %get3A_382, %get3A_259 : vector<16xf32>
        %add3A_390 = arith.addf %add3A_376, %mul3A_389 : vector<16xf32>
        %mul3A_391 = arith.mulf %get3A_382, %get3A_388 : vector<16xf32>
        %add3A_392 = arith.addf %add3A_378, %mul3A_391 : vector<16xf32>
        %get3A_393 = arith.index_cast %scan3A_304 : i32 to index
        %get3A_394 = arith.constant 96 : index
        %get3A_395 = tpu.vector_load %arg12[%get3A_393, %get3A_394] {strides = array<i32>} : memref<200x128xf32, #tpu.memory_space<vmem>>, vector<1x16xf32>,
        %get3A_396 = vector.shape_cast %get3A_395 : vector<1x16xf32> to vector<16xf32>
        %add3A_397 = arith.constant 1 : i32
        %add3A_398 = arith.addi %scan3A_304, %add3A_397 : i32
        %get3A_399 = arith.index_cast %add3A_398 : i32 to index
        %get3A_400 = arith.constant 96 : index
        %get3A_401 = tpu.vector_load %arg14[%get3A_399, %get3A_400] {strides = array<i32>} : memref<208x128xf32, #tpu.memory_space<vmem>>, vector<1x16xf32>,
        %get3A_402 = vector.shape_cast %get3A_401 : vector<1x16xf32> to vector<16xf32>
        %mul3A_403 = arith.mulf %get3A_396, %get3A_273 : vector<16xf32>
        %add3A_404 = arith.addf %add3A_390, %mul3A_403 : vector<16xf32>
        %mul3A_405 = arith.mulf %get3A_396, %get3A_402 : vector<16xf32>
        %add3A_406 = arith.addf %add3A_392, %mul3A_405 : vector<16xf32>
        %get3A_407 = arith.index_cast %scan3A_304 : i32 to index
        %get3A_408 = arith.constant 112 : index
        %get3A_409 = tpu.vector_load %arg12[%get3A_407, %get3A_408] {strides = array<i32>} : memref<200x128xf32, #tpu.memory_space<vmem>>, vector<1x16xf32>,
        %get3A_410 = vector.shape_cast %get3A_409 : vector<1x16xf32> to vector<16xf32>
        %add3A_411 = arith.constant 1 : i32
        %add3A_412 = arith.addi %scan3A_304, %add3A_411 : i32
        %get3A_413 = arith.index_cast %add3A_412 : i32 to index
        %get3A_414 = arith.constant 112 : index
        %get3A_415 = tpu.vector_load %arg14[%get3A_413, %get3A_414] {strides = array<i32>} : memref<208x128xf32, #tpu.memory_space<vmem>>, vector<1x16xf32>,
        %get3A_416 = vector.shape_cast %get3A_415 : vector<1x16xf32> to vector<16xf32>
        %mul3A_417 = arith.mulf %get3A_410, %get3A_287 : vector<16xf32>
        %add3A_418 = arith.addf %add3A_404, %mul3A_417 : vector<16xf32>
        %mul3A_419 = arith.mulf %get3A_410, %get3A_416 : vector<16xf32>
        %add3A_420 = arith.addf %add3A_406, %mul3A_419 : vector<16xf32>
        %mul3A_421 = arith.constant 16 : i32
        %mul3A_422 = arith.muli %scan3A_304, %mul3A_421 : i32
        %swap3A_423 = arith.index_cast %mul3A_422 : i32 to index
        %swap3A_424 = tpu.vector_load %arg15[%swap3A_423] {strides = array<i32>} : memref<3200xf32, #tpu.memory_space<vmem>>, vector<16xf32>,
        %swap3A_425 = vector.shape_cast %swap3A_424 : vector<16xf32> to vector<16xf32>
        %swap3A_426 = vector.shape_cast %add3A_420 : vector<16xf32> to vector<16xf32>
        tpu.vector_store %arg15[%swap3A_423], %swap3A_426 {strides = array<i32>} : memref<3200xf32, #tpu.memory_space<vmem>>, vector<16xf32>,
        %mul3A_427 = arith.constant 16 : i32
        %mul3A_428 = arith.muli %scan3A_304, %mul3A_427 : i32
        %swap3A_429 = arith.index_cast %mul3A_428 : i32 to index
        %swap3A_430 = tpu.vector_load %arg16[%swap3A_429] {strides = array<i32>} : memref<3200xf32, #tpu.memory_space<vmem>>, vector<16xf32>,
        %swap3A_431 = vector.shape_cast %swap3A_430 : vector<16xf32> to vector<16xf32>
        %swap3A_432 = vector.shape_cast %add3A_418 : vector<16xf32> to vector<16xf32>
        tpu.vector_store %arg16[%swap3A_429], %swap3A_432 {strides = array<i32>} : memref<3200xf32, #tpu.memory_space<vmem>>, vector<16xf32>,
        %scan3A_433 = arith.constant 2 : i32
        %scan3A_434 = arith.addi %scan3A_168, %scan3A_433 : i32
        %broadcast_in_dim3A_435 = arith.constant 0.000000e+00 : f32
        %broadcast_in_dim3A_436 = vector.broadcast %broadcast_in_dim3A_435 : f32 to vector<16xf32>
        %broadcast_in_dim3A_437 = arith.constant 0.000000e+00 : f32
        %broadcast_in_dim3A_438 = vector.broadcast %broadcast_in_dim3A_437 : f32 to vector<16xf32>
        %get3A_439 = arith.index_cast %scan3A_434 : i32 to index
        %get3A_440 = arith.constant 0 : index
        %get3A_441 = tpu.vector_load %arg12[%get3A_439, %get3A_440] {strides = array<i32>} : memref<200x128xf32, #tpu.memory_space<vmem>>, vector<1x16xf32>,
        %get3A_442 = vector.shape_cast %get3A_441 : vector<1x16xf32> to vector<16xf32>
        %add3A_443 = arith.constant 1 : i32
        %add3A_444 = arith.addi %scan3A_434, %add3A_443 : i32
        %get3A_445 = arith.index_cast %add3A_444 : i32 to index
        %get3A_446 = arith.constant 0 : index
        %get3A_447 = tpu.vector_load %arg14[%get3A_445, %get3A_446] {strides = array<i32>} : memref<208x128xf32, #tpu.memory_space<vmem>>, vector<1x16xf32>,
        %get3A_448 = vector.shape_cast %get3A_447 : vector<1x16xf32> to vector<16xf32>
        %mul3A_449 = arith.mulf %get3A_442, %get3A_318 : vector<16xf32>
        %add3A_450 = arith.addf %broadcast_in_dim3A_438, %mul3A_449 : vector<16xf32>
        %mul3A_451 = arith.mulf %get3A_442, %get3A_448 : vector<16xf32>
        %add3A_452 = arith.addf %broadcast_in_dim3A_436, %mul3A_451 : vector<16xf32>
        %get3A_453 = arith.index_cast %scan3A_434 : i32 to index
        %get3A_454 = arith.constant 16 : index
        %get3A_455 = tpu.vector_load %arg12[%get3A_453, %get3A_454] {strides = array<i32>} : memref<200x128xf32, #tpu.memory_space<vmem>>, vector<1x16xf32>,
        %get3A_456 = vector.shape_cast %get3A_455 : vector<1x16xf32> to vector<16xf32>
        %add3A_457 = arith.constant 1 : i32
        %add3A_458 = arith.addi %scan3A_434, %add3A_457 : i32
        %get3A_459 = arith.index_cast %add3A_458 : i32 to index
        %get3A_460 = arith.constant 16 : index
        %get3A_461 = tpu.vector_load %arg14[%get3A_459, %get3A_460] {strides = array<i32>} : memref<208x128xf32, #tpu.memory_space<vmem>>, vector<1x16xf32>,
        %get3A_462 = vector.shape_cast %get3A_461 : vector<1x16xf32> to vector<16xf32>
        %mul3A_463 = arith.mulf %get3A_456, %get3A_332 : vector<16xf32>
        %add3A_464 = arith.addf %add3A_450, %mul3A_463 : vector<16xf32>
        %mul3A_465 = arith.mulf %get3A_456, %get3A_462 : vector<16xf32>
        %add3A_466 = arith.addf %add3A_452, %mul3A_465 : vector<16xf32>
        %get3A_467 = arith.index_cast %scan3A_434 : i32 to index
        %get3A_468 = arith.constant 32 : index
        %get3A_469 = tpu.vector_load %arg12[%get3A_467, %get3A_468] {strides = array<i32>} : memref<200x128xf32, #tpu.memory_space<vmem>>, vector<1x16xf32>,
        %get3A_470 = vector.shape_cast %get3A_469 : vector<1x16xf32> to vector<16xf32>
        %add3A_471 = arith.constant 1 : i32
        %add3A_472 = arith.addi %scan3A_434, %add3A_471 : i32
        %get3A_473 = arith.index_cast %add3A_472 : i32 to index
        %get3A_474 = arith.constant 32 : index
        %get3A_475 = tpu.vector_load %arg14[%get3A_473, %get3A_474] {strides = array<i32>} : memref<208x128xf32, #tpu.memory_space<vmem>>, vector<1x16xf32>,
        %get3A_476 = vector.shape_cast %get3A_475 : vector<1x16xf32> to vector<16xf32>
        %mul3A_477 = arith.mulf %get3A_470, %get3A_346 : vector<16xf32>
        %add3A_478 = arith.addf %add3A_464, %mul3A_477 : vector<16xf32>
        %mul3A_479 = arith.mulf %get3A_470, %get3A_476 : vector<16xf32>
        %add3A_480 = arith.addf %add3A_466, %mul3A_479 : vector<16xf32>
        %get3A_481 = arith.index_cast %scan3A_434 : i32 to index
        %get3A_482 = arith.constant 48 : index
        %get3A_483 = tpu.vector_load %arg12[%get3A_481, %get3A_482] {strides = array<i32>} : memref<200x128xf32, #tpu.memory_space<vmem>>, vector<1x16xf32>,
        %get3A_484 = vector.shape_cast %get3A_483 : vector<1x16xf32> to vector<16xf32>
        %add3A_485 = arith.constant 1 : i32
        %add3A_486 = arith.addi %scan3A_434, %add3A_485 : i32
        %get3A_487 = arith.index_cast %add3A_486 : i32 to index
        %get3A_488 = arith.constant 48 : index
        %get3A_489 = tpu.vector_load %arg14[%get3A_487, %get3A_488] {strides = array<i32>} : memref<208x128xf32, #tpu.memory_space<vmem>>, vector<1x16xf32>,
        %get3A_490 = vector.shape_cast %get3A_489 : vector<1x16xf32> to vector<16xf32>
        %mul3A_491 = arith.mulf %get3A_484, %get3A_360 : vector<16xf32>
        %add3A_492 = arith.addf %add3A_478, %mul3A_491 : vector<16xf32>
        %mul3A_493 = arith.mulf %get3A_484, %get3A_490 : vector<16xf32>
        %add3A_494 = arith.addf %add3A_480, %mul3A_493 : vector<16xf32>
        %get3A_495 = arith.index_cast %scan3A_434 : i32 to index
        %get3A_496 = arith.constant 64 : index
        %get3A_497 = tpu.vector_load %arg12[%get3A_495, %get3A_496] {strides = array<i32>} : memref<200x128xf32, #tpu.memory_space<vmem>>, vector<1x16xf32>,
        %get3A_498 = vector.shape_cast %get3A_497 : vector<1x16xf32> to vector<16xf32>
        %add3A_499 = arith.constant 1 : i32
        %add3A_500 = arith.addi %scan3A_434, %add3A_499 : i32
        %get3A_501 = arith.index_cast %add3A_500 : i32 to index
        %get3A_502 = arith.constant 64 : index
        %get3A_503 = tpu.vector_load %arg14[%get3A_501, %get3A_502] {strides = array<i32>} : memref<208x128xf32, #tpu.memory_space<vmem>>, vector<1x16xf32>,
        %get3A_504 = vector.shape_cast %get3A_503 : vector<1x16xf32> to vector<16xf32>
        %mul3A_505 = arith.mulf %get3A_498, %get3A_374 : vector<16xf32>
        %add3A_506 = arith.addf %add3A_492, %mul3A_505 : vector<16xf32>
        %mul3A_507 = arith.mulf %get3A_498, %get3A_504 : vector<16xf32>
        %add3A_508 = arith.addf %add3A_494, %mul3A_507 : vector<16xf32>
        %get3A_509 = arith.index_cast %scan3A_434 : i32 to index
        %get3A_510 = arith.constant 80 : index
        %get3A_511 = tpu.vector_load %arg12[%get3A_509, %get3A_510] {strides = array<i32>} : memref<200x128xf32, #tpu.memory_space<vmem>>, vector<1x16xf32>,
        %get3A_512 = vector.shape_cast %get3A_511 : vector<1x16xf32> to vector<16xf32>
        %add3A_513 = arith.constant 1 : i32
        %add3A_514 = arith.addi %scan3A_434, %add3A_513 : i32
        %get3A_515 = arith.index_cast %add3A_514 : i32 to index
        %get3A_516 = arith.constant 80 : index
        %get3A_517 = tpu.vector_load %arg14[%get3A_515, %get3A_516] {strides = array<i32>} : memref<208x128xf32, #tpu.memory_space<vmem>>, vector<1x16xf32>,
        %get3A_518 = vector.shape_cast %get3A_517 : vector<1x16xf32> to vector<16xf32>
        %mul3A_519 = arith.mulf %get3A_512, %get3A_388 : vector<16xf32>
        %add3A_520 = arith.addf %add3A_506, %mul3A_519 : vector<16xf32>
        %mul3A_521 = arith.mulf %get3A_512, %get3A_518 : vector<16xf32>
        %add3A_522 = arith.addf %add3A_508, %mul3A_521 : vector<16xf32>
        %get3A_523 = arith.index_cast %scan3A_434 : i32 to index
        %get3A_524 = arith.constant 96 : index
        %get3A_525 = tpu.vector_load %arg12[%get3A_523, %get3A_524] {strides = array<i32>} : memref<200x128xf32, #tpu.memory_space<vmem>>, vector<1x16xf32>,
        %get3A_526 = vector.shape_cast %get3A_525 : vector<1x16xf32> to vector<16xf32>
        %add3A_527 = arith.constant 1 : i32
        %add3A_528 = arith.addi %scan3A_434, %add3A_527 : i32
        %get3A_529 = arith.index_cast %add3A_528 : i32 to index
        %get3A_530 = arith.constant 96 : index
        %get3A_531 = tpu.vector_load %arg14[%get3A_529, %get3A_530] {strides = array<i32>} : memref<208x128xf32, #tpu.memory_space<vmem>>, vector<1x16xf32>,
        %get3A_532 = vector.shape_cast %get3A_531 : vector<1x16xf32> to vector<16xf32>
        %mul3A_533 = arith.mulf %get3A_526, %get3A_402 : vector<16xf32>
        %add3A_534 = arith.addf %add3A_520, %mul3A_533 : vector<16xf32>
        %mul3A_535 = arith.mulf %get3A_526, %get3A_532 : vector<16xf32>
        %add3A_536 = arith.addf %add3A_522, %mul3A_535 : vector<16xf32>
        %get3A_537 = arith.index_cast %scan3A_434 : i32 to index
        %get3A_538 = arith.constant 112 : index
        %get3A_539 = tpu.vector_load %arg12[%get3A_537, %get3A_538] {strides = array<i32>} : memref<200x128xf32, #tpu.memory_space<vmem>>, vector<1x16xf32>,
        %get3A_540 = vector.shape_cast %get3A_539 : vector<1x16xf32> to vector<16xf32>
        %add3A_541 = arith.constant 1 : i32
        %add3A_542 = arith.addi %scan3A_434, %add3A_541 : i32
        %get3A_543 = arith.index_cast %add3A_542 : i32 to index
        %get3A_544 = arith.constant 112 : index
        %get3A_545 = tpu.vector_load %arg14[%get3A_543, %get3A_544] {strides = array<i32>} : memref<208x128xf32, #tpu.memory_space<vmem>>, vector<1x16xf32>,
        %get3A_546 = vector.shape_cast %get3A_545 : vector<1x16xf32> to vector<16xf32>
        %mul3A_547 = arith.mulf %get3A_540, %get3A_416 : vector<16xf32>
        %add3A_548 = arith.addf %add3A_534, %mul3A_547 : vector<16xf32>
        %mul3A_549 = arith.mulf %get3A_540, %get3A_546 : vector<16xf32>
        %add3A_550 = arith.addf %add3A_536, %mul3A_549 : vector<16xf32>
        %mul3A_551 = arith.constant 16 : i32
        %mul3A_552 = arith.muli %scan3A_434, %mul3A_551 : i32
        %swap3A_553 = arith.index_cast %mul3A_552 : i32 to index
        %swap3A_554 = tpu.vector_load %arg15[%swap3A_553] {strides = array<i32>} : memref<3200xf32, #tpu.memory_space<vmem>>, vector<16xf32>,
        %swap3A_555 = vector.shape_cast %swap3A_554 : vector<16xf32> to vector<16xf32>
        %swap3A_556 = vector.shape_cast %add3A_550 : vector<16xf32> to vector<16xf32>
        tpu.vector_store %arg15[%swap3A_553], %swap3A_556 {strides = array<i32>} : memref<3200xf32, #tpu.memory_space<vmem>>, vector<16xf32>,
        %mul3A_557 = arith.constant 16 : i32
        %mul3A_558 = arith.muli %scan3A_434, %mul3A_557 : i32
        %swap3A_559 = arith.index_cast %mul3A_558 : i32 to index
        %swap3A_560 = tpu.vector_load %arg16[%swap3A_559] {strides = array<i32>} : memref<3200xf32, #tpu.memory_space<vmem>>, vector<16xf32>,
        %swap3A_561 = vector.shape_cast %swap3A_560 : vector<16xf32> to vector<16xf32>
        %swap3A_562 = vector.shape_cast %add3A_548 : vector<16xf32> to vector<16xf32>
        tpu.vector_store %arg16[%swap3A_559], %swap3A_562 {strides = array<i32>} : memref<3200xf32, #tpu.memory_space<vmem>>, vector<16xf32>,
        %scan3A_563 = arith.constant 3 : i32
        %scan3A_564 = arith.addi %scan3A_168, %scan3A_563 : i32
        %broadcast_in_dim3A_565 = arith.constant 0.000000e+00 : f32
        %broadcast_in_dim3A_566 = vector.broadcast %broadcast_in_dim3A_565 : f32 to vector<16xf32>
        %broadcast_in_dim3A_567 = arith.constant 0.000000e+00 : f32
        %broadcast_in_dim3A_568 = vector.broadcast %broadcast_in_dim3A_567 : f32 to vector<16xf32>
        %get3A_569 = arith.index_cast %scan3A_564 : i32 to index
        %get3A_570 = arith.constant 0 : index
        %get3A_571 = tpu.vector_load %arg12[%get3A_569, %get3A_570] {strides = array<i32>} : memref<200x128xf32, #tpu.memory_space<vmem>>, vector<1x16xf32>,
        %get3A_572 = vector.shape_cast %get3A_571 : vector<1x16xf32> to vector<16xf32>
        %add3A_573 = arith.constant 1 : i32
        %add3A_574 = arith.addi %scan3A_564, %add3A_573 : i32
        %get3A_575 = arith.index_cast %add3A_574 : i32 to index
        %get3A_576 = arith.constant 0 : index
        %get3A_577 = tpu.vector_load %arg14[%get3A_575, %get3A_576] {strides = array<i32>} : memref<208x128xf32, #tpu.memory_space<vmem>>, vector<1x16xf32>,
        %get3A_578 = vector.shape_cast %get3A_577 : vector<1x16xf32> to vector<16xf32>
        %mul3A_579 = arith.mulf %get3A_572, %get3A_448 : vector<16xf32>
        %add3A_580 = arith.addf %broadcast_in_dim3A_568, %mul3A_579 : vector<16xf32>
        %mul3A_581 = arith.mulf %get3A_572, %get3A_578 : vector<16xf32>
        %add3A_582 = arith.addf %broadcast_in_dim3A_566, %mul3A_581 : vector<16xf32>
        %get3A_583 = arith.index_cast %scan3A_564 : i32 to index
        %get3A_584 = arith.constant 16 : index
        %get3A_585 = tpu.vector_load %arg12[%get3A_583, %get3A_584] {strides = array<i32>} : memref<200x128xf32, #tpu.memory_space<vmem>>, vector<1x16xf32>,
        %get3A_586 = vector.shape_cast %get3A_585 : vector<1x16xf32> to vector<16xf32>
        %add3A_587 = arith.constant 1 : i32
        %add3A_588 = arith.addi %scan3A_564, %add3A_587 : i32
        %get3A_589 = arith.index_cast %add3A_588 : i32 to index
        %get3A_590 = arith.constant 16 : index
        %get3A_591 = tpu.vector_load %arg14[%get3A_589, %get3A_590] {strides = array<i32>} : memref<208x128xf32, #tpu.memory_space<vmem>>, vector<1x16xf32>,
        %get3A_592 = vector.shape_cast %get3A_591 : vector<1x16xf32> to vector<16xf32>
        %mul3A_593 = arith.mulf %get3A_586, %get3A_462 : vector<16xf32>
        %add3A_594 = arith.addf %add3A_580, %mul3A_593 : vector<16xf32>
        %mul3A_595 = arith.mulf %get3A_586, %get3A_592 : vector<16xf32>
        %add3A_596 = arith.addf %add3A_582, %mul3A_595 : vector<16xf32>
        %get3A_597 = arith.index_cast %scan3A_564 : i32 to index
        %get3A_598 = arith.constant 32 : index
        %get3A_599 = tpu.vector_load %arg12[%get3A_597, %get3A_598] {strides = array<i32>} : memref<200x128xf32, #tpu.memory_space<vmem>>, vector<1x16xf32>,
        %get3A_600 = vector.shape_cast %get3A_599 : vector<1x16xf32> to vector<16xf32>
        %add3A_601 = arith.constant 1 : i32
        %add3A_602 = arith.addi %scan3A_564, %add3A_601 : i32
        %get3A_603 = arith.index_cast %add3A_602 : i32 to index
        %get3A_604 = arith.constant 32 : index
        %get3A_605 = tpu.vector_load %arg14[%get3A_603, %get3A_604] {strides = array<i32>} : memref<208x128xf32, #tpu.memory_space<vmem>>, vector<1x16xf32>,
        %get3A_606 = vector.shape_cast %get3A_605 : vector<1x16xf32> to vector<16xf32>
        %mul3A_607 = arith.mulf %get3A_600, %get3A_476 : vector<16xf32>
        %add3A_608 = arith.addf %add3A_594, %mul3A_607 : vector<16xf32>
        %mul3A_609 = arith.mulf %get3A_600, %get3A_606 : vector<16xf32>
        %add3A_610 = arith.addf %add3A_596, %mul3A_609 : vector<16xf32>
        %get3A_611 = arith.index_cast %scan3A_564 : i32 to index
        %get3A_612 = arith.constant 48 : index
        %get3A_613 = tpu.vector_load %arg12[%get3A_611, %get3A_612] {strides = array<i32>} : memref<200x128xf32, #tpu.memory_space<vmem>>, vector<1x16xf32>,
        %get3A_614 = vector.shape_cast %get3A_613 : vector<1x16xf32> to vector<16xf32>
        %add3A_615 = arith.constant 1 : i32
        %add3A_616 = arith.addi %scan3A_564, %add3A_615 : i32
        %get3A_617 = arith.index_cast %add3A_616 : i32 to index
        %get3A_618 = arith.constant 48 : index
        %get3A_619 = tpu.vector_load %arg14[%get3A_617, %get3A_618] {strides = array<i32>} : memref<208x128xf32, #tpu.memory_space<vmem>>, vector<1x16xf32>,
        %get3A_620 = vector.shape_cast %get3A_619 : vector<1x16xf32> to vector<16xf32>
        %mul3A_621 = arith.mulf %get3A_614, %get3A_490 : vector<16xf32>
        %add3A_622 = arith.addf %add3A_608, %mul3A_621 : vector<16xf32>
        %mul3A_623 = arith.mulf %get3A_614, %get3A_620 : vector<16xf32>
        %add3A_624 = arith.addf %add3A_610, %mul3A_623 : vector<16xf32>
        %get3A_625 = arith.index_cast %scan3A_564 : i32 to index
        %get3A_626 = arith.constant 64 : index
        %get3A_627 = tpu.vector_load %arg12[%get3A_625, %get3A_626] {strides = array<i32>} : memref<200x128xf32, #tpu.memory_space<vmem>>, vector<1x16xf32>,
        %get3A_628 = vector.shape_cast %get3A_627 : vector<1x16xf32> to vector<16xf32>
        %add3A_629 = arith.constant 1 : i32
        %add3A_630 = arith.addi %scan3A_564, %add3A_629 : i32
        %get3A_631 = arith.index_cast %add3A_630 : i32 to index
        %get3A_632 = arith.constant 64 : index
        %get3A_633 = tpu.vector_load %arg14[%get3A_631, %get3A_632] {strides = array<i32>} : memref<208x128xf32, #tpu.memory_space<vmem>>, vector<1x16xf32>,
        %get3A_634 = vector.shape_cast %get3A_633 : vector<1x16xf32> to vector<16xf32>
        %mul3A_635 = arith.mulf %get3A_628, %get3A_504 : vector<16xf32>
        %add3A_636 = arith.addf %add3A_622, %mul3A_635 : vector<16xf32>
        %mul3A_637 = arith.mulf %get3A_628, %get3A_634 : vector<16xf32>
        %add3A_638 = arith.addf %add3A_624, %mul3A_637 : vector<16xf32>
        %get3A_639 = arith.index_cast %scan3A_564 : i32 to index
        %get3A_640 = arith.constant 80 : index
        %get3A_641 = tpu.vector_load %arg12[%get3A_639, %get3A_640] {strides = array<i32>} : memref<200x128xf32, #tpu.memory_space<vmem>>, vector<1x16xf32>,
        %get3A_642 = vector.shape_cast %get3A_641 : vector<1x16xf32> to vector<16xf32>
        %add3A_643 = arith.constant 1 : i32
        %add3A_644 = arith.addi %scan3A_564, %add3A_643 : i32
        %get3A_645 = arith.index_cast %add3A_644 : i32 to index
        %get3A_646 = arith.constant 80 : index
        %get3A_647 = tpu.vector_load %arg14[%get3A_645, %get3A_646] {strides = array<i32>} : memref<208x128xf32, #tpu.memory_space<vmem>>, vector<1x16xf32>,
        %get3A_648 = vector.shape_cast %get3A_647 : vector<1x16xf32> to vector<16xf32>
        %mul3A_649 = arith.mulf %get3A_642, %get3A_518 : vector<16xf32>
        %add3A_650 = arith.addf %add3A_636, %mul3A_649 : vector<16xf32>
        %mul3A_651 = arith.mulf %get3A_642, %get3A_648 : vector<16xf32>
        %add3A_652 = arith.addf %add3A_638, %mul3A_651 : vector<16xf32>
        %get3A_653 = arith.index_cast %scan3A_564 : i32 to index
        %get3A_654 = arith.constant 96 : index
        %get3A_655 = tpu.vector_load %arg12[%get3A_653, %get3A_654] {strides = array<i32>} : memref<200x128xf32, #tpu.memory_space<vmem>>, vector<1x16xf32>,
        %get3A_656 = vector.shape_cast %get3A_655 : vector<1x16xf32> to vector<16xf32>
        %add3A_657 = arith.constant 1 : i32
        %add3A_658 = arith.addi %scan3A_564, %add3A_657 : i32
        %get3A_659 = arith.index_cast %add3A_658 : i32 to index
        %get3A_660 = arith.constant 96 : index
        %get3A_661 = tpu.vector_load %arg14[%get3A_659, %get3A_660] {strides = array<i32>} : memref<208x128xf32, #tpu.memory_space<vmem>>, vector<1x16xf32>,
        %get3A_662 = vector.shape_cast %get3A_661 : vector<1x16xf32> to vector<16xf32>
        %mul3A_663 = arith.mulf %get3A_656, %get3A_532 : vector<16xf32>
        %add3A_664 = arith.addf %add3A_650, %mul3A_663 : vector<16xf32>
        %mul3A_665 = arith.mulf %get3A_656, %get3A_662 : vector<16xf32>
        %add3A_666 = arith.addf %add3A_652, %mul3A_665 : vector<16xf32>
        %get3A_667 = arith.index_cast %scan3A_564 : i32 to index
        %get3A_668 = arith.constant 112 : index
        %get3A_669 = tpu.vector_load %arg12[%get3A_667, %get3A_668] {strides = array<i32>} : memref<200x128xf32, #tpu.memory_space<vmem>>, vector<1x16xf32>,
        %get3A_670 = vector.shape_cast %get3A_669 : vector<1x16xf32> to vector<16xf32>
        %add3A_671 = arith.constant 1 : i32
        %add3A_672 = arith.addi %scan3A_564, %add3A_671 : i32
        %get3A_673 = arith.index_cast %add3A_672 : i32 to index
        %get3A_674 = arith.constant 112 : index
        %get3A_675 = tpu.vector_load %arg14[%get3A_673, %get3A_674] {strides = array<i32>} : memref<208x128xf32, #tpu.memory_space<vmem>>, vector<1x16xf32>,
        %get3A_676 = vector.shape_cast %get3A_675 : vector<1x16xf32> to vector<16xf32>
        %mul3A_677 = arith.mulf %get3A_670, %get3A_546 : vector<16xf32>
        %add3A_678 = arith.addf %add3A_664, %mul3A_677 : vector<16xf32>
        %mul3A_679 = arith.mulf %get3A_670, %get3A_676 : vector<16xf32>
        %add3A_680 = arith.addf %add3A_666, %mul3A_679 : vector<16xf32>
        %mul3A_681 = arith.constant 16 : i32
        %mul3A_682 = arith.muli %scan3A_564, %mul3A_681 : i32
        %swap3A_683 = arith.index_cast %mul3A_682 : i32 to index
        %swap3A_684 = tpu.vector_load %arg15[%swap3A_683] {strides = array<i32>} : memref<3200xf32, #tpu.memory_space<vmem>>, vector<16xf32>,
        %swap3A_685 = vector.shape_cast %swap3A_684 : vector<16xf32> to vector<16xf32>
        %swap3A_686 = vector.shape_cast %add3A_680 : vector<16xf32> to vector<16xf32>
        tpu.vector_store %arg15[%swap3A_683], %swap3A_686 {strides = array<i32>} : memref<3200xf32, #tpu.memory_space<vmem>>, vector<16xf32>,
        %mul3A_687 = arith.constant 16 : i32
        %mul3A_688 = arith.muli %scan3A_564, %mul3A_687 : i32
        %swap3A_689 = arith.index_cast %mul3A_688 : i32 to index
        %swap3A_690 = tpu.vector_load %arg16[%swap3A_689] {strides = array<i32>} : memref<3200xf32, #tpu.memory_space<vmem>>, vector<16xf32>,
        %swap3A_691 = vector.shape_cast %swap3A_690 : vector<16xf32> to vector<16xf32>
        %swap3A_692 = vector.shape_cast %add3A_678 : vector<16xf32> to vector<16xf32>
        tpu.vector_store %arg16[%swap3A_689], %swap3A_692 {strides = array<i32>} : memref<3200xf32, #tpu.memory_space<vmem>>, vector<16xf32>,
        scf.yield %get3A_578, %get3A_592, %get3A_606, %get3A_620, %get3A_634, %get3A_648, %get3A_662, %get3A_676 : vector<16xf32>, vector<16xf32>, vector<16xf32>, vector<16xf32>, vector<16xf32>, vector<16xf32>, vector<16xf32>, vector<16xf32>
      }
      %scan3A_162 = arith.constant 200 : i32
      %mul3A_163 = arith.constant 16 : i32
      %mul3A_164 = arith.muli %add3A_116, %mul3A_163 : i32
      "tpu.region"() ({
        %run_scoped3A = tpu.sem_alloc : memref<!tpu.dma_semaphore, #tpu.memory_space<semaphore_mem>>
        %dma_start3A_168 = tpu.memref_slice %arg5[%mul3A_164] : memref<5120000xf32, #tpu.memory_space<hbm>> -> memref<3200xf32, #tpu.memory_space<hbm>>
        %dma_start3A_169 = tpu.memref_slice %arg5[%mul3A_164] : memref<5120000xf32, #tpu.memory_space<hbm>> -> memref<3200xf32, #tpu.memory_space<hbm>>
        tpu.enqueue_dma source(%arg15 : memref<3200xf32, #tpu.memory_space<vmem>>) target(%dma_start3A_169 : memref<3200xf32, #tpu.memory_space<hbm>>) target_semaphore(%run_scoped3A : memref<!tpu.dma_semaphore, #tpu.memory_space<semaphore_mem>>)
        %dma_wait3A_170 = tpu.memref_slice %arg5[%mul3A_164] : memref<5120000xf32, #tpu.memory_space<hbm>> -> memref<3200xf32, #tpu.memory_space<hbm>>
        %dma_wait3A_171 = tpu.memref_slice %arg5[%mul3A_164] : memref<5120000xf32, #tpu.memory_space<hbm>> -> memref<3200xf32, #tpu.memory_space<hbm>>
        tpu.wait_dma2 semaphore(%run_scoped3A : memref<!tpu.dma_semaphore, #tpu.memory_space<semaphore_mem>>) src(%arg15 : memref<3200xf32, #tpu.memory_space<vmem>>) dst(%dma_wait3A_171 : memref<3200xf32, #tpu.memory_space<hbm>>)
        tpu.yield
      }) : () -> ()
      %mul3A_165 = arith.constant 16 : i32
      %mul3A_166 = arith.muli %add3A_116, %mul3A_165 : i32
      "tpu.region"() ({
        %run_scoped3A = tpu.sem_alloc : memref<!tpu.dma_semaphore, #tpu.memory_space<semaphore_mem>>
        %dma_start3A_168 = tpu.memref_slice %arg6[%mul3A_166] : memref<5120000xf32, #tpu.memory_space<hbm>> -> memref<3200xf32, #tpu.memory_space<hbm>>
        %dma_start3A_169 = tpu.memref_slice %arg6[%mul3A_166] : memref<5120000xf32, #tpu.memory_space<hbm>> -> memref<3200xf32, #tpu.memory_space<hbm>>
        tpu.enqueue_dma source(%arg16 : memref<3200xf32, #tpu.memory_space<vmem>>) target(%dma_start3A_169 : memref<3200xf32, #tpu.memory_space<hbm>>) target_semaphore(%run_scoped3A : memref<!tpu.dma_semaphore, #tpu.memory_space<semaphore_mem>>)
        %dma_wait3A_170 = tpu.memref_slice %arg6[%mul3A_166] : memref<5120000xf32, #tpu.memory_space<hbm>> -> memref<3200xf32, #tpu.memory_space<hbm>>
        %dma_wait3A_171 = tpu.memref_slice %arg6[%mul3A_166] : memref<5120000xf32, #tpu.memory_space<hbm>> -> memref<3200xf32, #tpu.memory_space<hbm>>
        tpu.wait_dma2 semaphore(%run_scoped3A : memref<!tpu.dma_semaphore, #tpu.memory_space<semaphore_mem>>) src(%arg16 : memref<3200xf32, #tpu.memory_space<vmem>>) dst(%dma_wait3A_171 : memref<3200xf32, #tpu.memory_space<hbm>>)
        tpu.yield
      }) : () -> ()
      %scan3A_167 = arith.constant 0 : i32
      scf.yield %scan3A_167 : i32
    }
    %scan3A_15 = arith.constant 25 : i32
    %dma_wait3A = arith.constant 0 : i32
    %dma_wait3A_16 = arith.constant 0 : i32
    %dma_wait3A_17 = tpu.memref_slice %arg2[%dma_wait3A, %dma_wait3A_16] : memref<10000x128xf32, #tpu.memory_space<hbm>> -> memref<10000x128xf32, #tpu.memory_space<hbm>>
    tpu.wait_indirect_dma semaphore(%arg17 : memref<!tpu.dma_semaphore, #tpu.memory_space<semaphore_mem>>) src(%dma_wait3A_17 : memref<10000x128xf32, #tpu.memory_space<hbm>>) dst(%arg11 : memref<200x128xf32, #tpu.memory_space<vmem>>)
    %dma_wait3A_18 = arith.constant 0 : i32
    %dma_wait3A_19 = arith.constant 0 : i32
    %dma_wait3A_20 = tpu.memref_slice %arg2[%dma_wait3A_18, %dma_wait3A_19] : memref<10000x128xf32, #tpu.memory_space<hbm>> -> memref<10000x128xf32, #tpu.memory_space<hbm>>
    tpu.wait_indirect_dma semaphore(%arg17 : memref<!tpu.dma_semaphore, #tpu.memory_space<semaphore_mem>>) src(%dma_wait3A_20 : memref<10000x128xf32, #tpu.memory_space<hbm>>) dst(%arg13 : memref<208x128xf32, #tpu.memory_space<vmem>>)
    return
  }
}

#map = affine_map<(d0, d1) -> (0, 0)>
#map1 = affine_map<(d0, d1) -> (0)>
#map2 = affine_map<(d0, d1) -> (0, 0, 0)>
module attributes {stable_mosaic.version = 14 : i64} {
  func.func @scat_kernel(%arg0: i32, %arg1: i32, %arg2: memref<10000x128xf32, #tpu.memory_space<hbm>>, %arg3: memref<320000xi32, #tpu.memory_space<hbm>>, %arg4: memref<320000xi32, #tpu.memory_space<hbm>>, %arg5: memref<2x10240x128xf32, #tpu.memory_space<hbm>>, %arg6: memref<80xi32, #tpu.memory_space<vmem>>, %arg7: memref<80xi32, #tpu.memory_space<vmem>>, %arg8: memref<80xi32, #tpu.memory_space<vmem>>, %arg9: memref<80xi32, #tpu.memory_space<vmem>>, %arg10: memref<80x128xf32, #tpu.memory_space<vmem>>, %arg11: memref<80x128xf32, #tpu.memory_space<vmem>>, %arg12: memref<64x128xf32, #tpu.memory_space<vmem>>, %arg13: memref<10240x128xf32, #tpu.memory_space<vmem_shared>>, %arg14: memref<!tpu.dma_semaphore, #tpu.memory_space<semaphore_mem>>, %arg15: memref<!tpu.dma_semaphore, #tpu.memory_space<semaphore_mem>>) attributes {dimension_semantics = [#tpu.dimension_semantics<core_parallel>, #tpu.dimension_semantics<subcore_parallel>], iteration_bounds = array<i64: 2, 16>, scalar_prefetch = 0 : i64, scratch_operands = 10 : i64, tpu.core_type = #tpu.core_type<sc_vector_subcore>, window_params = [{transform_indices = #map}, {transform_indices = #map1}, {transform_indices = #map1}, {transform_indices = #map2}]} {
    %mul3A = arith.constant 2 : i32
    %mul3A_0 = arith.muli %arg1, %mul3A : i32
    %add3A = arith.addi %mul3A_0, %arg0 : i32
    %mul3A_1 = arith.constant 10000 : i32
    %mul3A_2 = arith.muli %add3A, %mul3A_1 : i32
    %scan3A = arith.constant 0 : i32
    %scan3A_3 = arith.constant 0 : i32
    %scan3A_4 = arith.constant 64 : i32
    %scan3A_5 = arith.addi %scan3A_3, %scan3A_4 : i32
    %scan3A_6 = arith.constant 1 : i32
    %scan3A_7 = scf.for %scan3A_37 = %scan3A_3 to %scan3A_5 step %scan3A_6 iter_args(%scan3A_38 = %scan3A) -> (i32)  : i32 {
      %scan3A_39 = arith.constant 0 : i32
      %scan3A_40 = arith.constant 0 : i32
      %scan3A_41 = arith.constant 8 : i32
      %scan3A_42 = arith.addi %scan3A_40, %scan3A_41 : i32
      %scan3A_43 = arith.constant 1 : i32
      %scan3A_44 = scf.for %scan3A_47 = %scan3A_40 to %scan3A_42 step %scan3A_43 iter_args(%scan3A_48 = %scan3A_39) -> (i32)  : i32 {
        %broadcast_in_dim3A = arith.constant 0.000000e+00 : f32
        %broadcast_in_dim3A_49 = vector.broadcast %broadcast_in_dim3A : f32 to vector<16xf32>
        %mul3A_50 = arith.constant 16 : i32
        %mul3A_51 = arith.muli %scan3A_47, %mul3A_50 : i32
        %swap3A = arith.index_cast %scan3A_37 : i32 to index
        %swap3A_52 = arith.index_cast %mul3A_51 : i32 to index
        %swap3A_53 = tpu.vector_load %arg12[%swap3A, %swap3A_52] {strides = array<i32>} : memref<64x128xf32, #tpu.memory_space<vmem>>, vector<1x16xf32>,
        %swap3A_54 = vector.shape_cast %swap3A_53 : vector<1x16xf32> to vector<16xf32>
        %swap3A_55 = vector.shape_cast %broadcast_in_dim3A_49 : vector<16xf32> to vector<1x16xf32>
        tpu.vector_store %arg12[%swap3A, %swap3A_52], %swap3A_55 {strides = array<i32>} : memref<64x128xf32, #tpu.memory_space<vmem>>, vector<1x16xf32>,
        %scan3A_56 = arith.constant 0 : i32
        scf.yield %scan3A_56 : i32
      }
      %scan3A_45 = arith.constant 8 : i32
      %scan3A_46 = arith.constant 0 : i32
      scf.yield %scan3A_46 : i32
    }
    %scan3A_8 = arith.constant 64 : i32
    %scan3A_9 = arith.constant 0 : i32
    %scan3A_10 = arith.constant 0 : i32
    %scan3A_11 = arith.constant 10 : i32
    %scan3A_12 = arith.addi %scan3A_10, %scan3A_11 : i32
    %scan3A_13 = arith.constant 1 : i32
    %scan3A_14 = scf.for %scan3A_37 = %scan3A_10 to %scan3A_12 step %scan3A_13 iter_args(%scan3A_38 = %scan3A_9) -> (i32)  : i32 {
      %mul3A_39 = arith.constant 640 : i32
      %mul3A_40 = arith.muli %arg1, %mul3A_39 : i32
      %mul3A_41 = arith.constant 64 : i32
      %mul3A_42 = arith.muli %scan3A_37, %mul3A_41 : i32
      %add3A_43 = arith.addi %mul3A_40, %mul3A_42 : i32
      "tpu.region"() ({
        %run_scoped3A = tpu.sem_alloc : memref<!tpu.dma_semaphore, #tpu.memory_space<semaphore_mem>>
        %dma_start3A_45 = arith.constant 0 : i32
        %dma_start3A_46 = tpu.memref_slice %arg13[%add3A_43, %dma_start3A_45] : memref<10240x128xf32, #tpu.memory_space<vmem_shared>> -> memref<64x128xf32, #tpu.memory_space<vmem_shared>>
        %dma_start3A_47 = arith.constant 0 : i32
        %dma_start3A_48 = tpu.memref_slice %arg13[%add3A_43, %dma_start3A_47] : memref<10240x128xf32, #tpu.memory_space<vmem_shared>> -> memref<64x128xf32, #tpu.memory_space<vmem_shared>>
        tpu.enqueue_dma source(%arg12 : memref<64x128xf32, #tpu.memory_space<vmem>>) target(%dma_start3A_48 : memref<64x128xf32, #tpu.memory_space<vmem_shared>>) target_semaphore(%run_scoped3A : memref<!tpu.dma_semaphore, #tpu.memory_space<semaphore_mem>>)
        %dma_wait3A_49 = arith.constant 0 : i32
        %dma_wait3A_50 = tpu.memref_slice %arg13[%add3A_43, %dma_wait3A_49] : memref<10240x128xf32, #tpu.memory_space<vmem_shared>> -> memref<64x128xf32, #tpu.memory_space<vmem_shared>>
        %dma_wait3A_51 = arith.constant 0 : i32
        %dma_wait3A_52 = tpu.memref_slice %arg13[%add3A_43, %dma_wait3A_51] : memref<10240x128xf32, #tpu.memory_space<vmem_shared>> -> memref<64x128xf32, #tpu.memory_space<vmem_shared>>
        tpu.wait_dma2 semaphore(%run_scoped3A : memref<!tpu.dma_semaphore, #tpu.memory_space<semaphore_mem>>) src(%arg12 : memref<64x128xf32, #tpu.memory_space<vmem>>) dst(%dma_wait3A_52 : memref<64x128xf32, #tpu.memory_space<vmem_shared>>)
        tpu.yield
      }) : () -> ()
      %scan3A_44 = arith.constant 0 : i32
      scf.yield %scan3A_44 : i32
    }
    %scan3A_15 = arith.constant 10 : i32
    %barrier3A = arith.constant 0 : index
    tpu.barrier barrier_id(%barrier3A)
    %add3A_16 = arith.constant 0 : i32
    %add3A_17 = arith.addi %mul3A_2, %add3A_16 : i32
    "tpu.region"() ({
      %run_scoped3A = tpu.sem_alloc : memref<!tpu.dma_semaphore, #tpu.memory_space<semaphore_mem>>
      %dma_start3A_37 = tpu.memref_slice %arg3[%add3A_17] : memref<320000xi32, #tpu.memory_space<hbm>> -> memref<80xi32, #tpu.memory_space<hbm>>
      %dma_start3A_38 = tpu.memref_slice %arg3[%add3A_17] : memref<320000xi32, #tpu.memory_space<hbm>> -> memref<80xi32, #tpu.memory_space<hbm>>
      tpu.enqueue_dma source(%dma_start3A_38 : memref<80xi32, #tpu.memory_space<hbm>>) target(%arg6 : memref<80xi32, #tpu.memory_space<vmem>>) target_semaphore(%run_scoped3A : memref<!tpu.dma_semaphore, #tpu.memory_space<semaphore_mem>>)
      %dma_wait3A_39 = tpu.memref_slice %arg3[%add3A_17] : memref<320000xi32, #tpu.memory_space<hbm>> -> memref<80xi32, #tpu.memory_space<hbm>>
      %dma_wait3A_40 = tpu.memref_slice %arg3[%add3A_17] : memref<320000xi32, #tpu.memory_space<hbm>> -> memref<80xi32, #tpu.memory_space<hbm>>
      tpu.wait_dma2 semaphore(%run_scoped3A : memref<!tpu.dma_semaphore, #tpu.memory_space<semaphore_mem>>) src(%dma_wait3A_40 : memref<80xi32, #tpu.memory_space<hbm>>) dst(%arg6 : memref<80xi32, #tpu.memory_space<vmem>>)
      tpu.yield
    }) : () -> ()
    "tpu.region"() ({
      %run_scoped3A = tpu.sem_alloc : memref<!tpu.dma_semaphore, #tpu.memory_space<semaphore_mem>>
      %dma_start3A_37 = tpu.memref_slice %arg4[%add3A_17] : memref<320000xi32, #tpu.memory_space<hbm>> -> memref<80xi32, #tpu.memory_space<hbm>>
      %dma_start3A_38 = tpu.memref_slice %arg4[%add3A_17] : memref<320000xi32, #tpu.memory_space<hbm>> -> memref<80xi32, #tpu.memory_space<hbm>>
      tpu.enqueue_dma source(%dma_start3A_38 : memref<80xi32, #tpu.memory_space<hbm>>) target(%arg8 : memref<80xi32, #tpu.memory_space<vmem>>) target_semaphore(%run_scoped3A : memref<!tpu.dma_semaphore, #tpu.memory_space<semaphore_mem>>)
      %dma_wait3A_39 = tpu.memref_slice %arg4[%add3A_17] : memref<320000xi32, #tpu.memory_space<hbm>> -> memref<80xi32, #tpu.memory_space<hbm>>
      %dma_wait3A_40 = tpu.memref_slice %arg4[%add3A_17] : memref<320000xi32, #tpu.memory_space<hbm>> -> memref<80xi32, #tpu.memory_space<hbm>>
      tpu.wait_dma2 semaphore(%run_scoped3A : memref<!tpu.dma_semaphore, #tpu.memory_space<semaphore_mem>>) src(%dma_wait3A_40 : memref<80xi32, #tpu.memory_space<hbm>>) dst(%arg8 : memref<80xi32, #tpu.memory_space<vmem>>)
      tpu.yield
    }) : () -> ()
    %dma_start3A = arith.constant 0 : i32
    %dma_start3A_18 = arith.constant 0 : i32
    %dma_start3A_19 = tpu.memref_slice %arg2[%dma_start3A, %dma_start3A_18] : memref<10000x128xf32, #tpu.memory_space<hbm>> -> memref<10000x128xf32, #tpu.memory_space<hbm>>
    tpu.enqueue_indirect_dma source(%dma_start3A_19 : memref<10000x128xf32, #tpu.memory_space<hbm>>) target(%arg10 : memref<80x128xf32, #tpu.memory_space<vmem>>) offsets(%arg6 : memref<80xi32, #tpu.memory_space<vmem>>) semaphore(%arg14 : memref<!tpu.dma_semaphore, #tpu.memory_space<semaphore_mem>>)
    %scan3A_20 = arith.constant 0 : i32
    %scan3A_21 = arith.constant 0 : i32
    %scan3A_22 = arith.constant 62 : i32
    %scan3A_23 = arith.addi %scan3A_21, %scan3A_22 : i32
    %scan3A_24 = arith.constant 1 : i32
    %scan3A_25 = scf.for %scan3A_37 = %scan3A_21 to %scan3A_23 step %scan3A_24 iter_args(%scan3A_38 = %scan3A_20) -> (i32)  : i32 {
      %mul3A_39 = arith.constant 2 : i32
      %mul3A_40 = arith.muli %scan3A_37, %mul3A_39 : i32
      %add3A_41 = arith.constant 1 : i32
      %add3A_42 = arith.addi %mul3A_40, %add3A_41 : i32
      %mul3A_43 = arith.constant 80 : i32
      %mul3A_44 = arith.muli %add3A_42, %mul3A_43 : i32
      %add3A_45 = arith.addi %mul3A_2, %mul3A_44 : i32
      "tpu.region"() ({
        %run_scoped3A = tpu.sem_alloc : memref<!tpu.dma_semaphore, #tpu.memory_space<semaphore_mem>>
        %dma_start3A_65 = tpu.memref_slice %arg3[%add3A_45] : memref<320000xi32, #tpu.memory_space<hbm>> -> memref<80xi32, #tpu.memory_space<hbm>>
        %dma_start3A_66 = tpu.memref_slice %arg3[%add3A_45] : memref<320000xi32, #tpu.memory_space<hbm>> -> memref<80xi32, #tpu.memory_space<hbm>>
        tpu.enqueue_dma source(%dma_start3A_66 : memref<80xi32, #tpu.memory_space<hbm>>) target(%arg7 : memref<80xi32, #tpu.memory_space<vmem>>) target_semaphore(%run_scoped3A : memref<!tpu.dma_semaphore, #tpu.memory_space<semaphore_mem>>)
        %dma_wait3A_67 = tpu.memref_slice %arg3[%add3A_45] : memref<320000xi32, #tpu.memory_space<hbm>> -> memref<80xi32, #tpu.memory_space<hbm>>
        %dma_wait3A_68 = tpu.memref_slice %arg3[%add3A_45] : memref<320000xi32, #tpu.memory_space<hbm>> -> memref<80xi32, #tpu.memory_space<hbm>>
        tpu.wait_dma2 semaphore(%run_scoped3A : memref<!tpu.dma_semaphore, #tpu.memory_space<semaphore_mem>>) src(%dma_wait3A_68 : memref<80xi32, #tpu.memory_space<hbm>>) dst(%arg7 : memref<80xi32, #tpu.memory_space<vmem>>)
        tpu.yield
      }) : () -> ()
      "tpu.region"() ({
        %run_scoped3A = tpu.sem_alloc : memref<!tpu.dma_semaphore, #tpu.memory_space<semaphore_mem>>
        %dma_start3A_65 = tpu.memref_slice %arg4[%add3A_45] : memref<320000xi32, #tpu.memory_space<hbm>> -> memref<80xi32, #tpu.memory_space<hbm>>
        %dma_start3A_66 = tpu.memref_slice %arg4[%add3A_45] : memref<320000xi32, #tpu.memory_space<hbm>> -> memref<80xi32, #tpu.memory_space<hbm>>
        tpu.enqueue_dma source(%dma_start3A_66 : memref<80xi32, #tpu.memory_space<hbm>>) target(%arg9 : memref<80xi32, #tpu.memory_space<vmem>>) target_semaphore(%run_scoped3A : memref<!tpu.dma_semaphore, #tpu.memory_space<semaphore_mem>>)
        %dma_wait3A_67 = tpu.memref_slice %arg4[%add3A_45] : memref<320000xi32, #tpu.memory_space<hbm>> -> memref<80xi32, #tpu.memory_space<hbm>>
        %dma_wait3A_68 = tpu.memref_slice %arg4[%add3A_45] : memref<320000xi32, #tpu.memory_space<hbm>> -> memref<80xi32, #tpu.memory_space<hbm>>
        tpu.wait_dma2 semaphore(%run_scoped3A : memref<!tpu.dma_semaphore, #tpu.memory_space<semaphore_mem>>) src(%dma_wait3A_68 : memref<80xi32, #tpu.memory_space<hbm>>) dst(%arg9 : memref<80xi32, #tpu.memory_space<vmem>>)
        tpu.yield
      }) : () -> ()
      %dma_start3A_46 = arith.constant 0 : i32
      %dma_start3A_47 = arith.constant 0 : i32
      %dma_start3A_48 = tpu.memref_slice %arg2[%dma_start3A_46, %dma_start3A_47] : memref<10000x128xf32, #tpu.memory_space<hbm>> -> memref<10000x128xf32, #tpu.memory_space<hbm>>
      tpu.enqueue_indirect_dma source(%dma_start3A_48 : memref<10000x128xf32, #tpu.memory_space<hbm>>) target(%arg11 : memref<80x128xf32, #tpu.memory_space<vmem>>) offsets(%arg7 : memref<80xi32, #tpu.memory_space<vmem>>) semaphore(%arg15 : memref<!tpu.dma_semaphore, #tpu.memory_space<semaphore_mem>>)
      %dma_wait3A_49 = arith.constant 0 : i32
      %dma_wait3A_50 = arith.constant 0 : i32
      %dma_wait3A_51 = tpu.memref_slice %arg2[%dma_wait3A_49, %dma_wait3A_50] : memref<10000x128xf32, #tpu.memory_space<hbm>> -> memref<10000x128xf32, #tpu.memory_space<hbm>>
      tpu.wait_indirect_dma semaphore(%arg14 : memref<!tpu.dma_semaphore, #tpu.memory_space<semaphore_mem>>) src(%dma_wait3A_51 : memref<10000x128xf32, #tpu.memory_space<hbm>>) dst(%arg10 : memref<80x128xf32, #tpu.memory_space<vmem>>)
      "tpu.region"() ({
        %run_scoped3A = tpu.sem_alloc : memref<!tpu.dma_semaphore, #tpu.memory_space<semaphore_mem>>
        %dma_start3A_65 = arith.constant 0 : i32
        %dma_start3A_66 = arith.constant 0 : i32
        %dma_start3A_67 = tpu.memref_slice %arg13[%dma_start3A_65, %dma_start3A_66] : memref<10240x128xf32, #tpu.memory_space<vmem_shared>> -> memref<10240x128xf32, #tpu.memory_space<vmem_shared>>
        tpu.enqueue_indirect_dma source(%arg10 : memref<80x128xf32, #tpu.memory_space<vmem>>) target(%dma_start3A_67 : memref<10240x128xf32, #tpu.memory_space<vmem_shared>>) offsets(%arg8 : memref<80xi32, #tpu.memory_space<vmem>>) semaphore(%run_scoped3A : memref<!tpu.dma_semaphore, #tpu.memory_space<semaphore_mem>>) {add = true}
        %dma_wait3A_68 = arith.constant 0 : i32
        %dma_wait3A_69 = arith.constant 0 : i32
        %dma_wait3A_70 = tpu.memref_slice %arg13[%dma_wait3A_68, %dma_wait3A_69] : memref<10240x128xf32, #tpu.memory_space<vmem_shared>> -> memref<10240x128xf32, #tpu.memory_space<vmem_shared>>
        tpu.wait_indirect_dma semaphore(%run_scoped3A : memref<!tpu.dma_semaphore, #tpu.memory_space<semaphore_mem>>) src(%arg10 : memref<80x128xf32, #tpu.memory_space<vmem>>) dst(%dma_wait3A_70 : memref<10240x128xf32, #tpu.memory_space<vmem_shared>>)
        tpu.yield
      }) : () -> ()
      %add3A_52 = arith.constant 2 : i32
      %add3A_53 = arith.addi %mul3A_40, %add3A_52 : i32
      %rem3A = arith.constant 125 : i32
      %rem3A_54 = arith.remsi %add3A_53, %rem3A : i32
      %mul3A_55 = arith.constant 80 : i32
      %mul3A_56 = arith.muli %rem3A_54, %mul3A_55 : i32
      %add3A_57 = arith.addi %mul3A_2, %mul3A_56 : i32
      "tpu.region"() ({
        %run_scoped3A = tpu.sem_alloc : memref<!tpu.dma_semaphore, #tpu.memory_space<semaphore_mem>>
        %dma_start3A_65 = tpu.memref_slice %arg3[%add3A_57] : memref<320000xi32, #tpu.memory_space<hbm>> -> memref<80xi32, #tpu.memory_space<hbm>>
        %dma_start3A_66 = tpu.memref_slice %arg3[%add3A_57] : memref<320000xi32, #tpu.memory_space<hbm>> -> memref<80xi32, #tpu.memory_space<hbm>>
        tpu.enqueue_dma source(%dma_start3A_66 : memref<80xi32, #tpu.memory_space<hbm>>) target(%arg6 : memref<80xi32, #tpu.memory_space<vmem>>) target_semaphore(%run_scoped3A : memref<!tpu.dma_semaphore, #tpu.memory_space<semaphore_mem>>)
        %dma_wait3A_67 = tpu.memref_slice %arg3[%add3A_57] : memref<320000xi32, #tpu.memory_space<hbm>> -> memref<80xi32, #tpu.memory_space<hbm>>
        %dma_wait3A_68 = tpu.memref_slice %arg3[%add3A_57] : memref<320000xi32, #tpu.memory_space<hbm>> -> memref<80xi32, #tpu.memory_space<hbm>>
        tpu.wait_dma2 semaphore(%run_scoped3A : memref<!tpu.dma_semaphore, #tpu.memory_space<semaphore_mem>>) src(%dma_wait3A_68 : memref<80xi32, #tpu.memory_space<hbm>>) dst(%arg6 : memref<80xi32, #tpu.memory_space<vmem>>)
        tpu.yield
      }) : () -> ()
      "tpu.region"() ({
        %run_scoped3A = tpu.sem_alloc : memref<!tpu.dma_semaphore, #tpu.memory_space<semaphore_mem>>
        %dma_start3A_65 = tpu.memref_slice %arg4[%add3A_57] : memref<320000xi32, #tpu.memory_space<hbm>> -> memref<80xi32, #tpu.memory_space<hbm>>
        %dma_start3A_66 = tpu.memref_slice %arg4[%add3A_57] : memref<320000xi32, #tpu.memory_space<hbm>> -> memref<80xi32, #tpu.memory_space<hbm>>
        tpu.enqueue_dma source(%dma_start3A_66 : memref<80xi32, #tpu.memory_space<hbm>>) target(%arg8 : memref<80xi32, #tpu.memory_space<vmem>>) target_semaphore(%run_scoped3A : memref<!tpu.dma_semaphore, #tpu.memory_space<semaphore_mem>>)
        %dma_wait3A_67 = tpu.memref_slice %arg4[%add3A_57] : memref<320000xi32, #tpu.memory_space<hbm>> -> memref<80xi32, #tpu.memory_space<hbm>>
        %dma_wait3A_68 = tpu.memref_slice %arg4[%add3A_57] : memref<320000xi32, #tpu.memory_space<hbm>> -> memref<80xi32, #tpu.memory_space<hbm>>
        tpu.wait_dma2 semaphore(%run_scoped3A : memref<!tpu.dma_semaphore, #tpu.memory_space<semaphore_mem>>) src(%dma_wait3A_68 : memref<80xi32, #tpu.memory_space<hbm>>) dst(%arg8 : memref<80xi32, #tpu.memory_space<vmem>>)
        tpu.yield
      }) : () -> ()
      %dma_start3A_58 = arith.constant 0 : i32
      %dma_start3A_59 = arith.constant 0 : i32
      %dma_start3A_60 = tpu.memref_slice %arg2[%dma_start3A_58, %dma_start3A_59] : memref<10000x128xf32, #tpu.memory_space<hbm>> -> memref<10000x128xf32, #tpu.memory_space<hbm>>
      tpu.enqueue_indirect_dma source(%dma_start3A_60 : memref<10000x128xf32, #tpu.memory_space<hbm>>) target(%arg10 : memref<80x128xf32, #tpu.memory_space<vmem>>) offsets(%arg6 : memref<80xi32, #tpu.memory_space<vmem>>) semaphore(%arg14 : memref<!tpu.dma_semaphore, #tpu.memory_space<semaphore_mem>>)
      %dma_wait3A_61 = arith.constant 0 : i32
      %dma_wait3A_62 = arith.constant 0 : i32
      %dma_wait3A_63 = tpu.memref_slice %arg2[%dma_wait3A_61, %dma_wait3A_62] : memref<10000x128xf32, #tpu.memory_space<hbm>> -> memref<10000x128xf32, #tpu.memory_space<hbm>>
      tpu.wait_indirect_dma semaphore(%arg15 : memref<!tpu.dma_semaphore, #tpu.memory_space<semaphore_mem>>) src(%dma_wait3A_63 : memref<10000x128xf32, #tpu.memory_space<hbm>>) dst(%arg11 : memref<80x128xf32, #tpu.memory_space<vmem>>)
      "tpu.region"() ({
        %run_scoped3A = tpu.sem_alloc : memref<!tpu.dma_semaphore, #tpu.memory_space<semaphore_mem>>
        %dma_start3A_65 = arith.constant 0 : i32
        %dma_start3A_66 = arith.constant 0 : i32
        %dma_start3A_67 = tpu.memref_slice %arg13[%dma_start3A_65, %dma_start3A_66] : memref<10240x128xf32, #tpu.memory_space<vmem_shared>> -> memref<10240x128xf32, #tpu.memory_space<vmem_shared>>
        tpu.enqueue_indirect_dma source(%arg11 : memref<80x128xf32, #tpu.memory_space<vmem>>) target(%dma_start3A_67 : memref<10240x128xf32, #tpu.memory_space<vmem_shared>>) offsets(%arg9 : memref<80xi32, #tpu.memory_space<vmem>>) semaphore(%run_scoped3A : memref<!tpu.dma_semaphore, #tpu.memory_space<semaphore_mem>>) {add = true}
        %dma_wait3A_68 = arith.constant 0 : i32
        %dma_wait3A_69 = arith.constant 0 : i32
        %dma_wait3A_70 = tpu.memref_slice %arg13[%dma_wait3A_68, %dma_wait3A_69] : memref<10240x128xf32, #tpu.memory_space<vmem_shared>> -> memref<10240x128xf32, #tpu.memory_space<vmem_shared>>
        tpu.wait_indirect_dma semaphore(%run_scoped3A : memref<!tpu.dma_semaphore, #tpu.memory_space<semaphore_mem>>) src(%arg11 : memref<80x128xf32, #tpu.memory_space<vmem>>) dst(%dma_wait3A_70 : memref<10240x128xf32, #tpu.memory_space<vmem_shared>>)
        tpu.yield
      }) : () -> ()
      %scan3A_64 = arith.constant 0 : i32
      scf.yield %scan3A_64 : i32
    }
    %scan3A_26 = arith.constant 62 : i32
    %dma_wait3A = arith.constant 0 : i32
    %dma_wait3A_27 = arith.constant 0 : i32
    %dma_wait3A_28 = tpu.memref_slice %arg2[%dma_wait3A, %dma_wait3A_27] : memref<10000x128xf32, #tpu.memory_space<hbm>> -> memref<10000x128xf32, #tpu.memory_space<hbm>>
    tpu.wait_indirect_dma semaphore(%arg14 : memref<!tpu.dma_semaphore, #tpu.memory_space<semaphore_mem>>) src(%dma_wait3A_28 : memref<10000x128xf32, #tpu.memory_space<hbm>>) dst(%arg10 : memref<80x128xf32, #tpu.memory_space<vmem>>)
    "tpu.region"() ({
      %run_scoped3A = tpu.sem_alloc : memref<!tpu.dma_semaphore, #tpu.memory_space<semaphore_mem>>
      %dma_start3A_37 = arith.constant 0 : i32
      %dma_start3A_38 = arith.constant 0 : i32
      %dma_start3A_39 = tpu.memref_slice %arg13[%dma_start3A_37, %dma_start3A_38] : memref<10240x128xf32, #tpu.memory_space<vmem_shared>> -> memref<10240x128xf32, #tpu.memory_space<vmem_shared>>
      tpu.enqueue_indirect_dma source(%arg10 : memref<80x128xf32, #tpu.memory_space<vmem>>) target(%dma_start3A_39 : memref<10240x128xf32, #tpu.memory_space<vmem_shared>>) offsets(%arg8 : memref<80xi32, #tpu.memory_space<vmem>>) semaphore(%run_scoped3A : memref<!tpu.dma_semaphore, #tpu.memory_space<semaphore_mem>>) {add = true}
      %dma_wait3A_40 = arith.constant 0 : i32
      %dma_wait3A_41 = arith.constant 0 : i32
      %dma_wait3A_42 = tpu.memref_slice %arg13[%dma_wait3A_40, %dma_wait3A_41] : memref<10240x128xf32, #tpu.memory_space<vmem_shared>> -> memref<10240x128xf32, #tpu.memory_space<vmem_shared>>
      tpu.wait_indirect_dma semaphore(%run_scoped3A : memref<!tpu.dma_semaphore, #tpu.memory_space<semaphore_mem>>) src(%arg10 : memref<80x128xf32, #tpu.memory_space<vmem>>) dst(%dma_wait3A_42 : memref<10240x128xf32, #tpu.memory_space<vmem_shared>>)
      tpu.yield
    }) : () -> ()
    %barrier3A_29 = arith.constant 0 : index
    tpu.barrier barrier_id(%barrier3A_29)
    %scan3A_30 = arith.constant 0 : i32
    %scan3A_31 = arith.constant 0 : i32
    %scan3A_32 = arith.constant 10 : i32
    %scan3A_33 = arith.addi %scan3A_31, %scan3A_32 : i32
    %scan3A_34 = arith.constant 1 : i32
    %scan3A_35 = scf.for %scan3A_37 = %scan3A_31 to %scan3A_33 step %scan3A_34 iter_args(%scan3A_38 = %scan3A_30) -> (i32)  : i32 {
      %mul3A_39 = arith.constant 640 : i32
      %mul3A_40 = arith.muli %arg1, %mul3A_39 : i32
      %mul3A_41 = arith.constant 64 : i32
      %mul3A_42 = arith.muli %scan3A_37, %mul3A_41 : i32
      %add3A_43 = arith.addi %mul3A_40, %mul3A_42 : i32
      "tpu.region"() ({
        %run_scoped3A = tpu.sem_alloc : memref<!tpu.dma_semaphore, #tpu.memory_space<semaphore_mem>>
        %dma_start3A_45 = arith.constant 0 : i32
        %dma_start3A_46 = tpu.memref_slice %arg5[%arg0, %add3A_43, %dma_start3A_45] : memref<2x10240x128xf32, #tpu.memory_space<hbm>> -> memref<1x64x128xf32, #tpu.memory_space<hbm>>
        %dma_start3A_47 = tpu.memref_squeeze %dma_start3A_46 : memref<1x64x128xf32, #tpu.memory_space<hbm>> -> memref<64x128xf32, #tpu.memory_space<hbm>>
        %dma_start3A_48 = arith.constant 0 : i32
        %dma_start3A_49 = tpu.memref_slice %arg13[%add3A_43, %dma_start3A_48] : memref<10240x128xf32, #tpu.memory_space<vmem_shared>> -> memref<64x128xf32, #tpu.memory_space<vmem_shared>>
        tpu.enqueue_dma source(%dma_start3A_49 : memref<64x128xf32, #tpu.memory_space<vmem_shared>>) target(%dma_start3A_47 : memref<64x128xf32, #tpu.memory_space<hbm>>) target_semaphore(%run_scoped3A : memref<!tpu.dma_semaphore, #tpu.memory_space<semaphore_mem>>)
        %dma_wait3A_50 = arith.constant 0 : i32
        %dma_wait3A_51 = tpu.memref_slice %arg5[%arg0, %add3A_43, %dma_wait3A_50] : memref<2x10240x128xf32, #tpu.memory_space<hbm>> -> memref<1x64x128xf32, #tpu.memory_space<hbm>>
        %dma_wait3A_52 = tpu.memref_squeeze %dma_wait3A_51 : memref<1x64x128xf32, #tpu.memory_space<hbm>> -> memref<64x128xf32, #tpu.memory_space<hbm>>
        %dma_wait3A_53 = arith.constant 0 : i32
        %dma_wait3A_54 = tpu.memref_slice %arg13[%add3A_43, %dma_wait3A_53] : memref<10240x128xf32, #tpu.memory_space<vmem_shared>> -> memref<64x128xf32, #tpu.memory_space<vmem_shared>>
        tpu.wait_dma2 semaphore(%run_scoped3A : memref<!tpu.dma_semaphore, #tpu.memory_space<semaphore_mem>>) src(%dma_wait3A_54 : memref<64x128xf32, #tpu.memory_space<vmem_shared>>) dst(%dma_wait3A_52 : memref<64x128xf32, #tpu.memory_space<hbm>>)
        tpu.yield
      }) : () -> ()
      %scan3A_44 = arith.constant 0 : i32
      scf.yield %scan3A_44 : i32
    }
    %scan3A_36 = arith.constant 10 : i32
    return
  }
}

#map = affine_map<(d0, d1) -> (0)>
#map1 = affine_map<(d0, d1) -> (0, 0)>
module attributes {stable_mosaic.version = 14 : i64} {
  func.func @deg_kernel(%arg0: i32, %arg1: i32, %arg2: memref<320000xi32, #tpu.memory_space<hbm>>, %arg3: memref<2x10240xf32, #tpu.memory_space<hbm>>, %arg4: memref<2000xi32, #tpu.memory_space<vmem>>, %arg5: memref<2000xf32, #tpu.memory_space<vmem>>, %arg6: memref<640xf32, #tpu.memory_space<vmem>>, %arg7: memref<10240xf32, #tpu.memory_space<vmem_shared>>) attributes {dimension_semantics = [#tpu.dimension_semantics<core_parallel>, #tpu.dimension_semantics<subcore_parallel>], iteration_bounds = array<i64: 2, 16>, scalar_prefetch = 0 : i64, scratch_operands = 4 : i64, tpu.core_type = #tpu.core_type<sc_vector_subcore>, window_params = [{transform_indices = #map}, {transform_indices = #map1}]} {
    %mul3A = arith.constant 2 : i32
    %mul3A_0 = arith.muli %arg1, %mul3A : i32
    %add3A = arith.addi %mul3A_0, %arg0 : i32
    %scan3A = arith.constant 0 : i32
    %scan3A_1 = arith.constant 0 : i32
    %scan3A_2 = arith.constant 125 : i32
    %scan3A_3 = arith.addi %scan3A_1, %scan3A_2 : i32
    %scan3A_4 = arith.constant 1 : i32
    %scan3A_5 = scf.for %scan3A_28 = %scan3A_1 to %scan3A_3 step %scan3A_4 iter_args(%scan3A_29 = %scan3A) -> (i32)  : i32 {
      %broadcast_in_dim3A = arith.constant 1.000000e+00 : f32
      %broadcast_in_dim3A_30 = vector.broadcast %broadcast_in_dim3A : f32 to vector<16xf32>
      %mul3A_31 = arith.constant 16 : i32
      %mul3A_32 = arith.muli %scan3A_28, %mul3A_31 : i32
      %swap3A = arith.index_cast %mul3A_32 : i32 to index
      %swap3A_33 = tpu.vector_load %arg5[%swap3A] {strides = array<i32>} : memref<2000xf32, #tpu.memory_space<vmem>>, vector<16xf32>,
      %swap3A_34 = vector.shape_cast %swap3A_33 : vector<16xf32> to vector<16xf32>
      %swap3A_35 = vector.shape_cast %broadcast_in_dim3A_30 : vector<16xf32> to vector<16xf32>
      tpu.vector_store %arg5[%swap3A], %swap3A_35 {strides = array<i32>} : memref<2000xf32, #tpu.memory_space<vmem>>, vector<16xf32>,
      %scan3A_36 = arith.constant 0 : i32
      scf.yield %scan3A_36 : i32
    }
    %scan3A_6 = arith.constant 125 : i32
    %scan3A_7 = arith.constant 0 : i32
    %scan3A_8 = arith.constant 0 : i32
    %scan3A_9 = arith.constant 40 : i32
    %scan3A_10 = arith.addi %scan3A_8, %scan3A_9 : i32
    %scan3A_11 = arith.constant 1 : i32
    %scan3A_12 = scf.for %scan3A_28 = %scan3A_8 to %scan3A_10 step %scan3A_11 iter_args(%scan3A_29 = %scan3A_7) -> (i32)  : i32 {
      %broadcast_in_dim3A = arith.constant 0.000000e+00 : f32
      %broadcast_in_dim3A_30 = vector.broadcast %broadcast_in_dim3A : f32 to vector<16xf32>
      %mul3A_31 = arith.constant 16 : i32
      %mul3A_32 = arith.muli %scan3A_28, %mul3A_31 : i32
      %swap3A = arith.index_cast %mul3A_32 : i32 to index
      %swap3A_33 = tpu.vector_load %arg6[%swap3A] {strides = array<i32>} : memref<640xf32, #tpu.memory_space<vmem>>, vector<16xf32>,
      %swap3A_34 = vector.shape_cast %swap3A_33 : vector<16xf32> to vector<16xf32>
      %swap3A_35 = vector.shape_cast %broadcast_in_dim3A_30 : vector<16xf32> to vector<16xf32>
      tpu.vector_store %arg6[%swap3A], %swap3A_35 {strides = array<i32>} : memref<640xf32, #tpu.memory_space<vmem>>, vector<16xf32>,
      %scan3A_36 = arith.constant 0 : i32
      scf.yield %scan3A_36 : i32
    }
    %scan3A_13 = arith.constant 40 : i32
    %mul3A_14 = arith.constant 640 : i32
    %mul3A_15 = arith.muli %arg1, %mul3A_14 : i32
    "tpu.region"() ({
      %run_scoped3A = tpu.sem_alloc : memref<!tpu.dma_semaphore, #tpu.memory_space<semaphore_mem>>
      %dma_start3A = tpu.memref_slice %arg7[%mul3A_15] : memref<10240xf32, #tpu.memory_space<vmem_shared>> -> memref<640xf32, #tpu.memory_space<vmem_shared>>
      %dma_start3A_28 = tpu.memref_slice %arg7[%mul3A_15] : memref<10240xf32, #tpu.memory_space<vmem_shared>> -> memref<640xf32, #tpu.memory_space<vmem_shared>>
      tpu.enqueue_dma source(%arg6 : memref<640xf32, #tpu.memory_space<vmem>>) target(%dma_start3A_28 : memref<640xf32, #tpu.memory_space<vmem_shared>>) target_semaphore(%run_scoped3A : memref<!tpu.dma_semaphore, #tpu.memory_space<semaphore_mem>>)
      %dma_wait3A = tpu.memref_slice %arg7[%mul3A_15] : memref<10240xf32, #tpu.memory_space<vmem_shared>> -> memref<640xf32, #tpu.memory_space<vmem_shared>>
      %dma_wait3A_29 = tpu.memref_slice %arg7[%mul3A_15] : memref<10240xf32, #tpu.memory_space<vmem_shared>> -> memref<640xf32, #tpu.memory_space<vmem_shared>>
      tpu.wait_dma2 semaphore(%run_scoped3A : memref<!tpu.dma_semaphore, #tpu.memory_space<semaphore_mem>>) src(%arg6 : memref<640xf32, #tpu.memory_space<vmem>>) dst(%dma_wait3A_29 : memref<640xf32, #tpu.memory_space<vmem_shared>>)
      tpu.yield
    }) : () -> ()
    %barrier3A = arith.constant 0 : index
    tpu.barrier barrier_id(%barrier3A)
    %scan3A_16 = arith.constant 0 : i32
    %scan3A_17 = arith.constant 0 : i32
    %scan3A_18 = arith.constant 5 : i32
    %scan3A_19 = arith.addi %scan3A_17, %scan3A_18 : i32
    %scan3A_20 = arith.constant 1 : i32
    %scan3A_21 = scf.for %scan3A_28 = %scan3A_17 to %scan3A_19 step %scan3A_20 iter_args(%scan3A_29 = %scan3A_16) -> (i32)  : i32 {
      %mul3A_30 = arith.constant 10000 : i32
      %mul3A_31 = arith.muli %add3A, %mul3A_30 : i32
      %mul3A_32 = arith.constant 2000 : i32
      %mul3A_33 = arith.muli %scan3A_28, %mul3A_32 : i32
      %add3A_34 = arith.addi %mul3A_31, %mul3A_33 : i32
      "tpu.region"() ({
        %run_scoped3A = tpu.sem_alloc : memref<!tpu.dma_semaphore, #tpu.memory_space<semaphore_mem>>
        %dma_start3A = tpu.memref_slice %arg2[%add3A_34] : memref<320000xi32, #tpu.memory_space<hbm>> -> memref<2000xi32, #tpu.memory_space<hbm>>
        %dma_start3A_36 = tpu.memref_slice %arg2[%add3A_34] : memref<320000xi32, #tpu.memory_space<hbm>> -> memref<2000xi32, #tpu.memory_space<hbm>>
        tpu.enqueue_dma source(%dma_start3A_36 : memref<2000xi32, #tpu.memory_space<hbm>>) target(%arg4 : memref<2000xi32, #tpu.memory_space<vmem>>) target_semaphore(%run_scoped3A : memref<!tpu.dma_semaphore, #tpu.memory_space<semaphore_mem>>)
        %dma_wait3A = tpu.memref_slice %arg2[%add3A_34] : memref<320000xi32, #tpu.memory_space<hbm>> -> memref<2000xi32, #tpu.memory_space<hbm>>
        %dma_wait3A_37 = tpu.memref_slice %arg2[%add3A_34] : memref<320000xi32, #tpu.memory_space<hbm>> -> memref<2000xi32, #tpu.memory_space<hbm>>
        tpu.wait_dma2 semaphore(%run_scoped3A : memref<!tpu.dma_semaphore, #tpu.memory_space<semaphore_mem>>) src(%dma_wait3A_37 : memref<2000xi32, #tpu.memory_space<hbm>>) dst(%arg4 : memref<2000xi32, #tpu.memory_space<vmem>>)
        tpu.yield
      }) : () -> ()
      "tpu.region"() ({
        %run_scoped3A = tpu.sem_alloc : memref<!tpu.dma_semaphore, #tpu.memory_space<semaphore_mem>>
        %dma_start3A = arith.constant 0 : i32
        %dma_start3A_36 = tpu.memref_slice %arg7[%dma_start3A] : memref<10240xf32, #tpu.memory_space<vmem_shared>> -> memref<10240xf32, #tpu.memory_space<vmem_shared>>
        tpu.enqueue_indirect_dma source(%arg5 : memref<2000xf32, #tpu.memory_space<vmem>>) target(%dma_start3A_36 : memref<10240xf32, #tpu.memory_space<vmem_shared>>) offsets(%arg4 : memref<2000xi32, #tpu.memory_space<vmem>>) semaphore(%run_scoped3A : memref<!tpu.dma_semaphore, #tpu.memory_space<semaphore_mem>>) {add = true}
        %dma_wait3A = arith.constant 0 : i32
        %dma_wait3A_37 = tpu.memref_slice %arg7[%dma_wait3A] : memref<10240xf32, #tpu.memory_space<vmem_shared>> -> memref<10240xf32, #tpu.memory_space<vmem_shared>>
        tpu.wait_indirect_dma semaphore(%run_scoped3A : memref<!tpu.dma_semaphore, #tpu.memory_space<semaphore_mem>>) src(%arg5 : memref<2000xf32, #tpu.memory_space<vmem>>) dst(%dma_wait3A_37 : memref<10240xf32, #tpu.memory_space<vmem_shared>>)
        tpu.yield
      }) : () -> ()
      %scan3A_35 = arith.constant 0 : i32
      scf.yield %scan3A_35 : i32
    }
    %scan3A_22 = arith.constant 5 : i32
    %barrier3A_23 = arith.constant 0 : index
    tpu.barrier barrier_id(%barrier3A_23)
    %mul3A_24 = arith.constant 640 : i32
    %mul3A_25 = arith.muli %arg1, %mul3A_24 : i32
    %mul3A_26 = arith.constant 640 : i32
    %mul3A_27 = arith.muli %arg1, %mul3A_26 : i32
    "tpu.region"() ({
      %run_scoped3A = tpu.sem_alloc : memref<!tpu.dma_semaphore, #tpu.memory_space<semaphore_mem>>
      %dma_start3A = tpu.memref_slice %arg3[%arg0, %mul3A_27] : memref<2x10240xf32, #tpu.memory_space<hbm>> -> memref<1x640xf32, #tpu.memory_space<hbm>>
      %dma_start3A_28 = tpu.memref_squeeze %dma_start3A : memref<1x640xf32, #tpu.memory_space<hbm>> -> memref<640xf32, #tpu.memory_space<hbm>>
      %dma_start3A_29 = tpu.memref_slice %arg7[%mul3A_25] : memref<10240xf32, #tpu.memory_space<vmem_shared>> -> memref<640xf32, #tpu.memory_space<vmem_shared>>
      tpu.enqueue_dma source(%dma_start3A_29 : memref<640xf32, #tpu.memory_space<vmem_shared>>) target(%dma_start3A_28 : memref<640xf32, #tpu.memory_space<hbm>>) target_semaphore(%run_scoped3A : memref<!tpu.dma_semaphore, #tpu.memory_space<semaphore_mem>>)
      %dma_wait3A = tpu.memref_slice %arg3[%arg0, %mul3A_27] : memref<2x10240xf32, #tpu.memory_space<hbm>> -> memref<1x640xf32, #tpu.memory_space<hbm>>
      %dma_wait3A_30 = tpu.memref_squeeze %dma_wait3A : memref<1x640xf32, #tpu.memory_space<hbm>> -> memref<640xf32, #tpu.memory_space<hbm>>
      %dma_wait3A_31 = tpu.memref_slice %arg7[%mul3A_25] : memref<10240xf32, #tpu.memory_space<vmem_shared>> -> memref<640xf32, #tpu.memory_space<vmem_shared>>
      tpu.wait_dma2 semaphore(%run_scoped3A : memref<!tpu.dma_semaphore, #tpu.memory_space<semaphore_mem>>) src(%dma_wait3A_31 : memref<640xf32, #tpu.memory_space<vmem_shared>>) dst(%dma_wait3A_30 : memref<640xf32, #tpu.memory_space<hbm>>)
      tpu.yield
    }) : () -> ()
    return
  }
}

module attributes {stable_mosaic.version = 14 : i64} {
  func.func @body(%arg0: i32, %arg1: memref<512x128xf32, #tpu.memory_space<vmem>>, %arg2: memref<128x128xf32, #tpu.memory_space<vmem>>, %arg3: memref<2x10240xf32, #tpu.memory_space<vmem>>, %arg4: memref<512x128xf32, #tpu.memory_space<vmem>>) attributes {dimension_semantics = [#tpu.dimension_semantics<arbitrary>], iteration_bounds = array<i64: 20>, scalar_prefetch = 0 : i64, scratch_operands = 0 : i64, tpu.core_type = #tpu.core_type<tc>, window_params = [{transform_indices = @transform_0, window_bounds = array<i64: 512, 128>}, {pipeline_mode = #tpu.pipeline_mode<synchronous>, transform_indices = @transform_1, window_bounds = array<i64: 128, 128>}, {pipeline_mode = #tpu.pipeline_mode<synchronous>, transform_indices = @transform_2, window_bounds = array<i64: 2, 10240>}, {transform_indices = @transform_3, window_bounds = array<i64: 512, 128>}]} {
    %mul3A = arith.constant 512 : i32
    %mul3A_0 = arith.muli %arg0, %mul3A : i32
    %get3A = arith.constant 0 : index
    %get3A_1 = arith.index_cast %mul3A_0 : i32 to index
    %get3A_2 = vector.load %arg3[%get3A, %get3A_1] : memref<2x10240xf32, #tpu.memory_space<vmem>>, vector<1x512xf32>
    %get3A_3 = vector.shape_cast %get3A_2 : vector<1x512xf32> to vector<512xf32>
    %mul3A_4 = arith.constant 512 : i32
    %mul3A_5 = arith.muli %arg0, %mul3A_4 : i32
    %get3A_6 = arith.constant 1 : index
    %get3A_7 = arith.index_cast %mul3A_5 : i32 to index
    %get3A_8 = vector.load %arg3[%get3A_6, %get3A_7] : memref<2x10240xf32, #tpu.memory_space<vmem>>, vector<1x512xf32>
    %get3A_9 = vector.shape_cast %get3A_8 : vector<1x512xf32> to vector<512xf32>
    %add3A = arith.addf %get3A_3, %get3A_9 : vector<512xf32>
    %add3A_10 = arith.constant 1.000000e+00 : f32
    %add3A_11 = vector.broadcast %add3A_10 : f32 to vector<512xf32>
    %add3A_12 = arith.addf %add3A, %add3A_11 : vector<512xf32>
    %rsqrt3A = math.rsqrt %add3A_12 : vector<512xf32>
    %get3A_13 = arith.constant 0 : index
    %get3A_14 = arith.constant 0 : index
    %get3A_15 = vector.load %arg1[%get3A_13, %get3A_14] : memref<512x128xf32, #tpu.memory_space<vmem>>, vector<512x128xf32>
    %get3A_16 = arith.constant 0 : index
    %get3A_17 = arith.constant 0 : index
    %get3A_18 = vector.load %arg2[%get3A_16, %get3A_17] : memref<128x128xf32, #tpu.memory_space<vmem>>, vector<128x128xf32>
    %dot_general3A = arith.constant dense<0.000000e+00> : vector<512x128xf32>
    %dot_general3A_19 = tpu.matmul %get3A_15, %get3A_18, %dot_general3A {dimension_numbers = #tpu.dot_dimension_numbers<[1], [0], [0], [1], [0, 0, 1, 1], [], []>, transpose_lhs_hint = false} : vector<512x128xf32>, vector<128x128xf32>, vector<512x128xf32> -> vector<512x128xf32>
    %broadcast_in_dim3A = vector.shape_cast %rsqrt3A : vector<512xf32> to vector<512x1xf32>
    %mul3A_20 = vector.broadcast %broadcast_in_dim3A : vector<512x1xf32> to vector<512x128xf32>
    %mul3A_21 = arith.mulf %dot_general3A_19, %mul3A_20 : vector<512x128xf32>
    %swap3A = arith.constant 0 : index
    %swap3A_22 = arith.constant 0 : index
    %swap3A_23 = vector.load %arg4[%swap3A, %swap3A_22] : memref<512x128xf32, #tpu.memory_space<vmem>>, vector<512x128xf32>
    tpu.vector_store %arg4[%swap3A, %swap3A_22], %mul3A_21 {strides = array<i32>} : memref<512x128xf32, #tpu.memory_space<vmem>>, vector<512x128xf32>,
    return
  }
  func.func @transform_0(%arg0: i32) -> (i32, i32) {
    %c0_i32 = arith.constant 0 : i32
    %c0_i32_0 = arith.constant 0 : i32
    return %arg0, %c0_i32 : i32, i32
  }
  func.func @transform_1(%arg0: i32) -> (i32, i32) {
    %c0_i32 = arith.constant 0 : i32
    %c0_i32_0 = arith.constant 0 : i32
    %c0_i32_1 = arith.constant 0 : i32
    return %c0_i32, %c0_i32_0 : i32, i32
  }
  func.func @transform_2(%arg0: i32) -> (i32, i32) {
    %c0_i32 = arith.constant 0 : i32
    %c0_i32_0 = arith.constant 0 : i32
    %c0_i32_1 = arith.constant 0 : i32
    return %c0_i32, %c0_i32_0 : i32, i32
  }
  func.func @transform_3(%arg0: i32) -> (i32, i32) {
    %c0_i32 = arith.constant 0 : i32
    %c0_i32_0 = arith.constant 0 : i32
    return %arg0, %c0_i32 : i32, i32
  }
}

module attributes {stable_mosaic.version = 14 : i64} {
  func.func @body(%arg0: i32, %arg1: memref<5000x128xf32, #tpu.memory_space<vmem>>, %arg2: memref<5000x128xf32, #tpu.memory_space<vmem>>, %arg3: memref<1x1xf32, #tpu.memory_space<smem>>) attributes {dimension_semantics = [#tpu.dimension_semantics<arbitrary>], iteration_bounds = array<i64: 8>, scalar_prefetch = 0 : i64, scratch_operands = 0 : i64, tpu.core_type = #tpu.core_type<tc>, window_params = [{transform_indices = @transform_0, window_bounds = array<i64: 5000, 128>}, {transform_indices = @transform_1, window_bounds = array<i64: 5000, 128>}, {transform_indices = @transform_2, window_bounds = array<i64: 1, 1>}]} {
    %iota3A = tpu.iota {dimensions = array<i32: 0>} : vector<128x8xi32>
    %jit3A = arith.constant 16 : i32
    %div3A = vector.broadcast %jit3A : i32 to vector<128x8xi32>
    %div3A_0 = arith.divsi %iota3A, %div3A : vector<128x8xi32>
    %sign3A = arith.constant 0 : i32
    %sign3A_1 = vector.broadcast %sign3A : i32 to vector<128x8xi32>
    %sign3A_2 = arith.cmpi sgt, %iota3A, %sign3A_1 : vector<128x8xi32>
    %sign3A_3 = arith.extui %sign3A_2 : vector<128x8xi1> to vector<128x8xi32>
    %sign3A_4 = arith.constant 0 : i32
    %sign3A_5 = vector.broadcast %sign3A_4 : i32 to vector<128x8xi32>
    %sign3A_6 = arith.cmpi slt, %iota3A, %sign3A_5 : vector<128x8xi32>
    %sign3A_7 = arith.extui %sign3A_6 : vector<128x8xi1> to vector<128x8xi32>
    %sign3A_8 = arith.subi %sign3A_3, %sign3A_7 : vector<128x8xi32>
    %sign3A_9 = arith.constant 0 : i32
    %sign3A_10 = arith.cmpi sgt, %jit3A, %sign3A_9 : i32
    %sign3A_11 = arith.extui %sign3A_10 : i1 to i32
    %sign3A_12 = arith.constant 0 : i32
    %sign3A_13 = arith.cmpi slt, %jit3A, %sign3A_12 : i32
    %sign3A_14 = arith.extui %sign3A_13 : i1 to i32
    %sign3A_15 = arith.subi %sign3A_11, %sign3A_14 : i32
    %ne3A = vector.broadcast %sign3A_15 : i32 to vector<128x8xi32>
    %ne3A_16 = arith.cmpi ne, %sign3A_8, %ne3A : vector<128x8xi32>
    %rem3A = vector.broadcast %jit3A : i32 to vector<128x8xi32>
    %rem3A_17 = arith.remsi %iota3A, %rem3A : vector<128x8xi32>
    %ne3A_18 = arith.constant 0 : i32
    %ne3A_19 = vector.broadcast %ne3A_18 : i32 to vector<128x8xi32>
    %ne3A_20 = arith.cmpi ne, %rem3A_17, %ne3A_19 : vector<128x8xi32>
    %and3A = arith.andi %ne3A_16, %ne3A_20 : vector<128x8xi1>
    %sub3A = arith.constant 1 : i32
    %sub3A_21 = vector.broadcast %sub3A : i32 to vector<128x8xi32>
    %sub3A_22 = arith.subi %div3A_0, %sub3A_21 : vector<128x8xi32>
    %select_n3A = arith.select %and3A, %sub3A_22, %div3A_0 : vector<128x8xi1>, vector<128x8xi32>
    %iota3A_23 = tpu.iota {dimensions = array<i32: 1>} : vector<128x8xi32>
    %eq3A = arith.cmpi eq, %select_n3A, %iota3A_23 : vector<128x8xi32>
    %convert_element_type3A = arith.extui %eq3A : vector<128x8xi1> to vector<128x8xi32>
    %convert_element_type3A_24 = arith.sitofp %convert_element_type3A : vector<128x8xi32> to vector<128x8xf32>
    %get3A = arith.constant 0 : index
    %get3A_25 = arith.constant 0 : index
    %get3A_26 = vector.load %arg1[%get3A, %get3A_25] : memref<5000x128xf32, #tpu.memory_space<vmem>>, vector<5000x128xf32>
    %dot_general3A = arith.constant dense<0.000000e+00> : vector<5000x8xf32>
    %dot_general3A_27 = tpu.matmul %get3A_26, %convert_element_type3A_24, %dot_general3A {dimension_numbers = #tpu.dot_dimension_numbers<[1], [0], [0], [1], [0, 0, 1, 1], [], []>, transpose_lhs_hint = false} : vector<5000x128xf32>, vector<128x8xf32>, vector<5000x8xf32> -> vector<5000x8xf32>
    %get3A_28 = arith.constant 0 : index
    %get3A_29 = arith.constant 0 : index
    %get3A_30 = vector.load %arg2[%get3A_28, %get3A_29] : memref<5000x128xf32, #tpu.memory_space<vmem>>, vector<5000x128xf32>
    %dot_general3A_31 = arith.constant dense<0.000000e+00> : vector<5000x8xf32>
    %dot_general3A_32 = tpu.matmul %get3A_30, %convert_element_type3A_24, %dot_general3A_31 {dimension_numbers = #tpu.dot_dimension_numbers<[1], [0], [0], [1], [0, 0, 1, 1], [], []>, transpose_lhs_hint = false} : vector<5000x128xf32>, vector<128x8xf32>, vector<5000x8xf32> -> vector<5000x8xf32>
    %mul3A = arith.constant 5000 : i32
    %mul3A_33 = arith.muli %arg0, %mul3A : i32
    %iota3A_34 = tpu.iota {dimensions = array<i32: 0>} : vector<5000x8xi32>
    %add3A = vector.broadcast %mul3A_33 : i32 to vector<5000x8xi32>
    %add3A_35 = arith.addi %add3A, %iota3A_34 : vector<5000x8xi32>
    %lt3A = arith.constant 40000 : i32
    %lt3A_36 = vector.broadcast %lt3A : i32 to vector<5000x8xi32>
    %lt3A_37 = arith.cmpi slt, %add3A_35, %lt3A_36 : vector<5000x8xi32>
    %convert_element_type3A_38 = arith.extui %lt3A_37 : vector<5000x8xi1> to vector<5000x8xi32>
    %convert_element_type3A_39 = arith.sitofp %convert_element_type3A_38 : vector<5000x8xi32> to vector<5000x8xf32>
    %min3A = arith.constant 0.000000e+00 : f32
    %min3A_40 = vector.broadcast %min3A : f32 to vector<5000x8xf32>
    %min3A_41 = arith.minimumf %dot_general3A_27, %min3A_40 : vector<5000x8xf32>
    %abs3A = math.absf %dot_general3A_27 : vector<5000x8xf32>
    %neg3A = arith.constant 0.000000e+00 : f32
    %neg3A_42 = vector.broadcast %neg3A : f32 to vector<5000x8xf32>
    %neg3A_43 = arith.subf %neg3A_42, %abs3A : vector<5000x8xf32>
    %exp3A = math.exp %neg3A_43 : vector<5000x8xf32>
    %log1p3A = math.log1p %exp3A : vector<5000x8xf32>
    %sub3A_44 = arith.subf %min3A_41, %log1p3A : vector<5000x8xf32>
    %neg3A_45 = arith.constant 0.000000e+00 : f32
    %neg3A_46 = vector.broadcast %neg3A_45 : f32 to vector<5000x8xf32>
    %neg3A_47 = arith.subf %neg3A_46, %dot_general3A_32 : vector<5000x8xf32>
    %min3A_48 = arith.constant 0.000000e+00 : f32
    %min3A_49 = vector.broadcast %min3A_48 : f32 to vector<5000x8xf32>
    %min3A_50 = arith.minimumf %neg3A_47, %min3A_49 : vector<5000x8xf32>
    %abs3A_51 = math.absf %neg3A_47 : vector<5000x8xf32>
    %neg3A_52 = arith.constant 0.000000e+00 : f32
    %neg3A_53 = vector.broadcast %neg3A_52 : f32 to vector<5000x8xf32>
    %neg3A_54 = arith.subf %neg3A_53, %abs3A_51 : vector<5000x8xf32>
    %exp3A_55 = math.exp %neg3A_54 : vector<5000x8xf32>
    %log1p3A_56 = math.log1p %exp3A_55 : vector<5000x8xf32>
    %sub3A_57 = arith.subf %min3A_50, %log1p3A_56 : vector<5000x8xf32>
    %add3A_58 = arith.addf %sub3A_44, %sub3A_57 : vector<5000x8xf32>
    %mul3A_59 = arith.mulf %add3A_58, %convert_element_type3A_39 : vector<5000x8xf32>
    %reduce_sum3A = vector.shape_cast %mul3A_59 : vector<5000x8xf32> to vector<1x5000x8xf32>
    %reduce_sum3A_60 = arith.constant dense<0.000000e+00> : vector<1xf32>
    %reduce_sum3A_61 = vector.multi_reduction <add>, %reduce_sum3A, %reduce_sum3A_60 [1, 2] : vector<1x5000x8xf32> to vector<1xf32>
    %reduce_sum3A_62 = vector.shape_cast %reduce_sum3A_61 : vector<1xf32> to vector<1x1x1xf32>
    %reduce_sum3A_63 = vector.extract %reduce_sum3A_62[0, 0, 0] : f32 from vector<1x1x1xf32>
    %eq3A_64 = arith.constant 0 : i32
    %eq3A_65 = arith.cmpi eq, %arg0, %eq3A_64 : i32
    %get3A_66 = arith.constant 0 : index
    %get3A_67 = arith.constant 0 : index
    %get3A_68 = memref.load %arg3[%get3A_66, %get3A_67] : memref<1x1xf32, #tpu.memory_space<smem>>
    %jit3A_69 = arith.constant 0.000000e+00 : f32
    %select_n3A_70 = arith.select %eq3A_65, %jit3A_69, %get3A_68 : f32
    %add3A_71 = arith.addf %select_n3A_70, %reduce_sum3A_63 : f32
    %eq3A_72 = arith.constant 7 : i32
    %eq3A_73 = arith.cmpi eq, %arg0, %eq3A_72 : i32
    %neg3A_74 = arith.constant 0.000000e+00 : f32
    %neg3A_75 = arith.subf %neg3A_74, %add3A_71 : f32
    %div3A_76 = arith.constant 3.200000e+05 : f32
    %div3A_77 = arith.divf %neg3A_75, %div3A_76 : f32
    %select_n3A_78 = arith.select %eq3A_73, %div3A_77, %add3A_71 : f32
    %swap3A = arith.constant 0 : index
    %swap3A_79 = arith.constant 0 : index
    %swap3A_80 = memref.load %arg3[%swap3A, %swap3A_79] : memref<1x1xf32, #tpu.memory_space<smem>>
    memref.store %select_n3A_78, %arg3[%swap3A, %swap3A_79] : memref<1x1xf32, #tpu.memory_space<smem>>
    return
  }
  func.func @transform_0(%arg0: i32) -> (i32, i32) {
    %c0_i32 = arith.constant 0 : i32
    %c0_i32_0 = arith.constant 0 : i32
    return %arg0, %c0_i32 : i32, i32
  }
  func.func @transform_1(%arg0: i32) -> (i32, i32) {
    %c0_i32 = arith.constant 0 : i32
    %c0_i32_0 = arith.constant 0 : i32
    return %arg0, %c0_i32 : i32, i32
  }
  func.func @transform_2(%arg0: i32) -> (i32, i32) {
    %c0_i32 = arith.constant 0 : i32
    %c0_i32_0 = arith.constant 0 : i32
    %c0_i32_1 = arith.constant 0 : i32
    return %c0_i32, %c0_i32_0 : i32, i32
  }
}

module attributes {stable_mosaic.version = 14 : i64} {
  func.func @body(%arg0: i32, %arg1: memref<2x512x128xf32, #tpu.memory_space<vmem>>, %arg2: memref<512x128xf32, #tpu.memory_space<vmem>>, %arg3: memref<2x10240xf32, #tpu.memory_space<vmem>>, %arg4: memref<1x128xf32, #tpu.memory_space<vmem>>, %arg5: memref<512x128xf32, #tpu.memory_space<vmem>>) attributes {dimension_semantics = [#tpu.dimension_semantics<arbitrary>], iteration_bounds = array<i64: 20>, scalar_prefetch = 0 : i64, scratch_operands = 0 : i64, tpu.core_type = #tpu.core_type<tc>, window_params = [{transform_indices = @transform_0, window_bounds = array<i64: 2, 512, 128>}, {transform_indices = @transform_1, window_bounds = array<i64: 512, 128>}, {pipeline_mode = #tpu.pipeline_mode<synchronous>, transform_indices = @transform_2, window_bounds = array<i64: 2, 10240>}, {pipeline_mode = #tpu.pipeline_mode<synchronous>, transform_indices = @transform_3, window_bounds = array<i64: 1, 128>}, {transform_indices = @transform_4, window_bounds = array<i64: 512, 128>}]} {
    %mul3A = arith.constant 512 : i32
    %mul3A_0 = arith.muli %arg0, %mul3A : i32
    %get3A = arith.constant 0 : index
    %get3A_1 = arith.index_cast %mul3A_0 : i32 to index
    %get3A_2 = vector.load %arg3[%get3A, %get3A_1] : memref<2x10240xf32, #tpu.memory_space<vmem>>, vector<1x512xf32>
    %get3A_3 = vector.shape_cast %get3A_2 : vector<1x512xf32> to vector<512xf32>
    %mul3A_4 = arith.constant 512 : i32
    %mul3A_5 = arith.muli %arg0, %mul3A_4 : i32
    %get3A_6 = arith.constant 1 : index
    %get3A_7 = arith.index_cast %mul3A_5 : i32 to index
    %get3A_8 = vector.load %arg3[%get3A_6, %get3A_7] : memref<2x10240xf32, #tpu.memory_space<vmem>>, vector<1x512xf32>
    %get3A_9 = vector.shape_cast %get3A_8 : vector<1x512xf32> to vector<512xf32>
    %add3A = arith.addf %get3A_3, %get3A_9 : vector<512xf32>
    %add3A_10 = arith.constant 1.000000e+00 : f32
    %add3A_11 = vector.broadcast %add3A_10 : f32 to vector<512xf32>
    %add3A_12 = arith.addf %add3A, %add3A_11 : vector<512xf32>
    %rsqrt3A = math.rsqrt %add3A_12 : vector<512xf32>
    %get3A_13 = arith.constant 0 : index
    %get3A_14 = arith.constant 0 : index
    %get3A_15 = arith.constant 0 : index
    %get3A_16 = vector.load %arg1[%get3A_13, %get3A_14, %get3A_15] : memref<2x512x128xf32, #tpu.memory_space<vmem>>, vector<1x512x128xf32>
    %get3A_17 = vector.shape_cast %get3A_16 : vector<1x512x128xf32> to vector<512x128xf32>
    %get3A_18 = arith.constant 1 : index
    %get3A_19 = arith.constant 0 : index
    %get3A_20 = arith.constant 0 : index
    %get3A_21 = vector.load %arg1[%get3A_18, %get3A_19, %get3A_20] : memref<2x512x128xf32, #tpu.memory_space<vmem>>, vector<1x512x128xf32>
    %get3A_22 = vector.shape_cast %get3A_21 : vector<1x512x128xf32> to vector<512x128xf32>
    %add3A_23 = arith.addf %get3A_17, %get3A_22 : vector<512x128xf32>
    %get3A_24 = arith.constant 0 : index
    %get3A_25 = arith.constant 0 : index
    %get3A_26 = vector.load %arg2[%get3A_24, %get3A_25] : memref<512x128xf32, #tpu.memory_space<vmem>>, vector<512x128xf32>
    %add3A_27 = arith.addf %add3A_23, %get3A_26 : vector<512x128xf32>
    %broadcast_in_dim3A = vector.shape_cast %rsqrt3A : vector<512xf32> to vector<512x1xf32>
    %mul3A_28 = vector.broadcast %broadcast_in_dim3A : vector<512x1xf32> to vector<512x128xf32>
    %mul3A_29 = arith.mulf %add3A_27, %mul3A_28 : vector<512x128xf32>
    %get3A_30 = arith.constant 0 : index
    %get3A_31 = arith.constant 0 : index
    %get3A_32 = vector.load %arg4[%get3A_30, %get3A_31] : memref<1x128xf32, #tpu.memory_space<vmem>>, vector<1x128xf32>
    %add3A_33 = vector.broadcast %get3A_32 : vector<1x128xf32> to vector<512x128xf32>
    %add3A_34 = arith.addf %mul3A_29, %add3A_33 : vector<512x128xf32>
    %max3A = arith.constant 0.000000e+00 : f32
    %max3A_35 = vector.broadcast %max3A : f32 to vector<512x128xf32>
    %max3A_36 = arith.maximumf %add3A_34, %max3A_35 : vector<512x128xf32>
    %mul3A_37 = arith.mulf %max3A_36, %max3A_36 : vector<512x128xf32>
    %reduce_sum3A = arith.constant dense<0.000000e+00> : vector<512xf32>
    %reduce_sum3A_38 = vector.multi_reduction <add>, %mul3A_37, %reduce_sum3A [1] : vector<512x128xf32> to vector<512xf32>
    %broadcast_in_dim3A_39 = vector.shape_cast %reduce_sum3A_38 : vector<512xf32> to vector<512x1xf32>
    %sqrt3A = math.sqrt %broadcast_in_dim3A_39 : vector<512x1xf32>
    %max3A_40 = arith.constant 9.99999996E-13 : f32
    %max3A_41 = vector.broadcast %max3A_40 : f32 to vector<512x1xf32>
    %max3A_42 = arith.maximumf %sqrt3A, %max3A_41 : vector<512x1xf32>
    %div3A = vector.broadcast %max3A_42 : vector<512x1xf32> to vector<512x128xf32>
    %div3A_43 = arith.divf %max3A_36, %div3A : vector<512x128xf32>
    %swap3A = arith.constant 0 : index
    %swap3A_44 = arith.constant 0 : index
    %swap3A_45 = vector.load %arg5[%swap3A, %swap3A_44] : memref<512x128xf32, #tpu.memory_space<vmem>>, vector<512x128xf32>
    tpu.vector_store %arg5[%swap3A, %swap3A_44], %div3A_43 {strides = array<i32>} : memref<512x128xf32, #tpu.memory_space<vmem>>, vector<512x128xf32>,
    return
  }
  func.func @transform_0(%arg0: i32) -> (i32, i32, i32) {
    %c0_i32 = arith.constant 0 : i32
    %c0_i32_0 = arith.constant 0 : i32
    %c0_i32_1 = arith.constant 0 : i32
    return %c0_i32, %arg0, %c0_i32_0 : i32, i32, i32
  }
  func.func @transform_1(%arg0: i32) -> (i32, i32) {
    %c0_i32 = arith.constant 0 : i32
    %c0_i32_0 = arith.constant 0 : i32
    return %arg0, %c0_i32 : i32, i32
  }
  func.func @transform_2(%arg0: i32) -> (i32, i32) {
    %c0_i32 = arith.constant 0 : i32
    %c0_i32_0 = arith.constant 0 : i32
    %c0_i32_1 = arith.constant 0 : i32
    return %c0_i32, %c0_i32_0 : i32, i32
  }
  func.func @transform_3(%arg0: i32) -> (i32, i32) {
    %c0_i32 = arith.constant 0 : i32
    %c0_i32_0 = arith.constant 0 : i32
    %c0_i32_1 = arith.constant 0 : i32
    return %c0_i32, %c0_i32_0 : i32, i32
  }
  func.func @transform_4(%arg0: i32) -> (i32, i32) {
    %c0_i32 = arith.constant 0 : i32
    %c0_i32_0 = arith.constant 0 : i32
    return %arg0, %c0_i32 : i32, i32
  }
}

</mosaic_0001>

<sc_bundles>
// kernel: kernel.11.cloned.1.call-start
scs
__scs_entry_jumppad:
0x0: {  	(pc) =	sbr.rel $0x88, $3  }
0x1: {  	(tag) =	ssettag $0x0;
	lr =	simm.s32 $0x1  }
0x2: {  	[smem:$0x3F9D] =	sst lr;
	_ =	strace $0xD0000000  }
0x3: {  	_ = 	snop  }
0x4: {  	_ = 	snop  }
0x5: {  	_ = 	snop  }
0x6: {  	_ = 	snop  }
0x7: {  	_ = 	snop  }
__scs_overlays_trampoline_lowered:
0x8: {  	[smem:$0x3FAC] =	sst s0  }
0x9: {  	[smem:$0x3FAD] =	sst s1  }
0xa: {  	[smem:$0x3FAE] =	sst s2  }
0xb: {  	[smem:$0x3FAF] =	sst s3  }
0xc: {  	[smem:$0x3FB0] =	sst s4  }
0xd: {  	[smem:$0x3FB1] =	sst s5  }
0xe: {  	[smem:$0x3FB2] =	sst s6  }
0xf: {  	[smem:$0x3FB3] =	sst s7  }
0x10: {  	[smem:$0x3FB4] =	sst s8  }
0x11: {  	[smem:$0x3FB5] =	sst s9;
	s0 =	simm.s32 @!p0 $0x0  }
0x12: {  	s1 =	sld [smem:$0x3F9B];
	s0 =	simm.s32 @p0 $0x1  }
0x13: {  	[smem:$0x3FB6] =	sst s0;
	s0 =	simm.s32 @!p1 $0x0  }
0x14: {  	s2 =	sld [smem:$0x3F9A];
	s0 =	simm.s32 @p1 $0x1  }
0x15: {  	[smem:$0x3FB7] =	sst s0;
	s0 =	simm.s32 @!p2 $0x0  }
0x16: {  	s3 =	sld [smem:$0x3FDB];
	s0 =	simm.s32 @p2 $0x1  }
0x17: {  	s4 =	simm.s32 $0x1BF5;
	[smem:$0x3FB9] =	sst s0  }
0x18: {  	s0 =	sld [smem:$0x3F9C];
	_ =	swait.ge [sflag:s4], $0x0  }
0x19: {  	s7 =	sld [smem:$0x3F9D]  }
0x1a: {  	s8 =	sadd.s32 $0xFFFFE003, lr  }
0x1b: {  	s9 =	sadd.s32 $0xFFFFFEF7, lr;
	s5 =	simm.s32 $0xFFFFFFFF;
	p2 =	slt.u32 s8, $0xFFFFF086  }
0x1c: {  	p1 =	slt.u32 s9, $0xF7A;
	s5 =	simm.s32 @!p2 $0x0  }
0x1d: {  	s5 =	simm.s32 @p1 $0x1;
	p0 =	seq.s32 s7, s2  }
0x1e: {  	s7 =	smul.u32 @!p0 $0xF7A, s2;
	p2 =	seq.s32 @!p0 s5, $0x0  }
0x1f: {  	s9 =	smul.u32 $0xF7A, s1;
	s8 =	simm.s32 @!p0 $0x1BF5;
	p2 =	por !p2, p0  }
0x20: {  	[sflag:s8] =	ssyncset.s32 @!p0 $0xFFFFF086;
	s6 =	sadd.s32 @!p0 s3, s7;
	s7 =	simm.s32 @!p0 $0x108  }
0x21: {  	s3 =	sadd.s32 s3, s9;
	s6 =	sadd.s32 @!p0 $0x88, s6;
	s7 =	simm.s32 @p2 $0x1082  }
0x22: {  	[simem:s7], [sflag:s8] =	dma.local @!p0 [hbm:s6], $0xF7A  }
0x23: {  	s9 =	sor.u32 $0xD0000000, s2;
	s6 =	simm.s32 $0x108;
	_ =	swait.ge @!p0 [sflag:s8], $0x0  }
0x24: {  	s3 =	sadd.s32 $0x88, s3;
	s6 =	simm.s32 @!p1 $0x1082;
	[sflag:s4] =	ssyncset.s32 $0xFFFFF086  }
0x25: {  	[simem:s6], [sflag:s4] =	dma.local [hbm:s3], $0xF7A  }
0x26: {  	[smem:$0x3F9D] =	sst s1;
	(tag) =	ssettag s2;
	_ =	strace s9  }
0x27: {  	s1 =	sld [smem:$0x3FAD]  }
0x28: {  	s2 =	sld [smem:$0x3FAE]  }
0x29: {  	s4 =	sld [smem:$0x3FB0]  }
0x2a: {  	p0 =	seq.s32 s5, $0x0;
	s5 =	sld [smem:$0x3FB1]  }
0x2b: {  	s6 =	sld [smem:$0x3FB2]  }
0x2c: {  	s7 =	sld [smem:$0x3FB3]  }
0x2d: {  	s3 =	simm.s32 $0x108;
	s8 =	sld [smem:$0x3FB4]  }
0x2e: {  	s3 =	simm.s32 @!p0 $0x1082;
	s9 =	sld [smem:$0x3FB5]  }
0x2f: {  	lr =	sadd.s32 s0, s3;
	s0 =	sld [smem:$0x3FAC]  }
0x30: {  	s3 =	sld [smem:$0x3FAF]  }
0x31: {  	[smem:$0x3FB8] =	sst s10  }
0x32: {  	s10 =	sld [smem:$0x3FB6];
	_ =	sdelay $0x3  }
0x33: {  	p0 =	seq.s32 s10, $0x1;
	s10 =	sld [smem:$0x3FB8];
	_ =	sdelay $0x3  }
0x34: {  	[smem:$0x3FB8] =	sst s10  }
0x35: {  	s10 =	sld [smem:$0x3FB7];
	_ =	sdelay $0x3  }
0x36: {  	p1 =	seq.s32 s10, $0x1;
	s10 =	sld [smem:$0x3FB8];
	_ =	sdelay $0x3  }
0x37: {  	[smem:$0x3FB8] =	sst s10  }
0x38: {  	s10 =	sld [smem:$0x3FB9]  }
0x39: {  	_ = 	snop;
	(pc) =	sbr.ind lr, $3  }
0x3a: {  	_ = 	snop  }
0x3b: {  	_ = 	snop  }
0x3c: {  	p2 =	seq.s32 s10, $0x1;
	s10 =	sld [smem:$0x3FB8]  }
0x3d: {  	_ =	shalt  }
0x3e: {  	_ =	shalt  }
0x3f: {  	_ =	shalt  }
0x40: {  	_ =	shalt  }
0x41: {  	_ =	shalt  }
0x42: {  	_ =	shalt  }
0x43: {  	_ =	shalt  }
0x44: {  	_ =	shalt  }
0x45: {  	_ =	shalt  }
0x46: {  	_ =	shalt  }
0x47: {  	_ =	shalt  }
0x48: {  	_ =	shalt  }
0x49: {  	_ =	shalt  }
0x4a: {  	_ =	shalt  }
0x4b: {  	_ =	shalt  }
0x4c: {  	_ =	shalt  }
0x4d: {  	_ =	shalt  }
0x4e: {  	_ =	shalt  }
0x4f: {  	_ =	shalt  }
0x50: {  	_ =	shalt  }
0x51: {  	_ =	shalt  }
0x52: {  	_ =	shalt  }
0x53: {  	_ =	shalt  }
0x54: {  	_ =	shalt  }
0x55: {  	_ =	shalt  }
0x56: {  	_ =	shalt  }
0x57: {  	_ =	shalt  }
0x58: {  	_ =	shalt  }
0x59: {  	_ =	shalt  }
0x5a: {  	_ =	shalt  }
0x5b: {  	_ =	shalt  }
0x5c: {  	_ =	shalt  }
0x5d: {  	_ =	shalt  }
0x5e: {  	_ =	shalt  }
0x5f: {  	_ =	shalt  }
0x60: {  	_ =	shalt  }
0x61: {  	_ =	shalt  }
0x62: {  	_ =	shalt  }
0x63: {  	_ =	shalt  }
0x64: {  	_ =	shalt  }
0x65: {  	_ =	shalt  }
0x66: {  	_ =	shalt  }
0x67: {  	_ =	shalt  }
0x68: {  	_ =	shalt  }
0x69: {  	_ =	shalt  }
0x6a: {  	_ =	shalt  }
0x6b: {  	_ =	shalt  }
0x6c: {  	_ =	shalt  }
0x6d: {  	_ =	shalt  }
0x6e: {  	_ =	shalt  }
0x6f: {  	_ =	shalt  }
0x70: {  	_ =	shalt  }
0x71: {  	_ =	shalt  }
0x72: {  	_ =	shalt  }
0x73: {  	_ =	shalt  }
0x74: {  	_ =	shalt  }
0x75: {  	_ =	shalt  }
0x76: {  	_ =	shalt  }
0x77: {  	_ =	shalt  }
0x78: {  	_ =	shalt  }
0x79: {  	_ =	shalt  }
0x7a: {  	_ =	shalt  }
0x7b: {  	_ =	shalt  }
0x7c: {  	_ =	shalt  }
0x7d: {  	_ =	shalt  }
0x7e: {  	_ =	shalt  }
0x7f: {  	_ =	shalt  }
0x80: {  	_ =	shalt  }
0x81: {  	_ =	shalt  }
0x82: {  	_ =	shalt  }
0x83: {  	_ =	shalt  }
0x84: {  	_ =	shalt  }
0x85: {  	_ =	shalt  }
0x86: {  	_ =	shalt  }
0x87: {  	_ =	shalt  }
.Lfunc_end0:
.L_simem_size_0:
called_computation.1_lowered:
.L_overlay_start_0:
0x88: {  	s2 =	sld [smem:$0x3FD9]  }
0x89: {  	s3 =	sld [smem:$0x3FFE];
	_ =	sdelay $0x1  }
0x8a: {  	s1 =	srdreg.scid  }
0x8b: {  	s0 =	sand.u32 $0x1, s1  }
0x8c: {  	s14 =	sshll.u32 s0, $0xA;
	s2 =	sadd.s32 s3, s2  }
0x8d: {  	s2 =	sadd.s32 s2, s14  }
0x8e: {  	[smem:$0x3FC4] =	sst s2  }
0x8f: {  	_ = 	snop  }
0x90: {  	s2 =	sld [smem:$0x3FD0];
	_ =	sdelay $0x2  }
0x91: {  	s15 =	simm.s32 $0xA;
	s4 =	simm.s32 $0x10  }
0x92: {  	[smem:s4], [sflag:s15] =	dma.local [hbm:s2], $0x1  }
0x93: {  	_ =	swait.eq [sflag:s15], $0x1  }
0x94: {  	[sflag:s15] =	ssyncset.done $0x0  }
0x95: {  	[sflag:s15] =	ssyncadd.s32 $0xFFFFFFFF  }
0x96: {  	s16 =	sld [smem:$0x10];
	(tm) =	ssettm $0x1  }
0x97: {  	s17 =	sld [smem:$0x3FFB];
	_ =	sdelay $0x3  }
0x98: {  	_ =	strace s17  }
0x99: {  	s3 =	sld [smem:$0x3FFC];
	_ =	sdelay $0x3  }
0x9a: {  	_ =	strace s3  }
0x9b: {  	s3 =	sld [smem:$0x3FFD];
	_ =	sdelay $0x3  }
0x9c: {  	_ =	strace s3  }
0x9d: {  	_ =	strace $0x8FFFFFFF  }
0x9e: {  	s18 =	sld [smem:$0x3FDB];
	_ =	sdelay $0x1  }
0x9f: {  	s19 =	simm.s32 $_scs_section_size  }
0xa0: {  	s5 =	simm.s32 $_size__tile_overlayer_lowered;
	s6 =	simm.s32 $_tile_overlayer_lowered  }
0xa1: {  	s22 =	simm.s32 $0x1BFF;
	s21 =	sshll.u32 s6, $0x1;
	s3 =	sadd.s32 s19, s18  }
0xa2: {  	s7 =	simm.s32 $0x0;
	s20 =	sshll.u32 s5, $0x1;
	s5 =	sadd.s32 s21, s3  }
0xa3: {  	[timem:s7], [sflag:s22] =	dma.local [hbm:s5], s20  }
0xa4: {  	_ =	swait.ge [sflag:s22], s20  }
0xa5: {  	s4 =	ssub.s32 $0x0, s20;
	[sflag:s22] =	ssyncset.done $0x0  }
0xa6: {  	[sflag:s22] =	ssyncadd.s32 s4;
	_ =	sdelay $0x1  }
0xa7: {  	s23 =	simm.s32 $0x1B8B  }
0xa8: {  	_ =	swait.ge [sflag:s23], $0x1  }
0xa9: {  	[sflag:s23] =	ssyncset.done $0x0  }
0xaa: {  	s25 =	simm.s32 $0x1B8E;
	s24 =	sld [smem:$0x3FFE];
	[sflag:s23] =	ssyncadd.s32 $0xFFFFFFFF  }
0xab: {  	s26 =	simm.s32 $execute0_lowered;
	[smem:$0x3FD2] =	sst s25  }
0xac: {  	s5 =	sshll.u32 s26, $0x1;
	_ =	strace $0x80000049;
	[dreg:$0x1] =	wrdreg $0xFFFFFFFF  }
0xad: {  	s28 =	simm.s32 $_size_execute0_lowered;
	s3 =	sadd.s32 s3, s5;
	[dreg:$0x0] =	wrdreg $0x0  }
0xae: {  	s5 =	sshll.u32 s28, $0x1;
	[dreg:$0x2] =	wrdreg s3  }
0xaf: {  	[dreg:$0x3] =	wrdreg s5  }
0xb0: {  	[dreg:$0x4] =	wrdreg $0xC0  }
0xb1: {  	_ =	task [dreg:s7], $0x5FFFF  }
0xb2: {  	[dreg:$0x1] =	wrdreg $0xFFFFFFFF  }
0xb3: {  	[dreg:$0x0] =	wrdreg $0x60  }
0xb4: {  	[dreg:$0x2] =	wrdreg s16  }
0xb5: {  	[dreg:$0x3] =	wrdreg s24  }
0xb6: {  	[dreg:$0x4] =	wrdreg $0x72000  }
0xb7: {  	[dreg:$0x5] =	wrdreg $0x9  }
0xb8: {  	_ =	task.clear_ibuf [dreg:s7], $0x6FFFF;
	_ =	strace $0x90000049  }
0xb9: {  	s29 =	simm.s32 $0x9;
	_ =	strace $0x8000004B  }
0xba: {  	_ =	swait.ge [sflag:s29], $0x1  }
0xbb: {  	[sflag:s29] =	ssyncadd.s32 $0xFFFFFFFF  }
0xbc: {  	_ =	strace $0x9000004B  }
0xbd: {  	_ =	sfence  }
0xbe: {  	s30 =	sld [smem:$0x0];
	_ =	sdelay $0x2  }
0xbf: {  	s31 =	sshll.u32 s1, $0xD;
	s1 =	sshrl.u32 s1, $0x2  }
0xc0: {  	s3 =	sand.u32 $0x4000, s31;
	s1 =	sadd.s32 s1, s30  }
0xc1: {  	s0 =	sor.u32 s3, s0;
	s1 =	sshll.u32 s1, $0x11  }
0xc2: {  	s0 =	sor.u32 s1, s0  }
0xc3: {  	s0 =	sadd.s32 $0x8F2B, s0  }
0xc4: {  	[sflag:s0] =	ssyncadd.remote.s32 $0x1  }
0xc5: {  	_ =	sfence.sel $0xFFFF  }
0xc6: {  	[dreg:$0x0] =	wrdreg $0xFFFFFFFF;
	(pc) =	sbr.abs _section_cstart, $3  }
0xc7: {  	[dreg:$0x1] =	wrdreg $0xFFFFFFFF  }
0xc8: {  	_ =	task.clear_ibuf [dreg:s7], $0x2FFFF;
	_ =	strace $0x9FFFFFFF  }
0xc9: {  	(tm) =	ssettm $0x7FFFFFFF  }
tec
execute0_lowered:
.L_overlay_start_1:
0x0: {  	(tag) =	ssettag $0x1  }
0x1: {  	s1 =	rddreg [dreg:$0x1];
	s0 =	simm.s32 $0x0;
	s2 =	srdreg.scid  }
0x2: {  	s16 =	stileid.u32;
	s28 =	simm.s32 $0x2A00;
	s29 =	simm.s32 $0x1  }
0x3: {  	s30 =	simm.s32 $0x2;
	s31 =	simm.s32 $0x0;
	[smem:$0x7FF] =	sst s0  }
0x4: {  	s2 =	sand.u32 $0x1, s2;
	s6 =	sshll.u32 s16, $0x1;
	s7 =	smul.u32 $0x14000, s16  }
0x5: {  	s4 =	ssub.s32 $0x2, s2;
	s22 =	sor.u32 s2, s6;
	s6 =	smul.u32 $0x140000, s2  }
0x6: {  	s3 =	sadd.s32 $0x16200, s1;
	s2 =	smul.u32 $0x2710, s2;
	s5 =	sshrl.u32 s4, $0x1  }
0x7: {  	s8 =	sor.u32 $0x2000, s7;
	s9 =	sadd.s32 $0x4000, s7;
	s14 =	sadd.s32 $0xA000, s7  }
0x8: {  	s18 =	sadd.s32 $0xC000, s7;
	s19 =	sadd.s32 $0xE000, s7;
	s20 =	sadd.s32 $0x10000, s7  }
0x9: {  	s4 =	ssub.s32 s4, s5;
	s5 =	smul.u32 $0x2710, s22;
	s10 =	sadd.s32 s6, s7  }
0xa: {  	s11 =	sadd.s32 s6, s8;
	s12 =	sadd.s32 s6, s9;
	s15 =	sadd.s32 s6, s14  }
0xb: {  	s17 =	sadd.s32 s6, s19;
	s21 =	sadd.s32 s6, s20;
	s10 =	sshrl.u32 s10, $0x3  }
0xc: {  	s11 =	sshrl.u32 s11, $0x3;
	s12 =	sshrl.u32 s12, $0x3;
	s10 =	sadd.s32 s3, s10  }
0xd: {  	s15 =	sshrl.u32 s15, $0x3;
	s23 =	sadd.s32 s3, s11;
	[dreg:$0x4] =	wrdreg s10  }
0xe: {  	s24 =	sadd.s32 s3, s12;
	s11 =	sadd.s32 $0x8000, s7;
	[dreg:$0x5] =	wrdreg s23  }
0xf: {  	s5 =	sshrl.u32 s5, $0x3;
	[dreg:$0x6] =	wrdreg s24;
	s10 =	sadd.s32 $0x6000, s7  }
0x10: {  	s13 =	sadd.s32 s6, s11;
	s7 =	sadd.s32 $0x12000, s7;
	s24 =	smul.u32 $0x4E20, s16  }
0x11: {  	s16 =	smul.u32 $0x50000, s16;
	s25 =	sadd.s32 s6, s10;
	s13 =	sshrl.u32 s13, $0x3  }
0x12: {  	s12 =	sshrl.u32 s25, $0x3;
	s26 =	sadd.s32 s3, s13;
	s13 =	sadd.s32 s3, s15  }
0x13: {  	s15 =	sadd.s32 s6, s18;
	s6 =	sadd.s32 s6, s7;
	s2 =	sadd.s32 s2, s24  }
0x14: {  	s25 =	sshrl.u32 s16, $0x2;
	s16 =	sadd.s32 $0x2600, s1;
	[dreg:$0x8] =	wrdreg s26  }
0x15: {  	s12 =	sadd.s32 s3, s12;
	[dreg:$0x9] =	wrdreg s13;
	s13 =	sshrl.u32 s17, $0x3  }
0x16: {  	s6 =	sshrl.u32 s6, $0x3;
	s24 =	sadd.s32 $0x50, s2;
	[dreg:$0x7] =	wrdreg s12  }
0x17: {  	s12 =	sshrl.u32 s15, $0x3;
	s15 =	sshrl.u32 s21, $0x3;
	s22 =	sadd.s32 s3, s13  }
0x18: {  	s13 =	rddreg [dreg:$0x2];
	s21 =	sadd.s32 $0xA0, s2;
	s12 =	sadd.s32 s3, s12  }
0x19: {  	[dreg:$0xb] =	wrdreg s22;
	s23 =	sadd.s32 s3, s15;
	s3 =	sadd.s32 s3, s6  }
0x1a: {  	s15 =	sadd.s32 $0xC400, s1;
	s17 =	sadd.s32 s25, s13;
	s6 =	sadd.s32 s8, s13  }
0x1b: {  	s8 =	sadd.s32 s9, s13;
	s10 =	sadd.s32 s10, s13;
	[dreg:$0xa] =	wrdreg s12  }
0x1c: {  	s11 =	sadd.s32 s11, s13;
	s14 =	sadd.s32 s14, s13;
	[dreg:$0xc] =	wrdreg s23  }
0x1d: {  	s18 =	sadd.s32 s18, s13;
	s25 =	sadd.s32 s19, s13;
	s12 =	rddreg [dreg:$0x0]  }
0x1e: {  	s9 =	sshrl.u32 s24, $0x3;
	[dreg:$0xd] =	wrdreg s3;
	s26 =	sadd.s32 s15, s5  }
0x1f: {  	s3 =	sadd.s32 s16, s5;
	_ =	strace $0x8000004A;
	[dreg:$0xe] =	wrdreg s26  }
0x20: {  	s7 =	sadd.s32 s7, s13;
	s5 =	smax.u32 s4, $0x1;
	[dreg:$0xf] =	wrdreg s3  }
0x21: {  	s22 =	sadd.s32 s9, s16;
	s1 =	sshrl.u32 s6, $0x3;
	[dreg:$0x10] =	wrdreg s5  }
0x22: {  	s23 =	sadd.s32 s9, s15;
	s4 =	sshrl.u32 s10, $0x3;
	[dreg:$0x11] =	wrdreg s1  }
0x23: {  	s6 =	sshrl.u32 s14, $0x3;
	s9 =	sshrl.u32 s18, $0x3;
	[dreg:$0x13] =	wrdreg s4  }
0x24: {  	s14 =	sshrl.u32 s25, $0x3;
	s19 =	sshrl.u32 s7, $0x3;
	[dreg:$0x15] =	wrdreg s6  }
0x25: {  	s24 =	sadd.s32 $0x4000, s17;
	s25 =	sadd.s32 $0x6000, s17;
	[dreg:$0x16] =	wrdreg s9  }
0x26: {  	s7 =	sadd.s32 $0xC000, s17;
	s10 =	sadd.s32 $0x12000, s17;
	[dreg:$0x17] =	wrdreg s14  }
0x27: {  	s26 =	sadd.s32 s20, s13;
	s3 =	sshrl.u32 s8, $0x3;
	[dreg:$0x19] =	wrdreg s19  }
0x28: {  	s5 =	sshrl.u32 s11, $0x3;
	s20 =	sadd.s32 $0x2000, s17;
	[dreg:$0x1b] =	wrdreg s24  }
0x29: {  	[dreg:$0x1c] =	wrdreg s25;
	s6 =	sadd.s32 $0xA000, s17;
	s8 =	sadd.s32 $0xE000, s17  }
0x2a: {  	s9 =	sadd.s32 $0x10000, s17;
	s14 =	simm.s32 $0x5200;
	[dreg:$0x12] =	wrdreg s3  }
0x2b: {  	s19 =	simm.s32 $0x100;
	s24 =	simm.s32 $0x200;
	[dreg:$0x14] =	wrdreg s5  }
0x2c: {  	s25 =	simm.s32 $0x80;
	s18 =	sshrl.u32 s26, $0x3;
	[dreg:$0x1a] =	wrdreg s20  }
0x2d: {  	s26 =	sadd.s32 $0x8000, s17;
	s20 =	simm.s32 $0x50;
	[dreg:$0x18] =	wrdreg s18  }
0x2e: {  	v0 =	vimm.f32 $0.0e+00;
	[dreg:$0x1d] =	wrdreg s26;
	s18 =	simm.s32 $0x3;
	s26 =	simm.s32 $0x180  }
.LBB2_1:
0x2f: {  	s1 =	simm.s32 $0x0;
	s2 =	simm.s32 $0x200  }
.LBB2_2:
0x30: {  	p0 =	sne.s32 s2, $0x7E00;
	[tilespmem:s1+$0x5270] =	vst v0  }
0x31: {  	[tilespmem:s1+$0x5200] =	vst v0  }
0x32: {  	[tilespmem:s1+$0x5210] =	vst v0  }
.Ltmp0:
0x33: {  	[tilespmem:s1+$0x5220] =	vst v0;
	(pc) =	sbr.rel @p0 .LBB2_2-.Ltmp0, $4  }
0x34: {  	[tilespmem:s1+$0x5230] =	vst v0  }
0x35: {  	[tilespmem:s1+$0x5240] =	vst v0  }
0x36: {  	[tilespmem:s1+$0x5250] =	vst v0  }
0x37: {  	[tilespmem:s1+$0x5260] =	vst v0;
	s1 =	sshra.s32 s2, $0x2;
	s2 =	sadd.s32 $0x200, s2  }
0x38: {  	[tilespmem:s1+$0x5270] =	vst v0  }
0x39: {  	[tilespmem:s1+$0x5200] =	vst v0  }
0x3a: {  	[tilespmem:s1+$0x5210] =	vst v0  }
0x3b: {  	[tilespmem:s1+$0x5220] =	vst v0  }
0x3c: {  	[tilespmem:s1+$0x5230] =	vst v0  }
0x3d: {  	[tilespmem:s1+$0x5240] =	vst v0  }
0x3e: {  	[tilespmem:s1+$0x5250] =	vst v0  }
0x3f: {  	[tilespmem:s1+$0x5260] =	vst v0  }
0x40: {  	[spmem:s17] =	stream.linear.scatter [tilespmem:s14], [sflag:$0x3], $0x2000, $0x38;
	[tilespmem:$0x1B200] =	vst v63  }
0x41: {  	_ =	swait.ge [sflag:s18], $0x2000  }
0x42: {  	[sflag:s18] =	ssyncset.done $0x0  }
0x43: {  	s11 =	rddreg [dreg:$0x1a];
	[sflag:s18] =	ssyncadd.s32 $0xFFFFE000  }
0x44: {  	[spmem:s11] =	stream.linear.scatter [tilespmem:s14], [sflag:$0x3], $0x2000, $0x38;
	[tilespmem:$0x1B200] =	vst v63  }
0x45: {  	_ =	swait.ge [sflag:s18], $0x2000  }
0x46: {  	[sflag:s18] =	ssyncset.done $0x0  }
0x47: {  	s2 =	rddreg [dreg:$0x1b];
	[sflag:s18] =	ssyncadd.s32 $0xFFFFE000  }
0x48: {  	[spmem:s2] =	stream.linear.scatter [tilespmem:s14], [sflag:$0x3], $0x2000, $0x38;
	[tilespmem:$0x1B200] =	vst v63  }
0x49: {  	_ =	swait.ge [sflag:s18], $0x2000  }
0x4a: {  	[sflag:s18] =	ssyncset.done $0x0  }
0x4b: {  	s3 =	rddreg [dreg:$0x1c];
	[sflag:s18] =	ssyncadd.s32 $0xFFFFE000  }
0x4c: {  	[spmem:s3] =	stream.linear.scatter [tilespmem:s14], [sflag:$0x3], $0x2000, $0x38;
	[tilespmem:$0x1B200] =	vst v63  }
0x4d: {  	_ =	swait.ge [sflag:s18], $0x2000  }
0x4e: {  	[sflag:s18] =	ssyncset.done $0x0  }
0x4f: {  	s4 =	rddreg [dreg:$0x1d];
	[sflag:s18] =	ssyncadd.s32 $0xFFFFE000  }
0x50: {  	[spmem:s4] =	stream.linear.scatter [tilespmem:s14], [sflag:$0x3], $0x2000, $0x38;
	[tilespmem:$0x1B200] =	vst v63  }
0x51: {  	_ =	swait.ge [sflag:s18], $0x2000  }
0x52: {  	[sflag:s18] =	ssyncset.done $0x0  }
0x53: {  	[sflag:s18] =	ssyncadd.s32 $0xFFFFE000  }
0x54: {  	[spmem:s6] =	stream.linear.scatter [tilespmem:s14], [sflag:$0x3], $0x2000, $0x38;
	[tilespmem:$0x1B200] =	vst v63  }
0x55: {  	_ =	swait.ge [sflag:s18], $0x2000  }
0x56: {  	[sflag:s18] =	ssyncset.done $0x0  }
0x57: {  	[sflag:s18] =	ssyncadd.s32 $0xFFFFE000  }
0x58: {  	[spmem:s7] =	stream.linear.scatter [tilespmem:s14], [sflag:$0x3], $0x2000, $0x38;
	[tilespmem:$0x1B200] =	vst v63  }
0x59: {  	_ =	swait.ge [sflag:s18], $0x2000  }
0x5a: {  	[sflag:s18] =	ssyncset.done $0x0  }
0x5b: {  	[sflag:s18] =	ssyncadd.s32 $0xFFFFE000  }
0x5c: {  	[spmem:s8] =	stream.linear.scatter [tilespmem:s14], [sflag:$0x3], $0x2000, $0x38;
	[tilespmem:$0x1B200] =	vst v63  }
0x5d: {  	_ =	swait.ge [sflag:s18], $0x2000  }
0x5e: {  	[sflag:s18] =	ssyncset.done $0x0  }
0x5f: {  	[sflag:s18] =	ssyncadd.s32 $0xFFFFE000  }
0x60: {  	[spmem:s9] =	stream.linear.scatter [tilespmem:s14], [sflag:$0x3], $0x2000, $0x38;
	[tilespmem:$0x1B200] =	vst v63  }
0x61: {  	_ =	swait.ge [sflag:s18], $0x2000  }
0x62: {  	[sflag:s18] =	ssyncset.done $0x0  }
0x63: {  	[sflag:s18] =	ssyncadd.s32 $0xFFFFE000  }
0x64: {  	[spmem:s10] =	stream.linear.scatter [tilespmem:s14], [sflag:$0x3], $0x2000, $0x38;
	[tilespmem:$0x1B200] =	vst v63  }
0x65: {  	_ =	swait.ge [sflag:s18], $0x2000  }
0x66: {  	[sflag:s18] =	ssyncset.done $0x0  }
0x67: {  	[sflag:s18] =	ssyncadd.s32 $0xFFFFE000  }
0x68: {  	[bflag:$0x0] =	sbarrier.arrive $0xFFFF  }
0x69: {  	s5 =	simm.s32 $0x0;
	s2 =	rddreg [dreg:$0xe]  }
0x6a: {  	[tilespmem:s5], [sflag:$0x3] =	stream.linear.gather [hbm4b:s2+s5], $0x50, $0x38;
	[tilespmem:$0x1B200] =	vst v63  }
0x6b: {  	_ =	swait.ge [sflag:s18], $0x50  }
0x6c: {  	[sflag:s18] =	ssyncset.done $0x0  }
0x6d: {  	s11 =	rddreg [dreg:$0xf];
	[sflag:s18] =	ssyncadd.s32 $0xFFFFFFB0  }
0x6e: {  	[tilespmem:s19], [sflag:$0x3] =	stream.linear.gather [hbm4b:s11+s5], $0x50, $0x38;
	[tilespmem:$0x1B200] =	vst v63  }
0x6f: {  	_ =	swait.ge [sflag:s18], $0x50  }
0x70: {  	[sflag:s18] =	ssyncset.done $0x0  }
0x71: {  	[sflag:s18] =	ssyncadd.s32 $0xFFFFFFB0  }
0x72: {  	[tilespmem:s24], [sflag:$0x1] =	stream.indirect.gather [hbm4b:s12+s20], $0x80, s5, s20, $0xb8;
	[tilespmem:$0x1B200] =	vst v63  }
0x73: {  	s3 =	sadd.s32 $0x0, s23  }
0x74: {  	[tilespmem:s25], [sflag:$0x3] =	stream.linear.gather [hbm4b:s3+s0], $0x50, $0x38;
	[tilespmem:$0x1B200] =	vst v63  }
0x75: {  	_ =	swait.ge [sflag:s18], $0x50  }
0x76: {  	[sflag:s18] =	ssyncset.done $0x0  }
0x77: {  	s4 =	sadd.s32 $0x0, s22;
	[sflag:s18] =	ssyncadd.s32 $0xFFFFFFB0  }
0x78: {  	[tilespmem:s26], [sflag:$0x3] =	stream.linear.gather [hbm4b:s4+s0], $0x50, $0x38;
	[tilespmem:$0x1B200] =	vst v63  }
0x79: {  	_ =	swait.ge [sflag:s18], $0x50  }
0x7a: {  	[sflag:s18] =	ssyncset.done $0x0  }
0x7b: {  	[sflag:s18] =	ssyncadd.s32 $0xFFFFFFB0  }
0x7c: {  	[tilespmem:s28], [sflag:$0x2] =	stream.indirect.gather [hbm4b:s12+s20], $0x80, s25, s20, $0xb8;
	[tilespmem:$0x1B200] =	vst v63  }
0x7d: {  	_ =	swait.ge [sflag:s29], $0x2800  }
0x7e: {  	[sflag:s29] =	ssyncset.done $0x0  }
0x7f: {  	[sflag:s29] =	ssyncadd.s32 $0xFFFFD800  }
0x80: {  	[spmem:s13] =	stream.indirect.scatter.add.f32 [tilespmem:s24], [sflag:$0x3], $0x80, s19, s20, $0xb8;
	[tilespmem:$0x1B200] =	vst v63  }
0x81: {  	_ =	swait.ge [sflag:s18], $0x2800  }
0x82: {  	s5 =	sshrl.u32 s21, $0x3;
	[sflag:s18] =	ssyncset.done $0x0  }
0x83: {  	s11 =	sadd.s32 s15, s5;
	[sflag:s18] =	ssyncadd.s32 $0xFFFFD800  }
0x84: {  	[tilespmem:s0], [sflag:$0x3] =	stream.linear.gather [hbm4b:s11+s0], $0x50, $0x38;
	[tilespmem:$0x1B200] =	vst v63  }
0x85: {  	_ =	swait.ge [sflag:s18], $0x50  }
0x86: {  	[sflag:s18] =	ssyncset.done $0x0  }
0x87: {  	s1 =	sadd.s32 s16, s5;
	[sflag:s18] =	ssyncadd.s32 $0xFFFFFFB0  }
0x88: {  	[tilespmem:s19], [sflag:$0x3] =	stream.linear.gather [hbm4b:s1+s0], $0x50, $0x38;
	[tilespmem:$0x1B200] =	vst v63  }
0x89: {  	_ =	swait.ge [sflag:s18], $0x50  }
0x8a: {  	[sflag:s18] =	ssyncset.done $0x0  }
0x8b: {  	[sflag:s18] =	ssyncadd.s32 $0xFFFFFFB0  }
0x8c: {  	[tilespmem:s24], [sflag:$0x1] =	stream.indirect.gather [hbm4b:s12+s20], $0x80, s0, s20, $0xb8;
	[tilespmem:$0x1B200] =	vst v63  }
0x8d: {  	_ =	swait.ge [sflag:s30], $0x2800  }
0x8e: {  	[sflag:s30] =	ssyncset.done $0x0  }
0x8f: {  	[sflag:s30] =	ssyncadd.s32 $0xFFFFD800  }
0x90: {  	[spmem:s13] =	stream.indirect.scatter.add.f32 [tilespmem:s28], [sflag:$0x3], $0x80, s26, s20, $0xb8;
	[tilespmem:$0x1B200] =	vst v63  }
0x91: {  	s2 =	simm.s32 $0x28;
	_ =	swait.ge [sflag:s18], $0x2800  }
0x92: {  	s11 =	sadd.s32 $0xA0, s21;
	s1 =	simm.s32 $0x14;
	[sflag:s18] =	ssyncset.done $0x0  }
.LBB2_4:
0x93: {  	s4 =	sadd.s32 s1, s23  }
0x94: {  	[sflag:s18] =	ssyncadd.s32 $0xFFFFD800;
	s5 =	smov.u32 s2;
	s3 =	sadd.s32 $0x14, s2  }
0x95: {  	[tilespmem:s25], [sflag:$0x3] =	stream.linear.gather [hbm4b:s4+s0], $0x50, $0x38;
	[tilespmem:$0x1B200] =	vst v63  }
0x96: {  	p0 =	sne.s32 s2, $0x4C4;
	_ =	swait.ge [sflag:s18], $0x50  }
0x97: {  	[sflag:s18] =	ssyncset.done $0x0  }
0x98: {  	s2 =	sadd.s32 s1, s22;
	s1 =	smov.u32 s5;
	[sflag:s18] =	ssyncadd.s32 $0xFFFFFFB0  }
0x99: {  	[tilespmem:s26], [sflag:$0x3] =	stream.linear.gather [hbm4b:s2+s0], $0x50, $0x38;
	[tilespmem:$0x1B200] =	vst v63  }
0x9a: {  	_ =	swait.ge [sflag:s18], $0x50  }
0x9b: {  	[sflag:s18] =	ssyncset.done $0x0  }
0x9c: {  	[sflag:s18] =	ssyncadd.s32 $0xFFFFFFB0  }
0x9d: {  	[tilespmem:s28], [sflag:$0x2] =	stream.indirect.gather [hbm4b:s12+s20], $0x80, s25, s20, $0xb8;
	[tilespmem:$0x1B200] =	vst v63  }
0x9e: {  	_ =	swait.ge [sflag:s29], $0x2800  }
0x9f: {  	[sflag:s29] =	ssyncset.done $0x0  }
0xa0: {  	[sflag:s29] =	ssyncadd.s32 $0xFFFFD800  }
0xa1: {  	[spmem:s13] =	stream.indirect.scatter.add.f32 [tilespmem:s24], [sflag:$0x3], $0x80, s19, s20, $0xb8;
	[tilespmem:$0x1B200] =	vst v63  }
0xa2: {  	_ =	swait.ge [sflag:s18], $0x2800  }
0xa3: {  	s2 =	sshrl.u32 s11, $0x3;
	[sflag:s18] =	ssyncset.done $0x0  }
0xa4: {  	s4 =	sadd.s32 s15, s2;
	[sflag:s18] =	ssyncadd.s32 $0xFFFFD800  }
0xa5: {  	[tilespmem:s0], [sflag:$0x3] =	stream.linear.gather [hbm4b:s4+s0], $0x50, $0x38;
	[tilespmem:$0x1B200] =	vst v63  }
0xa6: {  	_ =	swait.ge [sflag:s18], $0x50  }
0xa7: {  	[sflag:s18] =	ssyncset.done $0x0  }
0xa8: {  	s2 =	sadd.s32 s16, s2;
	[sflag:s18] =	ssyncadd.s32 $0xFFFFFFB0  }
0xa9: {  	[tilespmem:s19], [sflag:$0x3] =	stream.linear.gather [hbm4b:s2+s0], $0x50, $0x38;
	[tilespmem:$0x1B200] =	vst v63  }
0xaa: {  	_ =	swait.ge [sflag:s18], $0x50  }
0xab: {  	[sflag:s18] =	ssyncset.done $0x0  }
0xac: {  	[sflag:s18] =	ssyncadd.s32 $0xFFFFFFB0  }
0xad: {  	[tilespmem:s24], [sflag:$0x1] =	stream.indirect.gather [hbm4b:s12+s20], $0x80, s0, s20, $0xb8;
	[tilespmem:$0x1B200] =	vst v63  }
0xae: {  	_ =	swait.ge [sflag:s30], $0x2800  }
.Ltmp1:
0xaf: {  	[sflag:s30] =	ssyncset.done $0x0;
	(pc) =	sbr.rel @p0 .LBB2_4-.Ltmp1, $4  }
0xb0: {  	[sflag:s30] =	ssyncadd.s32 $0xFFFFD800  }
0xb1: {  	[spmem:s13] =	stream.indirect.scatter.add.f32 [tilespmem:s28], [sflag:$0x3], $0x80, s26, s20, $0xb8;
	[tilespmem:$0x1B200] =	vst v63  }
0xb2: {  	_ =	swait.ge [sflag:s18], $0x2800  }
0xb3: {  	s11 =	sadd.s32 $0xA0, s11;
	s2 =	smov.u32 s3;
	[sflag:s18] =	ssyncset.done $0x0  }
0xb4: {  	s2 =	sadd.s32 s1, s23;
	[sflag:s18] =	ssyncadd.s32 $0xFFFFD800  }
0xb5: {  	[tilespmem:s25], [sflag:$0x3] =	stream.linear.gather [hbm4b:s2+s0], $0x50, $0x38;
	[tilespmem:$0x1B200] =	vst v63  }
0xb6: {  	_ =	swait.ge [sflag:s18], $0x50  }
0xb7: {  	[sflag:s18] =	ssyncset.done $0x0  }
0xb8: {  	s2 =	sadd.s32 s1, s22;
	[sflag:s18] =	ssyncadd.s32 $0xFFFFFFB0  }
0xb9: {  	[tilespmem:s26], [sflag:$0x3] =	stream.linear.gather [hbm4b:s2+s0], $0x50, $0x38;
	[tilespmem:$0x1B200] =	vst v63  }
0xba: {  	_ =	swait.ge [sflag:s18], $0x50  }
0xbb: {  	[sflag:s18] =	ssyncset.done $0x0  }
0xbc: {  	[sflag:s18] =	ssyncadd.s32 $0xFFFFFFB0  }
0xbd: {  	[tilespmem:s28], [sflag:$0x2] =	stream.indirect.gather [hbm4b:s12+s20], $0x80, s25, s20, $0xb8;
	[tilespmem:$0x1B200] =	vst v63  }
0xbe: {  	_ =	swait.ge [sflag:s29], $0x2800  }
0xbf: {  	[sflag:s29] =	ssyncset.done $0x0  }
0xc0: {  	[sflag:s29] =	ssyncadd.s32 $0xFFFFD800  }
0xc1: {  	[spmem:s13] =	stream.indirect.scatter.add.f32 [tilespmem:s24], [sflag:$0x3], $0x80, s19, s20, $0xb8;
	[tilespmem:$0x1B200] =	vst v63  }
0xc2: {  	_ =	swait.ge [sflag:s18], $0x2800  }
0xc3: {  	s3 =	sshrl.u32 s11, $0x3;
	[sflag:s18] =	ssyncset.done $0x0  }
0xc4: {  	s4 =	sadd.s32 s15, s3;
	[sflag:s18] =	ssyncadd.s32 $0xFFFFD800  }
0xc5: {  	[tilespmem:s0], [sflag:$0x3] =	stream.linear.gather [hbm4b:s4+s0], $0x50, $0x38;
	[tilespmem:$0x1B200] =	vst v63  }
0xc6: {  	_ =	swait.ge [sflag:s18], $0x50  }
0xc7: {  	[sflag:s18] =	ssyncset.done $0x0  }
0xc8: {  	s1 =	sadd.s32 s16, s3;
	[sflag:s18] =	ssyncadd.s32 $0xFFFFFFB0  }
0xc9: {  	[tilespmem:s19], [sflag:$0x3] =	stream.linear.gather [hbm4b:s1+s0], $0x50, $0x38;
	[tilespmem:$0x1B200] =	vst v63  }
0xca: {  	_ =	swait.ge [sflag:s18], $0x50  }
0xcb: {  	[sflag:s18] =	ssyncset.done $0x0  }
0xcc: {  	[sflag:s18] =	ssyncadd.s32 $0xFFFFFFB0  }
0xcd: {  	[tilespmem:s24], [sflag:$0x1] =	stream.indirect.gather [hbm4b:s12+s20], $0x80, s0, s20, $0xb8;
	[tilespmem:$0x1B200] =	vst v63  }
0xce: {  	_ =	swait.ge [sflag:s30], $0x2800  }
0xcf: {  	[sflag:s30] =	ssyncset.done $0x0  }
0xd0: {  	[sflag:s30] =	ssyncadd.s32 $0xFFFFD800  }
0xd1: {  	[spmem:s13] =	stream.indirect.scatter.add.f32 [tilespmem:s28], [sflag:$0x3], $0x80, s26, s20, $0xb8;
	[tilespmem:$0x1B200] =	vst v63  }
0xd2: {  	_ =	swait.ge [sflag:s18], $0x2800  }
0xd3: {  	[sflag:s18] =	ssyncset.done $0x0  }
0xd4: {  	[sflag:s18] =	ssyncadd.s32 $0xFFFFD800  }
0xd5: {  	_ =	swait.ge [sflag:s29], $0x2800  }
0xd6: {  	[sflag:s29] =	ssyncset.done $0x0  }
0xd7: {  	[sflag:s29] =	ssyncadd.s32 $0xFFFFD800  }
0xd8: {  	[spmem:s13] =	stream.indirect.scatter.add.f32 [tilespmem:s24], [sflag:$0x3], $0x80, s19, s20, $0xb8;
	[tilespmem:$0x1B200] =	vst v63  }
0xd9: {  	_ =	swait.ge [sflag:s18], $0x2800  }
0xda: {  	[sflag:s18] =	ssyncset.done $0x0  }
0xdb: {  	s5 =	stileid.u32;
	[sflag:s18] =	ssyncadd.s32 $0xFFFFD800  }
0xdc: {  	s1 =	sshll.u32 s5, $0x6;
	[bflag:$0x0] =	sbarrier.arrive $0xFFFF  }
0xdd: {  	s11 =	sshrl.u32 s17, $0x3;
	s1 =	sor.u32 $0x1C03, s1;
	s3 =	rddreg [dreg:$0x4]  }
0xde: {  	[hbm:s3], [sflag:s1] =	dma.local [spmem:s11], $0x400  }
0xdf: {  	_ =	swait.ge [sflag:s18], $0x400  }
0xe0: {  	[sflag:s18] =	ssyncset.done $0x0;
	s3 =	rddreg [dreg:$0x5]  }
0xe1: {  	s4 =	rddreg [dreg:$0x11];
	[sflag:s18] =	ssyncadd.s32 $0xFFFFFC00  }
0xe2: {  	[hbm:s3], [sflag:s1] =	dma.local [spmem:s4], $0x400  }
0xe3: {  	_ =	swait.ge [sflag:s18], $0x400  }
0xe4: {  	[sflag:s18] =	ssyncset.done $0x0;
	s5 =	rddreg [dreg:$0x6]  }
0xe5: {  	s11 =	rddreg [dreg:$0x12];
	[sflag:s18] =	ssyncadd.s32 $0xFFFFFC00  }
0xe6: {  	[hbm:s5], [sflag:s1] =	dma.local [spmem:s11], $0x400  }
0xe7: {  	_ =	swait.ge [sflag:s18], $0x400  }
0xe8: {  	[sflag:s18] =	ssyncset.done $0x0;
	s3 =	rddreg [dreg:$0x7]  }
0xe9: {  	s4 =	rddreg [dreg:$0x13];
	[sflag:s18] =	ssyncadd.s32 $0xFFFFFC00  }
0xea: {  	[hbm:s3], [sflag:s1] =	dma.local [spmem:s4], $0x400  }
0xeb: {  	_ =	swait.ge [sflag:s18], $0x400  }
0xec: {  	[sflag:s18] =	ssyncset.done $0x0;
	s5 =	rddreg [dreg:$0x8]  }
0xed: {  	s11 =	rddreg [dreg:$0x14];
	[sflag:s18] =	ssyncadd.s32 $0xFFFFFC00  }
0xee: {  	[hbm:s5], [sflag:s1] =	dma.local [spmem:s11], $0x400  }
0xef: {  	_ =	swait.ge [sflag:s18], $0x400  }
0xf0: {  	[sflag:s18] =	ssyncset.done $0x0;
	s3 =	rddreg [dreg:$0x9]  }
0xf1: {  	s4 =	rddreg [dreg:$0x15];
	[sflag:s18] =	ssyncadd.s32 $0xFFFFFC00  }
0xf2: {  	[hbm:s3], [sflag:s1] =	dma.local [spmem:s4], $0x400  }
0xf3: {  	_ =	swait.ge [sflag:s18], $0x400  }
0xf4: {  	[sflag:s18] =	ssyncset.done $0x0;
	s5 =	rddreg [dreg:$0xa]  }
0xf5: {  	s11 =	rddreg [dreg:$0x16];
	[sflag:s18] =	ssyncadd.s32 $0xFFFFFC00  }
0xf6: {  	[hbm:s5], [sflag:s1] =	dma.local [spmem:s11], $0x400  }
0xf7: {  	_ =	swait.ge [sflag:s18], $0x400  }
0xf8: {  	[sflag:s18] =	ssyncset.done $0x0;
	s3 =	rddreg [dreg:$0xb]  }
0xf9: {  	s4 =	rddreg [dreg:$0x17];
	[sflag:s18] =	ssyncadd.s32 $0xFFFFFC00  }
0xfa: {  	[hbm:s3], [sflag:s1] =	dma.local [spmem:s4], $0x400  }
0xfb: {  	_ =	swait.ge [sflag:s18], $0x400  }
0xfc: {  	[sflag:s18] =	ssyncset.done $0x0;
	s5 =	rddreg [dreg:$0xc]  }
0xfd: {  	s11 =	rddreg [dreg:$0x18];
	[sflag:s18] =	ssyncadd.s32 $0xFFFFFC00  }
0xfe: {  	[hbm:s5], [sflag:s1] =	dma.local [spmem:s11], $0x400  }
0xff: {  	_ =	swait.ge [sflag:s18], $0x400  }
0x100: {  	[sflag:s18] =	ssyncset.done $0x0;
	s4 =	rddreg [dreg:$0xd]  }
0x101: {  	s5 =	rddreg [dreg:$0x19];
	[sflag:s18] =	ssyncadd.s32 $0xFFFFFC00  }
0x102: {  	[hbm:s4], [sflag:s1] =	dma.local [spmem:s5], $0x400  }
0x103: {  	_ =	swait.ge [sflag:s18], $0x400  }
0x104: {  	s31 =	sadd.s32 $0x1, s31;
	s11 =	rddreg [dreg:$0x10]  }
0x105: {  	p0 =	sne.s32 s31, s11  }
.Ltmp2:
0x106: {  	_ = 	snop;
	(pc) =	sbr.rel @p0 .LBB2_1-.Ltmp2, $3  }
0x107: {  	_ =	sdelay $0x1  }
0x108: {  	[sflag:s18] =	ssyncset.done $0x0  }
0x109: {  	[sflag:s18] =	ssyncadd.s32 $0xFFFFFC00  }
0x10a: {  	_ =	sfence.sel $0x180000  }
0x10b: {  	[bflag:$0x0] =	sbarrier.arrive $0xFFFF  }
0x10c: {  	_ =	strace $0x9000004A  }
0x10d: {  	s0 =	stileid.u32;
	[bflag:$0x2] =	sbarrier.arrive $0xFFFF  }
0x10e: {  	p0 =	sne.s32 s0, $0x0;
	s0 =	rddreg [dreg:$0x3]  }
0x10f: {  	s0 =	sadd.s32 @!p0 $0x100000, s0  }
0x110: {  	[sflag:s0] =	ssyncadd.tile.s32 @!p0 $0x1;
	_ =	shalt  }
.Lfunc_end2:
_tile_overlayer_lowered:
.L_overlay_start_2:
0x111: {  	(tag) =	ssettag $0x2  }
0x112: {  	s0 =	rddreg [dreg:$0x0];
	s2 =	stileid.u32  }
0x113: {  	s1 =	rddreg [dreg:$0x1];
	p0 =	sne.s32 s2, $0x0  }
0x114: {  	s3 =	rddreg [dreg:$0x2];
	[bflag:$0x3] =	sbarrier.arrive $0xFFFF;
	s2 =	simm.s32 @!p0 $0x1C03  }
0x115: {  	[timem:s3], [sflag:s2] =	dma.local @!p0 [hbm:s0], s1  }
0x116: {  	s0 =	simm.s32 @!p0 $0x3  }
0x117: {  	_ =	swait.ge @!p0 [sflag:s0], s1  }
0x118: {  	s1 =	ssub.s32 @!p0 $0x0, s1;
	[sflag:s0] =	ssyncset.done @!p0 $0x0  }
0x119: {  	[sflag:s0] =	ssyncadd.s32 @!p0 s1  }
0x11a: {  	[bflag:$0x3] =	sbarrier.arrive $0xFFFF  }
0x11b: {  	_ =	shalt  }

// kernel: kernel.14.cloned.1.call-start
scs
__scs_entry_jumppad:
0x0: {  	(pc) =	sbr.rel $0x88, $3  }
0x1: {  	(tag) =	ssettag $0x0;
	lr =	simm.s32 $0x1  }
0x2: {  	[smem:$0x3F9D] =	sst lr;
	_ =	strace $0xD0000000  }
0x3: {  	_ = 	snop  }
0x4: {  	_ = 	snop  }
0x5: {  	_ = 	snop  }
0x6: {  	_ = 	snop  }
0x7: {  	_ = 	snop  }
__scs_overlays_trampoline_lowered:
0x8: {  	[smem:$0x3FAC] =	sst s0  }
0x9: {  	[smem:$0x3FAD] =	sst s1  }
0xa: {  	[smem:$0x3FAE] =	sst s2  }
0xb: {  	[smem:$0x3FAF] =	sst s3  }
0xc: {  	[smem:$0x3FB0] =	sst s4  }
0xd: {  	[smem:$0x3FB1] =	sst s5  }
0xe: {  	[smem:$0x3FB2] =	sst s6  }
0xf: {  	[smem:$0x3FB3] =	sst s7  }
0x10: {  	[smem:$0x3FB4] =	sst s8  }
0x11: {  	[smem:$0x3FB5] =	sst s9;
	s0 =	simm.s32 @!p0 $0x0  }
0x12: {  	s1 =	sld [smem:$0x3F9B];
	s0 =	simm.s32 @p0 $0x1  }
0x13: {  	[smem:$0x3FB6] =	sst s0;
	s0 =	simm.s32 @!p1 $0x0  }
0x14: {  	s2 =	sld [smem:$0x3F9A];
	s0 =	simm.s32 @p1 $0x1  }
0x15: {  	[smem:$0x3FB7] =	sst s0;
	s0 =	simm.s32 @!p2 $0x0  }
0x16: {  	s3 =	sld [smem:$0x3FDB];
	s0 =	simm.s32 @p2 $0x1  }
0x17: {  	s4 =	simm.s32 $0x1BF5;
	[smem:$0x3FB9] =	sst s0  }
0x18: {  	s0 =	sld [smem:$0x3F9C];
	_ =	swait.ge [sflag:s4], $0x0  }
0x19: {  	s7 =	sld [smem:$0x3F9D]  }
0x1a: {  	s8 =	sadd.s32 $0xFFFFE003, lr  }
0x1b: {  	s9 =	sadd.s32 $0xFFFFFEF7, lr;
	s5 =	simm.s32 $0xFFFFFFFF;
	p2 =	slt.u32 s8, $0xFFFFF086  }
0x1c: {  	p1 =	slt.u32 s9, $0xF7A;
	s5 =	simm.s32 @!p2 $0x0  }
0x1d: {  	s5 =	simm.s32 @p1 $0x1;
	p0 =	seq.s32 s7, s2  }
0x1e: {  	s7 =	smul.u32 @!p0 $0xF7A, s2;
	p2 =	seq.s32 @!p0 s5, $0x0  }
0x1f: {  	s9 =	smul.u32 $0xF7A, s1;
	s8 =	simm.s32 @!p0 $0x1BF5;
	p2 =	por !p2, p0  }
0x20: {  	[sflag:s8] =	ssyncset.s32 @!p0 $0xFFFFF086;
	s6 =	sadd.s32 @!p0 s3, s7;
	s7 =	simm.s32 @!p0 $0x108  }
0x21: {  	s3 =	sadd.s32 s3, s9;
	s6 =	sadd.s32 @!p0 $0x88, s6;
	s7 =	simm.s32 @p2 $0x1082  }
0x22: {  	[simem:s7], [sflag:s8] =	dma.local @!p0 [hbm:s6], $0xF7A  }
0x23: {  	s9 =	sor.u32 $0xD0000000, s2;
	s6 =	simm.s32 $0x108;
	_ =	swait.ge @!p0 [sflag:s8], $0x0  }
0x24: {  	s3 =	sadd.s32 $0x88, s3;
	s6 =	simm.s32 @!p1 $0x1082;
	[sflag:s4] =	ssyncset.s32 $0xFFFFF086  }
0x25: {  	[simem:s6], [sflag:s4] =	dma.local [hbm:s3], $0xF7A  }
0x26: {  	[smem:$0x3F9D] =	sst s1;
	(tag) =	ssettag s2;
	_ =	strace s9  }
0x27: {  	s1 =	sld [smem:$0x3FAD]  }
0x28: {  	s2 =	sld [smem:$0x3FAE]  }
0x29: {  	s4 =	sld [smem:$0x3FB0]  }
0x2a: {  	p0 =	seq.s32 s5, $0x0;
	s5 =	sld [smem:$0x3FB1]  }
0x2b: {  	s6 =	sld [smem:$0x3FB2]  }
0x2c: {  	s7 =	sld [smem:$0x3FB3]  }
0x2d: {  	s3 =	simm.s32 $0x108;
	s8 =	sld [smem:$0x3FB4]  }
0x2e: {  	s3 =	simm.s32 @!p0 $0x1082;
	s9 =	sld [smem:$0x3FB5]  }
0x2f: {  	lr =	sadd.s32 s0, s3;
	s0 =	sld [smem:$0x3FAC]  }
0x30: {  	s3 =	sld [smem:$0x3FAF]  }
0x31: {  	[smem:$0x3FB8] =	sst s10  }
0x32: {  	s10 =	sld [smem:$0x3FB6];
	_ =	sdelay $0x3  }
0x33: {  	p0 =	seq.s32 s10, $0x1;
	s10 =	sld [smem:$0x3FB8];
	_ =	sdelay $0x3  }
0x34: {  	[smem:$0x3FB8] =	sst s10  }
0x35: {  	s10 =	sld [smem:$0x3FB7];
	_ =	sdelay $0x3  }
0x36: {  	p1 =	seq.s32 s10, $0x1;
	s10 =	sld [smem:$0x3FB8];
	_ =	sdelay $0x3  }
0x37: {  	[smem:$0x3FB8] =	sst s10  }
0x38: {  	s10 =	sld [smem:$0x3FB9]  }
0x39: {  	_ = 	snop;
	(pc) =	sbr.ind lr, $3  }
0x3a: {  	_ = 	snop  }
0x3b: {  	_ = 	snop  }
0x3c: {  	p2 =	seq.s32 s10, $0x1;
	s10 =	sld [smem:$0x3FB8]  }
0x3d: {  	_ =	shalt  }
0x3e: {  	_ =	shalt  }
0x3f: {  	_ =	shalt  }
0x40: {  	_ =	shalt  }
0x41: {  	_ =	shalt  }
0x42: {  	_ =	shalt  }
0x43: {  	_ =	shalt  }
0x44: {  	_ =	shalt  }
0x45: {  	_ =	shalt  }
0x46: {  	_ =	shalt  }
0x47: {  	_ =	shalt  }
0x48: {  	_ =	shalt  }
0x49: {  	_ =	shalt  }
0x4a: {  	_ =	shalt  }
0x4b: {  	_ =	shalt  }
0x4c: {  	_ =	shalt  }
0x4d: {  	_ =	shalt  }
0x4e: {  	_ =	shalt  }
0x4f: {  	_ =	shalt  }
0x50: {  	_ =	shalt  }
0x51: {  	_ =	shalt  }
0x52: {  	_ =	shalt  }
0x53: {  	_ =	shalt  }
0x54: {  	_ =	shalt  }
0x55: {  	_ =	shalt  }
0x56: {  	_ =	shalt  }
0x57: {  	_ =	shalt  }
0x58: {  	_ =	shalt  }
0x59: {  	_ =	shalt  }
0x5a: {  	_ =	shalt  }
0x5b: {  	_ =	shalt  }
0x5c: {  	_ =	shalt  }
0x5d: {  	_ =	shalt  }
0x5e: {  	_ =	shalt  }
0x5f: {  	_ =	shalt  }
0x60: {  	_ =	shalt  }
0x61: {  	_ =	shalt  }
0x62: {  	_ =	shalt  }
0x63: {  	_ =	shalt  }
0x64: {  	_ =	shalt  }
0x65: {  	_ =	shalt  }
0x66: {  	_ =	shalt  }
0x67: {  	_ =	shalt  }
0x68: {  	_ =	shalt  }
0x69: {  	_ =	shalt  }
0x6a: {  	_ =	shalt  }
0x6b: {  	_ =	shalt  }
0x6c: {  	_ =	shalt  }
0x6d: {  	_ =	shalt  }
0x6e: {  	_ =	shalt  }
0x6f: {  	_ =	shalt  }
0x70: {  	_ =	shalt  }
0x71: {  	_ =	shalt  }
0x72: {  	_ =	shalt  }
0x73: {  	_ =	shalt  }
0x74: {  	_ =	shalt  }
0x75: {  	_ =	shalt  }
0x76: {  	_ =	shalt  }
0x77: {  	_ =	shalt  }
0x78: {  	_ =	shalt  }
0x79: {  	_ =	shalt  }
0x7a: {  	_ =	shalt  }
0x7b: {  	_ =	shalt  }
0x7c: {  	_ =	shalt  }
0x7d: {  	_ =	shalt  }
0x7e: {  	_ =	shalt  }
0x7f: {  	_ =	shalt  }
0x80: {  	_ =	shalt  }
0x81: {  	_ =	shalt  }
0x82: {  	_ =	shalt  }
0x83: {  	_ =	shalt  }
0x84: {  	_ =	shalt  }
0x85: {  	_ =	shalt  }
0x86: {  	_ =	shalt  }
0x87: {  	_ =	shalt  }
.Lfunc_end0:
.L_simem_size_0:
called_computation.2_lowered:
.L_overlay_start_0:
0x88: {  	s2 =	sld [smem:$0x3FD9]  }
0x89: {  	s3 =	sld [smem:$0x3FFE];
	_ =	sdelay $0x1  }
0x8a: {  	s1 =	srdreg.scid  }
0x8b: {  	s0 =	sand.u32 $0x1, s1  }
0x8c: {  	s14 =	sshll.u32 s0, $0xA;
	s2 =	sadd.s32 s3, s2  }
0x8d: {  	s2 =	sadd.s32 s2, s14  }
0x8e: {  	[smem:$0x3FC4] =	sst s2  }
0x8f: {  	_ = 	snop  }
0x90: {  	s2 =	sld [smem:$0x3FD0];
	_ =	sdelay $0x2  }
0x91: {  	s15 =	simm.s32 $0xA;
	s4 =	simm.s32 $0x10  }
0x92: {  	[smem:s4], [sflag:s15] =	dma.local [hbm:s2], $0x1  }
0x93: {  	_ =	swait.eq [sflag:s15], $0x1  }
0x94: {  	[sflag:s15] =	ssyncset.done $0x0  }
0x95: {  	[sflag:s15] =	ssyncadd.s32 $0xFFFFFFFF  }
0x96: {  	s16 =	sld [smem:$0x10];
	(tm) =	ssettm $0x1  }
0x97: {  	s17 =	sld [smem:$0x3FFB];
	_ =	sdelay $0x3  }
0x98: {  	_ =	strace s17  }
0x99: {  	s3 =	sld [smem:$0x3FFC];
	_ =	sdelay $0x3  }
0x9a: {  	_ =	strace s3  }
0x9b: {  	s3 =	sld [smem:$0x3FFD];
	_ =	sdelay $0x3  }
0x9c: {  	_ =	strace s3  }
0x9d: {  	_ =	strace $0x8FFFFFFF  }
0x9e: {  	s18 =	sld [smem:$0x3FDB];
	_ =	sdelay $0x1  }
0x9f: {  	s19 =	simm.s32 $_scs_section_size  }
0xa0: {  	s5 =	simm.s32 $_size__tile_overlayer_lowered;
	s6 =	simm.s32 $_tile_overlayer_lowered  }
0xa1: {  	s22 =	simm.s32 $0x1BFF;
	s21 =	sshll.u32 s6, $0x1;
	s3 =	sadd.s32 s19, s18  }
0xa2: {  	s7 =	simm.s32 $0x0;
	s20 =	sshll.u32 s5, $0x1;
	s5 =	sadd.s32 s21, s3  }
0xa3: {  	[timem:s7], [sflag:s22] =	dma.local [hbm:s5], s20  }
0xa4: {  	_ =	swait.ge [sflag:s22], s20  }
0xa5: {  	s4 =	ssub.s32 $0x0, s20;
	[sflag:s22] =	ssyncset.done $0x0  }
0xa6: {  	[sflag:s22] =	ssyncadd.s32 s4;
	_ =	sdelay $0x1  }
0xa7: {  	s23 =	simm.s32 $0x1B8B  }
0xa8: {  	_ =	swait.ge [sflag:s23], $0x1  }
0xa9: {  	[sflag:s23] =	ssyncset.done $0x0  }
0xaa: {  	s25 =	simm.s32 $0x1B8E;
	s24 =	sld [smem:$0x3FFE];
	[sflag:s23] =	ssyncadd.s32 $0xFFFFFFFF  }
0xab: {  	s26 =	simm.s32 $execute0_lowered;
	[smem:$0x3FD2] =	sst s25  }
0xac: {  	s5 =	sshll.u32 s26, $0x1;
	_ =	strace $0x8000004C;
	[dreg:$0x1] =	wrdreg $0xFFFFFFFF  }
0xad: {  	s28 =	simm.s32 $_size_execute0_lowered;
	s3 =	sadd.s32 s3, s5;
	[dreg:$0x0] =	wrdreg $0x0  }
0xae: {  	s5 =	sshll.u32 s28, $0x1;
	[dreg:$0x2] =	wrdreg s3  }
0xaf: {  	[dreg:$0x3] =	wrdreg s5  }
0xb0: {  	[dreg:$0x4] =	wrdreg $0xC0  }
0xb1: {  	_ =	task [dreg:s7], $0x5FFFF  }
0xb2: {  	[dreg:$0x1] =	wrdreg $0xFFFFFFFF  }
0xb3: {  	[dreg:$0x0] =	wrdreg $0x60  }
0xb4: {  	[dreg:$0x2] =	wrdreg s16  }
0xb5: {  	[dreg:$0x3] =	wrdreg s24  }
0xb6: {  	[dreg:$0x4] =	wrdreg $0x9  }
0xb7: {  	_ =	task.clear_ibuf [dreg:s7], $0x5FFFF;
	_ =	strace $0x9000004C  }
0xb8: {  	s29 =	simm.s32 $0x9;
	_ =	strace $0x8000004E  }
0xb9: {  	_ =	swait.ge [sflag:s29], $0x1  }
0xba: {  	[sflag:s29] =	ssyncadd.s32 $0xFFFFFFFF  }
0xbb: {  	_ =	strace $0x9000004E  }
0xbc: {  	_ =	sfence  }
0xbd: {  	s30 =	sld [smem:$0x0];
	_ =	sdelay $0x2  }
0xbe: {  	s31 =	sshll.u32 s1, $0xD;
	s1 =	sshrl.u32 s1, $0x2  }
0xbf: {  	s3 =	sand.u32 $0x4000, s31;
	s1 =	sadd.s32 s1, s30  }
0xc0: {  	s0 =	sor.u32 s3, s0;
	s1 =	sshll.u32 s1, $0x11  }
0xc1: {  	s0 =	sor.u32 s1, s0  }
0xc2: {  	s0 =	sadd.s32 $0x8F2B, s0  }
0xc3: {  	[sflag:s0] =	ssyncadd.remote.s32 $0x1  }
0xc4: {  	_ =	sfence.sel $0xFFFF  }
0xc5: {  	[dreg:$0x0] =	wrdreg $0xFFFFFFFF;
	(pc) =	sbr.abs _section_cstart, $3  }
0xc6: {  	[dreg:$0x1] =	wrdreg $0xFFFFFFFF  }
0xc7: {  	_ =	task.clear_ibuf [dreg:s7], $0x2FFFF;
	_ =	strace $0x9FFFFFFF  }
0xc8: {  	(tm) =	ssettm $0x7FFFFFFF  }
0xc9: {  	_ =	shalt  }
tec
execute0_lowered:
.L_overlay_start_1:
0x0: {  	(tag) =	ssettag $0x1  }
0x1: {  	s2 =	rddreg [dreg:$0x0]  }
0x2: {  	s0 =	rddreg [dreg:$0x1]  }
0x3: {  	s1 =	srdreg.scid;
	s4 =	stileid.u32  }
0x4: {  	s3 =	simm.s32 $0x0;
	s13 =	simm.s32 $0x3;
	s14 =	simm.s32 $0x200  }
0x5: {  	s15 =	simm.s32 $0xC8;
	s16 =	simm.s32 $0x400;
	s17 =	simm.s32 $0xD0  }
0x6: {  	s18 =	simm.s32 $0xCC00;
	s19 =	simm.s32 $0x100;
	s20 =	simm.s32 $0x300  }
0x7: {  	s22 =	simm.s32 $0x13400;
	s23 =	simm.s32 $0x1;
	s24 =	simm.s32 $0x19C00  }
0x8: {  	s25 =	simm.s32 $0x1A880;
	s1 =	sand.u32 $0x1, s1;
	s4 =	sshll.u32 s4, $0x1  }
0x9: {  	[smem:$0x7FF] =	sst s3;
	s4 =	sor.u32 s1, s4;
	s1 =	ssub.s32 $0x2, s1  }
0xa: {  	s5 =	sadd.s32 $0xC400, s0;
	s4 =	smul.u32 $0x2710, s4;
	s9 =	sshrl.u32 s1, $0x1  }
0xb: {  	s6 =	sadd.s32 $0x66200, s0;
	s7 =	sadd.s32 $0x70000, s0;
	s29 =	ssub.s32 s1, s9  }
0xc: {  	s8 =	sadd.s32 $0x10C400, s0;
	s10 =	sshrl.u32 s4, $0x3;
	s0 =	smax.u32 s29, $0x1  }
0xd: {  	_ =	strace $0x8000004D;
	s30 =	sadd.s32 s5, s10;
	[dreg:$0x5] =	wrdreg s0  }
0xe: {  	s26 =	simm.s32 $0x2;
	s31 =	sadd.s32 s6, s10;
	[dreg:$0x3] =	wrdreg s30  }
0xf: {  	s1 =	simm.s32 $0x0;
	s11 =	sadd.s32 $0xC8, s4;
	[dreg:$0x4] =	wrdreg s31  }
.LBB2_1:
0x10: {  	[dreg:$0x6] =	wrdreg s1  }
0x11: {  	s0 =	rddreg [dreg:$0x3]  }
0x12: {  	[tilespmem:s3], [sflag:$0x3] =	stream.linear.gather [hbm4b:s0+s3], $0xC8, $0x38;
	[tilespmem:$0x1B500] =	vst v63  }
0x13: {  	_ =	swait.ge [sflag:s13], $0xC8  }
0x14: {  	[sflag:s13] =	ssyncset.done $0x0  }
0x15: {  	s31 =	rddreg [dreg:$0x4];
	[sflag:s13] =	ssyncadd.s32 $0xFFFFFF38  }
0x16: {  	[tilespmem:s14], [sflag:$0x3] =	stream.linear.gather [hbm4b:s31+s3], $0xD0, $0x38;
	[tilespmem:$0x1B500] =	vst v63  }
0x17: {  	_ =	swait.ge [sflag:s13], $0xD0  }
0x18: {  	[sflag:s13] =	ssyncset.done $0x0  }
0x19: {  	[sflag:s13] =	ssyncadd.s32 $0xFFFFFF30  }
0x1a: {  	[tilespmem:s16], [sflag:$0x1] =	stream.indirect.gather [hbm4b:s2+s15], $0x80, s3, s15, $0xb8;
	[tilespmem:$0x1B500] =	vst v63  }
0x1b: {  	s29 =	simm.s32 $0x0  }
0x1c: {  	[tilespmem:s18], [sflag:$0x1] =	stream.indirect.gather [hbm4b:s2+s17], $0x80, s14, s17, $0xb8;
	[tilespmem:$0x1B500] =	vst v63  }
.LBB2_2:
0x1d: {  	s31 =	smul.u32 $0x190, s29;
	_ =	sdelay $0x1  }
0x1e: {  	s30 =	sadd.s32 s31, s11  }
0x1f: {  	s0 =	sshrl.u32 s30, $0x3  }
0x20: {  	s1 =	sadd.s32 s5, s0  }
0x21: {  	[tilespmem:s19], [sflag:$0x3] =	stream.linear.gather [hbm4b:s1+s3], $0xC8, $0x38;
	[tilespmem:$0x1B500] =	vst v63  }
0x22: {  	_ =	swait.ge [sflag:s13], $0xC8  }
0x23: {  	[sflag:s13] =	ssyncset.done $0x0  }
0x24: {  	s0 =	sadd.s32 s6, s0;
	[sflag:s13] =	ssyncadd.s32 $0xFFFFFF38  }
0x25: {  	[tilespmem:s20], [sflag:$0x3] =	stream.linear.gather [hbm4b:s0+s3], $0xD0, $0x38;
	[tilespmem:$0x1B500] =	vst v63  }
0x26: {  	_ =	swait.ge [sflag:s13], $0xD0  }
0x27: {  	[sflag:s13] =	ssyncset.done $0x0  }
0x28: {  	s21 =	simm.s32 $0x6800;
	[sflag:s13] =	ssyncadd.s32 $0xFFFFFF30  }
0x29: {  	[tilespmem:s21], [sflag:$0x2] =	stream.indirect.gather [hbm4b:s2+s15], $0x80, s19, s15, $0xb8;
	[tilespmem:$0x1B500] =	vst v63  }
0x2a: {  	_ = 	snop  }
0x2b: {  	[tilespmem:s22], [sflag:$0x2] =	stream.indirect.gather [hbm4b:s2+s17], $0x80, s20, s17, $0xb8;
	[tilespmem:$0x1B500] =	vst v63  }
0x2c: {  	_ =	swait.ge [sflag:s23], $0x6400  }
0x2d: {  	[sflag:s23] =	ssyncset.done $0x0  }
0x2e: {  	[sflag:s23] =	ssyncadd.s32 $0xFFFF9C00  }
0x2f: {  	_ =	swait.ge [sflag:s23], $0x6800  }
0x30: {  	[sflag:s23] =	ssyncset.done $0x0  }
0x31: {  	[sflag:s23] =	ssyncadd.s32 $0xFFFF9800  }
0x32: {  	v0 =	vld [tilespmem:$0xCC00]  }
0x33: {  	v1 =	vld [tilespmem:$0xCC10]  }
0x34: {  	v2 =	vld [tilespmem:$0xCC20]  }
0x35: {  	v3 =	vld [tilespmem:$0xCC30]  }
0x36: {  	v4 =	vld [tilespmem:$0xCC40]  }
0x37: {  	v5 =	vld [tilespmem:$0xCC50]  }
0x38: {  	s0 =	simm.s32 $0x500;
	v6 =	vld [tilespmem:$0xCC60]  }
0x39: {  	s10 =	simm.s32 $0xCD40;
	v7 =	vld [tilespmem:s0+$0xFFFFFF00]  }
0x3a: {  	v8 =	vld [tilespmem:s10+$0xFFFFFF40]  }
0x3b: {  	v9 =	vld [tilespmem:s0+$0xFFFFFF10]  }
0x3c: {  	v10 =	vld [tilespmem:s10+$0xFFFFFF50]  }
0x3d: {  	v11 =	vld [tilespmem:s0+$0xFFFFFF20]  }
0x3e: {  	v12 =	vld [tilespmem:s10+$0xFFFFFF60]  }
0x3f: {  	v14 =	vld [tilespmem:s0+$0xFFFFFF30];
	v13 =	vmul.f32 v8, v7  }
0x40: {  	v0 =	vmul.f32 v7, v0;
	v7 =	vld [tilespmem:s10+$0xFFFFFF70]  }
0x41: {  	v16 =	vld [tilespmem:s0+$0xFFFFFF40];
	v15 =	vmul.f32 v10, v9;
	v13 =	vadd.f32 $0.0e+00, v13  }
0x42: {  	v1 =	vmul.f32 v9, v1;
	v9 =	vld [tilespmem:s10+$0xFFFFFF80];
	v0 =	vadd.f32 $0.0e+00, v0  }
0x43: {  	v17 =	vld [tilespmem:s0+$0xFFFFFF50];
	v29 =	vmul.f32 v12, v11;
	v13 =	vadd.f32 v15, v13  }
0x44: {  	v0 =	vadd.f32 v1, v0;
	v1 =	vmul.f32 v11, v2;
	v2 =	vld [tilespmem:s10+$0xFFFFFF90]  }
0x45: {  	v31 =	vld [tilespmem:s0+$0xFFFFFF60];
	v30 =	vmul.f32 v7, v14;
	v11 =	vadd.f32 v29, v13  }
0x46: {  	v0 =	vadd.f32 v1, v0;
	v1 =	vmul.f32 v14, v3;
	v3 =	vld [tilespmem:s10+$0xFFFFFFA0]  }
0x47: {  	v33 =	vld [tilespmem:s10+$0xFFFFFFB0];
	v32 =	vmul.f32 v9, v16;
	v11 =	vadd.f32 v30, v11  }
0x48: {  	v0 =	vadd.f32 v1, v0;
	v1 =	vmul.f32 v16, v4;
	v4 =	vld [tilespmem:s0+$0xFFFFFF70]  }
0x49: {  	v34 =	vld [tilespmem:$0xCC70];
	v35 =	vmul.f32 v2, v17;
	v11 =	vadd.f32 v32, v11  }
0x4a: {  	v0 =	vadd.f32 v1, v0;
	v1 =	vmul.f32 v17, v5  }
0x4b: {  	v5 =	vadd.f32 v35, v11;
	v11 =	vmul.f32 v3, v31  }
0x4c: {  	v0 =	vadd.f32 v1, v0;
	v1 =	vmul.f32 v31, v6  }
0x4d: {  	v6 =	vmul.f32 v33, v4;
	v5 =	vadd.f32 v11, v5  }
0x4e: {  	v0 =	vadd.f32 v1, v0;
	v1 =	vmul.f32 v4, v34  }
0x4f: {  	v4 =	vadd.f32 v6, v5  }
0x50: {  	s1 =	simm.s32 $0x19C20;
	v0 =	vadd.f32 v1, v0  }
0x51: {  	s9 =	simm.s32 $0x1A8A0;
	[tilespmem:s1+$0xFFFFFFE0] =	vst v4  }
0x52: {  	[tilespmem:s9+$0xFFFFFFE0] =	vst v0  }
0x53: {  	v0 =	vld [tilespmem:s0+$0xFFFFFF80]  }
0x54: {  	v1 =	vld [tilespmem:s10+$0xFFFFFFC0]  }
0x55: {  	v4 =	vld [tilespmem:s10+$0xFFFFFFD0]  }
0x56: {  	v5 =	vld [tilespmem:s0+$0xFFFFFF90]  }
0x57: {  	v6 =	vld [tilespmem:s0+$0xFFFFFFA0]  }
0x58: {  	v11 =	vld [tilespmem:s10+$0xFFFFFFE0]  }
0x59: {  	v37 =	vld [tilespmem:s0+$0xFFFFFFB0];
	v36 =	vmul.f32 v1, v0  }
0x5a: {  	v0 =	vmul.f32 v0, v8;
	v8 =	vld [tilespmem:s10+$0xFFFFFFF0]  }
0x5b: {  	v39 =	vld [tilespmem:s0+$0xFFFFFFC0];
	v38 =	vmul.f32 v4, v5;
	v13 =	vadd.f32 $0.0e+00, v36  }
0x5c: {  	v5 =	vmul.f32 v5, v10;
	v10 =	vld [tilespmem:s10+$0x0];
	v0 =	vadd.f32 $0.0e+00, v0  }
0x5d: {  	v18 =	vld [tilespmem:s0+$0xFFFFFFD0];
	v40 =	vmul.f32 v11, v6;
	v13 =	vadd.f32 v38, v13  }
0x5e: {  	v0 =	vadd.f32 v5, v0;
	v5 =	vmul.f32 v6, v12;
	v6 =	vld [tilespmem:s10+$0x10]  }
0x5f: {  	v43 =	vld [tilespmem:s0+$0xFFFFFFE0];
	v42 =	vmul.f32 v8, v37;
	v41 =	vadd.f32 v40, v13  }
0x60: {  	v0 =	vadd.f32 v5, v0;
	v5 =	vmul.f32 v37, v7;
	v7 =	vld [tilespmem:s10+$0x20]  }
0x61: {  	v45 =	vld [tilespmem:s10+$0x30];
	v44 =	vmul.f32 v10, v39;
	v12 =	vadd.f32 v42, v41  }
0x62: {  	v0 =	vadd.f32 v5, v0;
	v5 =	vmul.f32 v39, v9;
	v9 =	vld [tilespmem:s0+$0xFFFFFFF0]  }
0x63: {  	v46 =	vmul.f32 v6, v18;
	v12 =	vadd.f32 v44, v12  }
0x64: {  	v2 =	vmul.f32 v18, v2;
	v0 =	vadd.f32 v5, v0  }
0x65: {  	v47 =	vmul.f32 v7, v43;
	v5 =	vadd.f32 v46, v12  }
0x66: {  	v0 =	vadd.f32 v2, v0;
	v2 =	vmul.f32 v43, v3  }
0x67: {  	v3 =	vadd.f32 v47, v5;
	v5 =	vmul.f32 v45, v9  }
0x68: {  	v0 =	vadd.f32 v2, v0;
	v2 =	vmul.f32 v9, v33  }
0x69: {  	v3 =	vadd.f32 v5, v3  }
0x6a: {  	v0 =	vadd.f32 v2, v0  }
0x6b: {  	[tilespmem:s1+$0xFFFFFFF0] =	vst v3  }
0x6c: {  	[tilespmem:s9+$0xFFFFFFF0] =	vst v0  }
0x6d: {  	v0 =	vld [tilespmem:s0+$0x0]  }
0x6e: {  	v3 =	vld [tilespmem:s10+$0x40]  }
0x6f: {  	v2 =	vld [tilespmem:s0+$0x10]  }
0x70: {  	v5 =	vld [tilespmem:s10+$0x50]  }
0x71: {  	v9 =	vld [tilespmem:s0+$0x20]  }
0x72: {  	v48 =	vld [tilespmem:s10+$0x60]  }
0x73: {  	v50 =	vld [tilespmem:s0+$0x30];
	v49 =	vmul.f32 v3, v0  }
0x74: {  	v51 =	vld [tilespmem:s10+$0x70];
	v0 =	vmul.f32 v0, v1  }
0x75: {  	v53 =	vld [tilespmem:s0+$0x40];
	v52 =	vmul.f32 v5, v2;
	v1 =	vadd.f32 $0.0e+00, v49  }
0x76: {  	v54 =	vld [tilespmem:s10+$0x80];
	v2 =	vmul.f32 v2, v4;
	v0 =	vadd.f32 $0.0e+00, v0  }
0x77: {  	v55 =	vld [tilespmem:s0+$0x50];
	v4 =	vmul.f32 v48, v9;
	v1 =	vadd.f32 v52, v1  }
0x78: {  	v0 =	vadd.f32 v2, v0;
	v2 =	vmul.f32 v9, v11;
	v9 =	vld [tilespmem:s10+$0x90]  }
0x79: {  	v11 =	vld [tilespmem:s0+$0x60];
	v1 =	vadd.f32 v4, v1;
	v4 =	vmul.f32 v51, v50  }
0x7a: {  	v0 =	vadd.f32 v2, v0;
	v2 =	vmul.f32 v50, v8;
	v8 =	vld [tilespmem:s10+$0xA0]  }
0x7b: {  	v56 =	vld [tilespmem:s10+$0xB0];
	v1 =	vadd.f32 v4, v1;
	v4 =	vmul.f32 v54, v53  }
0x7c: {  	v0 =	vadd.f32 v2, v0;
	v2 =	vmul.f32 v53, v10;
	v10 =	vld [tilespmem:s0+$0x70]  }
0x7d: {  	v1 =	vadd.f32 v4, v1;
	v4 =	vmul.f32 v9, v55  }
0x7e: {  	v0 =	vadd.f32 v2, v0;
	v2 =	vmul.f32 v55, v6  }
0x7f: {  	v1 =	vadd.f32 v4, v1;
	v4 =	vmul.f32 v8, v11  }
0x80: {  	v0 =	vadd.f32 v2, v0;
	v2 =	vmul.f32 v11, v7  }
0x81: {  	v1 =	vadd.f32 v4, v1;
	v4 =	vmul.f32 v56, v10  }
0x82: {  	v0 =	vadd.f32 v2, v0;
	v2 =	vmul.f32 v10, v45  }
0x83: {  	v1 =	vadd.f32 v4, v1  }
0x84: {  	v0 =	vadd.f32 v2, v0  }
0x85: {  	[tilespmem:s1+$0x0] =	vst v1  }
0x86: {  	[tilespmem:s9+$0x0] =	vst v0  }
0x87: {  	v4 =	vld [tilespmem:s0+$0x80]  }
0x88: {  	v2 =	vld [tilespmem:s10+$0xC0]  }
0x89: {  	v6 =	vld [tilespmem:s0+$0x90]  }
0x8a: {  	v0 =	vld [tilespmem:s10+$0xD0]  }
0x8b: {  	v7 =	vld [tilespmem:s0+$0xA0]  }
0x8c: {  	v1 =	vld [tilespmem:s10+$0xE0];
	v3 =	vmul.f32 v4, v3  }
0x8d: {  	v10 =	vld [tilespmem:s0+$0xB0];
	v4 =	vmul.f32 v2, v4  }
0x8e: {  	v5 =	vmul.f32 v6, v5;
	v11 =	vadd.f32 $0.0e+00, v3;
	v3 =	vld [tilespmem:s10+$0xF0]  }
0x8f: {  	v58 =	vld [tilespmem:s0+$0xC0];
	v6 =	vmul.f32 v0, v6;
	v57 =	vadd.f32 $0.0e+00, v4  }
0x90: {  	v4 =	vld [tilespmem:s10+$0x100];
	v5 =	vadd.f32 v5, v11;
	v11 =	vmul.f32 v7, v48  }
0x91: {  	v59 =	vld [tilespmem:s0+$0xD0];
	v6 =	vadd.f32 v6, v57;
	v7 =	vmul.f32 v1, v7  }
0x92: {  	v60 =	vmul.f32 v10, v51;
	v11 =	vadd.f32 v11, v5;
	v5 =	vld [tilespmem:s10+$0x110]  }
0x93: {  	v61 =	vld [tilespmem:s0+$0xE0];
	v7 =	vadd.f32 v7, v6;
	v10 =	vmul.f32 v3, v10  }
0x94: {  	v62 =	vmul.f32 v58, v54;
	v6 =	vld [tilespmem:s10+$0x120];
	v11 =	vadd.f32 v60, v11  }
0x95: {  	v63 =	vld [tilespmem:s0+$0xF0];
	v15 =	vmul.f32 v4, v58;
	v10 =	vadd.f32 v10, v7  }
0x96: {  	v9 =	vmul.f32 v59, v9;
	v7 =	vld [tilespmem:s10+$0x130];
	v11 =	vadd.f32 v62, v11  }
0x97: {  	v10 =	vadd.f32 v15, v10;
	v12 =	vmul.f32 v5, v59  }
0x98: {  	v8 =	vmul.f32 v61, v8;
	v9 =	vadd.f32 v9, v11  }
0x99: {  	v11 =	vmul.f32 v6, v61;
	v10 =	vadd.f32 v12, v10  }
0x9a: {  	s28 =	simm.s32 $0x19C60;
	v8 =	vadd.f32 v8, v9  }
0x9b: {  	s12 =	simm.s32 $0x1A8A0;
	s21 =	simm.s32 $0xCF40;
	s10 =	simm.s32 $0x0;
	v9 =	vmul.f32 v63, v56;
	v10 =	vadd.f32 v11, v10;
	v11 =	vmul.f32 v7, v63  }
.LBB2_3:
0x9c: {  	s10 =	sadd.s32 $0x4, s10;
	s0 =	sadd.s32 $0x200, s0;
	s9 =	sadd.s32 $0x40, s9  }
0x9d: {  	p0 =	slt.u32 s10, $0xC4;
	v10 =	vadd.f32 v11, v10  }
0x9e: {  	v8 =	vadd.f32 v9, v8  }
0x9f: {  	[tilespmem:s1+$0x10] =	vst v10;
	s1 =	smov.u32 s28  }
0xa0: {  	[tilespmem:s12+$0x10] =	vst v8;
	s12 =	smov.u32 s9  }
0xa1: {  	v8 =	vld [tilespmem:s0+$0xFFFFFF00]  }
0xa2: {  	v9 =	vld [tilespmem:s21+$0xFFFFFF40]  }
0xa3: {  	v10 =	vld [tilespmem:s0+$0xFFFFFF10]  }
0xa4: {  	v11 =	vld [tilespmem:s21+$0xFFFFFF50]  }
0xa5: {  	v12 =	vld [tilespmem:s0+$0xFFFFFF20]  }
0xa6: {  	v2 =	vmul.f32 v8, v2;
	v13 =	vld [tilespmem:s21+$0xFFFFFF60]  }
0xa7: {  	v8 =	vmul.f32 v9, v8;
	v14 =	vld [tilespmem:s0+$0xFFFFFF30]  }
0xa8: {  	v2 =	vadd.f32 $0.0e+00, v2;
	v0 =	vmul.f32 v10, v0;
	v15 =	vld [tilespmem:s21+$0xFFFFFF70]  }
0xa9: {  	v8 =	vadd.f32 $0.0e+00, v8;
	v10 =	vmul.f32 v11, v10;
	v16 =	vld [tilespmem:s0+$0xFFFFFF40]  }
0xaa: {  	v0 =	vadd.f32 v0, v2;
	v1 =	vmul.f32 v12, v1;
	v2 =	vld [tilespmem:s21+$0xFFFFFF80]  }
0xab: {  	v8 =	vadd.f32 v10, v8;
	v10 =	vmul.f32 v13, v12;
	v12 =	vld [tilespmem:s0+$0xFFFFFF50]  }
0xac: {  	v0 =	vadd.f32 v1, v0;
	v1 =	vmul.f32 v14, v3;
	v3 =	vld [tilespmem:s21+$0xFFFFFF90]  }
0xad: {  	v8 =	vadd.f32 v10, v8;
	v10 =	vmul.f32 v15, v14;
	v14 =	vld [tilespmem:s0+$0xFFFFFF60]  }
0xae: {  	v0 =	vadd.f32 v1, v0;
	v1 =	vmul.f32 v16, v4;
	v4 =	vld [tilespmem:s21+$0xFFFFFFA0]  }
0xaf: {  	v8 =	vadd.f32 v10, v8;
	v10 =	vmul.f32 v2, v16;
	v16 =	vld [tilespmem:s21+$0xFFFFFFB0]  }
0xb0: {  	v0 =	vadd.f32 v1, v0;
	v1 =	vmul.f32 v12, v5;
	v5 =	vld [tilespmem:s0+$0xFFFFFF70]  }
0xb1: {  	v8 =	vadd.f32 v10, v8;
	v10 =	vmul.f32 v3, v12  }
0xb2: {  	v0 =	vadd.f32 v1, v0;
	v1 =	vmul.f32 v14, v6  }
0xb3: {  	v6 =	vadd.f32 v10, v8;
	v8 =	vmul.f32 v4, v14  }
0xb4: {  	v0 =	vadd.f32 v1, v0  }
0xb5: {  	v1 =	vadd.f32 v8, v6;
	v6 =	vmul.f32 v16, v5  }
0xb6: {  	v5 =	vmul.f32 v5, v7  }
0xb7: {  	v1 =	vadd.f32 v6, v1  }
0xb8: {  	v0 =	vadd.f32 v5, v0  }
0xb9: {  	[tilespmem:s28+$0xFFFFFFE0] =	vst v1  }
0xba: {  	[tilespmem:s9+$0xFFFFFFE0] =	vst v0  }
0xbb: {  	v0 =	vld [tilespmem:s21+$0xFFFFFFD0]  }
0xbc: {  	v1 =	vld [tilespmem:s0+$0xFFFFFF80]  }
0xbd: {  	v5 =	vld [tilespmem:s21+$0xFFFFFFC0]  }
0xbe: {  	v6 =	vld [tilespmem:s0+$0xFFFFFF90];
	_ =	sdelay $0x1  }
0xbf: {  	v7 =	vld [tilespmem:s0+$0xFFFFFFA0]  }
0xc0: {  	v8 =	vmul.f32 v1, v9;
	v9 =	vld [tilespmem:s21+$0xFFFFFFE0]  }
0xc1: {  	v1 =	vmul.f32 v5, v1;
	v10 =	vld [tilespmem:s0+$0xFFFFFFB0]  }
0xc2: {  	v8 =	vadd.f32 $0.0e+00, v8;
	v11 =	vmul.f32 v6, v11;
	v6 =	vmul.f32 v0, v6;
	v12 =	vld [tilespmem:s21+$0xFFFFFFF0]  }
0xc3: {  	v1 =	vadd.f32 $0.0e+00, v1;
	v14 =	vld [tilespmem:s0+$0xFFFFFFC0]  }
0xc4: {  	v8 =	vadd.f32 v11, v8;
	v11 =	vmul.f32 v7, v13;
	v13 =	vld [tilespmem:s21+$0x0]  }
0xc5: {  	v1 =	vadd.f32 v6, v1;
	v6 =	vmul.f32 v9, v7;
	v7 =	vld [tilespmem:s0+$0xFFFFFFD0]  }
0xc6: {  	v8 =	vadd.f32 v11, v8;
	v11 =	vmul.f32 v10, v15;
	v15 =	vld [tilespmem:s21+$0x10]  }
0xc7: {  	v1 =	vadd.f32 v6, v1;
	v6 =	vmul.f32 v12, v10;
	v10 =	vld [tilespmem:s0+$0xFFFFFFE0]  }
0xc8: {  	v8 =	vadd.f32 v11, v8;
	v2 =	vmul.f32 v14, v2;
	v11 =	vld [tilespmem:s21+$0x20]  }
0xc9: {  	v1 =	vadd.f32 v6, v1;
	v6 =	vmul.f32 v13, v14;
	v14 =	vld [tilespmem:s21+$0x30]  }
0xca: {  	v2 =	vadd.f32 v2, v8;
	v3 =	vmul.f32 v7, v3;
	v8 =	vld [tilespmem:s0+$0xFFFFFFF0]  }
0xcb: {  	v1 =	vadd.f32 v6, v1;
	v6 =	vmul.f32 v15, v7  }
0xcc: {  	v2 =	vadd.f32 v3, v2;
	v3 =	vmul.f32 v10, v4  }
0xcd: {  	v1 =	vadd.f32 v6, v1;
	v4 =	vmul.f32 v11, v10  }
0xce: {  	v2 =	vadd.f32 v3, v2  }
0xcf: {  	v1 =	vadd.f32 v4, v1;
	v3 =	vmul.f32 v8, v16;
	v4 =	vmul.f32 v14, v8;
	_ =	sdelay $0x1  }
0xd0: {  	v1 =	vadd.f32 v4, v1  }
0xd1: {  	v2 =	vadd.f32 v3, v2  }
0xd2: {  	[tilespmem:s28+$0xFFFFFFF0] =	vst v1  }
0xd3: {  	[tilespmem:s9+$0xFFFFFFF0] =	vst v2  }
0xd4: {  	v1 =	vld [tilespmem:s0+$0x0]  }
0xd5: {  	v3 =	vld [tilespmem:s21+$0x40]  }
0xd6: {  	v2 =	vld [tilespmem:s0+$0x10]  }
0xd7: {  	v4 =	vld [tilespmem:s21+$0x50]  }
0xd8: {  	v6 =	vld [tilespmem:s0+$0x20]  }
0xd9: {  	v5 =	vmul.f32 v1, v5;
	v7 =	vld [tilespmem:s21+$0x60]  }
0xda: {  	v1 =	vmul.f32 v3, v1;
	v8 =	vld [tilespmem:s0+$0x30]  }
0xdb: {  	v5 =	vadd.f32 $0.0e+00, v5;
	v0 =	vmul.f32 v2, v0;
	v10 =	vld [tilespmem:s21+$0x70]  }
0xdc: {  	v1 =	vadd.f32 $0.0e+00, v1;
	v2 =	vmul.f32 v4, v2;
	v16 =	vld [tilespmem:s0+$0x40]  }
0xdd: {  	v0 =	vadd.f32 v0, v5;
	v5 =	vmul.f32 v6, v9;
	v9 =	vld [tilespmem:s21+$0x80]  }
0xde: {  	v1 =	vadd.f32 v2, v1;
	v2 =	vmul.f32 v7, v6;
	v6 =	vld [tilespmem:s0+$0x50]  }
0xdf: {  	v0 =	vadd.f32 v5, v0;
	v5 =	vmul.f32 v8, v12;
	v12 =	vld [tilespmem:s21+$0x90]  }
0xe0: {  	v1 =	vadd.f32 v2, v1;
	v2 =	vmul.f32 v10, v8;
	v8 =	vld [tilespmem:s0+$0x60]  }
0xe1: {  	v0 =	vadd.f32 v5, v0;
	v5 =	vmul.f32 v16, v13;
	v13 =	vld [tilespmem:s21+$0xA0]  }
0xe2: {  	v1 =	vadd.f32 v2, v1;
	v2 =	vmul.f32 v9, v16;
	v16 =	vld [tilespmem:s21+$0xB0]  }
0xe3: {  	v0 =	vadd.f32 v5, v0;
	v5 =	vmul.f32 v6, v15;
	v15 =	vld [tilespmem:s0+$0x70]  }
0xe4: {  	v1 =	vadd.f32 v2, v1;
	v2 =	vmul.f32 v12, v6  }
0xe5: {  	v0 =	vadd.f32 v5, v0;
	v5 =	vmul.f32 v8, v11  }
0xe6: {  	v1 =	vadd.f32 v2, v1;
	v2 =	vmul.f32 v13, v8  }
0xe7: {  	v0 =	vadd.f32 v5, v0  }
0xe8: {  	v1 =	vadd.f32 v2, v1;
	v2 =	vmul.f32 v16, v15  }
0xe9: {  	v5 =	vmul.f32 v15, v14  }
0xea: {  	v1 =	vadd.f32 v2, v1  }
0xeb: {  	v0 =	vadd.f32 v5, v0  }
0xec: {  	[tilespmem:s28+$0x0] =	vst v1  }
0xed: {  	[tilespmem:s9+$0x0] =	vst v0  }
0xee: {  	v5 =	vld [tilespmem:s0+$0x80]  }
0xef: {  	v2 =	vld [tilespmem:s21+$0xC0]  }
0xf0: {  	v6 =	vld [tilespmem:s0+$0x90]  }
0xf1: {  	v0 =	vld [tilespmem:s21+$0xD0]  }
0xf2: {  	v8 =	vld [tilespmem:s0+$0xA0]  }
0xf3: {  	v3 =	vmul.f32 v5, v3;
	v1 =	vld [tilespmem:s21+$0xE0]  }
0xf4: {  	v5 =	vmul.f32 v2, v5;
	v11 =	vld [tilespmem:s0+$0xB0]  }
0xf5: {  	v14 =	vadd.f32 $0.0e+00, v3;
	v4 =	vmul.f32 v6, v4;
	v3 =	vld [tilespmem:s21+$0xF0]  }
0xf6: {  	v5 =	vadd.f32 $0.0e+00, v5;
	v6 =	vmul.f32 v0, v6;
	v15 =	vld [tilespmem:s0+$0xC0]  }
0xf7: {  	v14 =	vadd.f32 v4, v14;
	v7 =	vmul.f32 v8, v7;
	v4 =	vld [tilespmem:s21+$0x100]  }
0xf8: {  	v6 =	vadd.f32 v6, v5;
	v8 =	vmul.f32 v1, v8;
	v17 =	vld [tilespmem:s0+$0xD0]  }
0xf9: {  	v7 =	vadd.f32 v7, v14;
	v10 =	vmul.f32 v11, v10;
	v5 =	vld [tilespmem:s21+$0x110]  }
0xfa: {  	v8 =	vadd.f32 v8, v6;
	v11 =	vmul.f32 v3, v11;
	v14 =	vld [tilespmem:s0+$0xE0]  }
0xfb: {  	v7 =	vadd.f32 v10, v7;
	v9 =	vmul.f32 v15, v9;
	v6 =	vld [tilespmem:s21+$0x120]  }
0xfc: {  	v8 =	vadd.f32 v11, v8;
	v10 =	vmul.f32 v4, v15;
	v11 =	vld [tilespmem:s0+$0xF0]  }
0xfd: {  	v9 =	vadd.f32 v9, v7;
	v12 =	vmul.f32 v17, v12;
	v7 =	vld [tilespmem:s21+$0x130]  }
.Ltmp0:
0xfe: {  	v8 =	vadd.f32 v10, v8;
	v10 =	vmul.f32 v5, v17;
	(pc) =	sbr.rel @p0 .LBB2_3-.Ltmp0, $4  }
0xff: {  	v9 =	vadd.f32 v12, v9;
	v12 =	vmul.f32 v14, v13  }
0x100: {  	v10 =	vadd.f32 v10, v8;
	v13 =	vmul.f32 v6, v14  }
0x101: {  	v8 =	vadd.f32 v12, v9;
	v9 =	vmul.f32 v11, v16  }
0x102: {  	s28 =	sadd.s32 $0x40, s28;
	s21 =	sadd.s32 $0x200, s21;
	v10 =	vadd.f32 v13, v10;
	v11 =	vmul.f32 v7, v11  }
0x103: {  	_ = 	snop  }
0x104: {  	v0 =	vadd.f32 v11, v10  }
0x105: {  	v1 =	vadd.f32 v9, v8;
	s0 =	sadd.s32 s4, s31  }
0x106: {  	s10 =	sshll.u32 s29, $0x1;
	s0 =	sshll.u32 s0, $0x1;
	[tilespmem:s1+$0x10] =	vst v0  }
0x107: {  	s9 =	sadd.s32 s7, s0;
	[tilespmem:s12+$0x10] =	vst v1;
	s12 =	sadd.s32 $0x2, s10  }
0x108: {  	[hbm4b:s9+s3] =	stream.linear.scatter [tilespmem:s24], [sflag:$0x3], $0xC80, $0x38;
	[tilespmem:$0x1B500] =	vst v63  }
0x109: {  	s1 =	smul.u32 $0xC8, s12;
	_ =	swait.ge [sflag:s13], $0xC80  }
0x10a: {  	p0 =	seq.s32 s12, $0x32;
	[sflag:s13] =	ssyncset.done $0x0  }
0x10b: {  	s0 =	sadd.s32 s8, s0;
	s1 =	simm.s32 @p0 $0x0;
	[sflag:s13] =	ssyncadd.s32 $0xFFFFF380  }
0x10c: {  	[hbm4b:s0+s3] =	stream.linear.scatter [tilespmem:s25], [sflag:$0x3], $0xC80, $0x38;
	[tilespmem:$0x1B500] =	vst v63  }
0x10d: {  	s21 =	sadd.s32 s4, s1;
	_ =	swait.ge [sflag:s13], $0xC80  }
0x10e: {  	s0 =	sshrl.u32 s21, $0x3;
	[sflag:s13] =	ssyncset.done $0x0  }
0x10f: {  	s31 =	sadd.s32 s5, s0;
	[sflag:s13] =	ssyncadd.s32 $0xFFFFF380  }
0x110: {  	[tilespmem:s3], [sflag:$0x3] =	stream.linear.gather [hbm4b:s31+s3], $0xC8, $0x38;
	[tilespmem:$0x1B500] =	vst v63  }
0x111: {  	_ =	swait.ge [sflag:s13], $0xC8  }
0x112: {  	[sflag:s13] =	ssyncset.done $0x0  }
0x113: {  	s0 =	sadd.s32 s6, s0;
	[sflag:s13] =	ssyncadd.s32 $0xFFFFFF38  }
0x114: {  	[tilespmem:s14], [sflag:$0x3] =	stream.linear.gather [hbm4b:s0+s3], $0xD0, $0x38;
	[tilespmem:$0x1B500] =	vst v63  }
0x115: {  	_ =	swait.ge [sflag:s13], $0xD0  }
0x116: {  	[sflag:s13] =	ssyncset.done $0x0  }
0x117: {  	[sflag:s13] =	ssyncadd.s32 $0xFFFFFF30  }
0x118: {  	[tilespmem:s16], [sflag:$0x1] =	stream.indirect.gather [hbm4b:s2+s15], $0x80, s3, s15, $0xb8;
	[tilespmem:$0x1B500] =	vst v63  }
0x119: {  	_ = 	snop  }
0x11a: {  	[tilespmem:s18], [sflag:$0x1] =	stream.indirect.gather [hbm4b:s2+s17], $0x80, s14, s17, $0xb8;
	[tilespmem:$0x1B500] =	vst v63  }
0x11b: {  	_ =	swait.ge [sflag:s26], $0x6400  }
0x11c: {  	[sflag:s26] =	ssyncset.done $0x0  }
0x11d: {  	[sflag:s26] =	ssyncadd.s32 $0xFFFF9C00  }
0x11e: {  	_ =	swait.ge [sflag:s26], $0x6800  }
0x11f: {  	[sflag:s26] =	ssyncset.done $0x0  }
0x120: {  	[sflag:s26] =	ssyncadd.s32 $0xFFFF9800  }
0x121: {  	v0 =	vld [tilespmem:$0x13400]  }
0x122: {  	v1 =	vld [tilespmem:$0x13410]  }
0x123: {  	v2 =	vld [tilespmem:$0x13420]  }
0x124: {  	v3 =	vld [tilespmem:$0x13430]  }
0x125: {  	v4 =	vld [tilespmem:$0x13440]  }
0x126: {  	v5 =	vld [tilespmem:$0x13450]  }
0x127: {  	s0 =	simm.s32 $0x6900;
	v6 =	vld [tilespmem:$0x13460]  }
0x128: {  	s10 =	simm.s32 $0x13540;
	v7 =	vld [tilespmem:s0+$0xFFFFFF00]  }
0x129: {  	v8 =	vld [tilespmem:s10+$0xFFFFFF40]  }
0x12a: {  	v9 =	vld [tilespmem:s0+$0xFFFFFF10]  }
0x12b: {  	v10 =	vld [tilespmem:s10+$0xFFFFFF50]  }
0x12c: {  	v11 =	vld [tilespmem:s0+$0xFFFFFF20]  }
0x12d: {  	v12 =	vld [tilespmem:s10+$0xFFFFFF60]  }
0x12e: {  	v14 =	vld [tilespmem:s0+$0xFFFFFF30];
	v13 =	vmul.f32 v8, v7  }
0x12f: {  	v0 =	vmul.f32 v7, v0;
	v7 =	vld [tilespmem:s10+$0xFFFFFF70]  }
0x130: {  	v16 =	vld [tilespmem:s0+$0xFFFFFF40];
	v15 =	vmul.f32 v10, v9;
	v13 =	vadd.f32 $0.0e+00, v13  }
0x131: {  	v1 =	vmul.f32 v9, v1;
	v9 =	vld [tilespmem:s10+$0xFFFFFF80];
	v0 =	vadd.f32 $0.0e+00, v0  }
0x132: {  	v17 =	vld [tilespmem:s0+$0xFFFFFF50];
	v29 =	vmul.f32 v12, v11;
	v13 =	vadd.f32 v15, v13  }
0x133: {  	v0 =	vadd.f32 v1, v0;
	v1 =	vmul.f32 v11, v2;
	v2 =	vld [tilespmem:s10+$0xFFFFFF90]  }
0x134: {  	v31 =	vld [tilespmem:s0+$0xFFFFFF60];
	v30 =	vmul.f32 v7, v14;
	v11 =	vadd.f32 v29, v13  }
0x135: {  	v0 =	vadd.f32 v1, v0;
	v1 =	vmul.f32 v14, v3;
	v3 =	vld [tilespmem:s10+$0xFFFFFFA0]  }
0x136: {  	v33 =	vld [tilespmem:s10+$0xFFFFFFB0];
	v32 =	vmul.f32 v9, v16;
	v11 =	vadd.f32 v30, v11  }
0x137: {  	v0 =	vadd.f32 v1, v0;
	v1 =	vmul.f32 v16, v4;
	v4 =	vld [tilespmem:s0+$0xFFFFFF70]  }
0x138: {  	v34 =	vld [tilespmem:$0x13470];
	v35 =	vmul.f32 v2, v17;
	v11 =	vadd.f32 v32, v11  }
0x139: {  	v0 =	vadd.f32 v1, v0;
	v1 =	vmul.f32 v17, v5  }
0x13a: {  	v5 =	vadd.f32 v35, v11;
	v11 =	vmul.f32 v3, v31  }
0x13b: {  	v0 =	vadd.f32 v1, v0;
	v1 =	vmul.f32 v31, v6  }
0x13c: {  	v6 =	vmul.f32 v33, v4;
	v5 =	vadd.f32 v11, v5  }
0x13d: {  	v0 =	vadd.f32 v1, v0;
	v1 =	vmul.f32 v4, v34  }
0x13e: {  	v4 =	vadd.f32 v6, v5  }
0x13f: {  	s1 =	simm.s32 $0x19C20;
	v0 =	vadd.f32 v1, v0  }
0x140: {  	s9 =	simm.s32 $0x1A8A0;
	[tilespmem:s1+$0xFFFFFFE0] =	vst v4  }
0x141: {  	[tilespmem:s9+$0xFFFFFFE0] =	vst v0  }
0x142: {  	v0 =	vld [tilespmem:s0+$0xFFFFFF80]  }
0x143: {  	v1 =	vld [tilespmem:s10+$0xFFFFFFC0]  }
0x144: {  	v4 =	vld [tilespmem:s10+$0xFFFFFFD0]  }
0x145: {  	v5 =	vld [tilespmem:s0+$0xFFFFFF90]  }
0x146: {  	v6 =	vld [tilespmem:s0+$0xFFFFFFA0]  }
0x147: {  	v11 =	vld [tilespmem:s10+$0xFFFFFFE0]  }
0x148: {  	v37 =	vld [tilespmem:s0+$0xFFFFFFB0];
	v36 =	vmul.f32 v1, v0  }
0x149: {  	v0 =	vmul.f32 v0, v8;
	v8 =	vld [tilespmem:s10+$0xFFFFFFF0]  }
0x14a: {  	v39 =	vld [tilespmem:s0+$0xFFFFFFC0];
	v38 =	vmul.f32 v4, v5;
	v13 =	vadd.f32 $0.0e+00, v36  }
0x14b: {  	v5 =	vmul.f32 v5, v10;
	v10 =	vld [tilespmem:s10+$0x0];
	v0 =	vadd.f32 $0.0e+00, v0  }
0x14c: {  	v18 =	vld [tilespmem:s0+$0xFFFFFFD0];
	v40 =	vmul.f32 v11, v6;
	v13 =	vadd.f32 v38, v13  }
0x14d: {  	v0 =	vadd.f32 v5, v0;
	v5 =	vmul.f32 v6, v12;
	v6 =	vld [tilespmem:s10+$0x10]  }
0x14e: {  	v43 =	vld [tilespmem:s0+$0xFFFFFFE0];
	v42 =	vmul.f32 v8, v37;
	v41 =	vadd.f32 v40, v13  }
0x14f: {  	v0 =	vadd.f32 v5, v0;
	v5 =	vmul.f32 v37, v7;
	v7 =	vld [tilespmem:s10+$0x20]  }
0x150: {  	v45 =	vld [tilespmem:s10+$0x30];
	v44 =	vmul.f32 v10, v39;
	v12 =	vadd.f32 v42, v41  }
0x151: {  	v0 =	vadd.f32 v5, v0;
	v5 =	vmul.f32 v39, v9;
	v9 =	vld [tilespmem:s0+$0xFFFFFFF0]  }
0x152: {  	v46 =	vmul.f32 v6, v18;
	v12 =	vadd.f32 v44, v12  }
0x153: {  	v2 =	vmul.f32 v18, v2;
	v0 =	vadd.f32 v5, v0  }
0x154: {  	v47 =	vmul.f32 v7, v43;
	v5 =	vadd.f32 v46, v12  }
0x155: {  	v0 =	vadd.f32 v2, v0;
	v2 =	vmul.f32 v43, v3  }
0x156: {  	v3 =	vadd.f32 v47, v5;
	v5 =	vmul.f32 v45, v9  }
0x157: {  	v0 =	vadd.f32 v2, v0;
	v2 =	vmul.f32 v9, v33  }
0x158: {  	v3 =	vadd.f32 v5, v3  }
0x159: {  	v0 =	vadd.f32 v2, v0  }
0x15a: {  	[tilespmem:s1+$0xFFFFFFF0] =	vst v3  }
0x15b: {  	[tilespmem:s9+$0xFFFFFFF0] =	vst v0  }
0x15c: {  	v0 =	vld [tilespmem:s0+$0x0]  }
0x15d: {  	v3 =	vld [tilespmem:s10+$0x40]  }
0x15e: {  	v2 =	vld [tilespmem:s0+$0x10]  }
0x15f: {  	v5 =	vld [tilespmem:s10+$0x50]  }
0x160: {  	v9 =	vld [tilespmem:s0+$0x20]  }
0x161: {  	v48 =	vld [tilespmem:s10+$0x60]  }
0x162: {  	v50 =	vld [tilespmem:s0+$0x30];
	v49 =	vmul.f32 v3, v0  }
0x163: {  	v51 =	vld [tilespmem:s10+$0x70];
	v0 =	vmul.f32 v0, v1  }
0x164: {  	v53 =	vld [tilespmem:s0+$0x40];
	v52 =	vmul.f32 v5, v2;
	v1 =	vadd.f32 $0.0e+00, v49  }
0x165: {  	v54 =	vld [tilespmem:s10+$0x80];
	v2 =	vmul.f32 v2, v4;
	v0 =	vadd.f32 $0.0e+00, v0  }
0x166: {  	v55 =	vld [tilespmem:s0+$0x50];
	v4 =	vmul.f32 v48, v9;
	v1 =	vadd.f32 v52, v1  }
0x167: {  	v0 =	vadd.f32 v2, v0;
	v2 =	vmul.f32 v9, v11;
	v9 =	vld [tilespmem:s10+$0x90]  }
0x168: {  	v11 =	vld [tilespmem:s0+$0x60];
	v1 =	vadd.f32 v4, v1;
	v4 =	vmul.f32 v51, v50  }
0x169: {  	v0 =	vadd.f32 v2, v0;
	v2 =	vmul.f32 v50, v8;
	v8 =	vld [tilespmem:s10+$0xA0]  }
0x16a: {  	v56 =	vld [tilespmem:s10+$0xB0];
	v1 =	vadd.f32 v4, v1;
	v4 =	vmul.f32 v54, v53  }
0x16b: {  	v0 =	vadd.f32 v2, v0;
	v2 =	vmul.f32 v53, v10;
	v10 =	vld [tilespmem:s0+$0x70]  }
0x16c: {  	v1 =	vadd.f32 v4, v1;
	v4 =	vmul.f32 v9, v55  }
0x16d: {  	v0 =	vadd.f32 v2, v0;
	v2 =	vmul.f32 v55, v6  }
0x16e: {  	v1 =	vadd.f32 v4, v1;
	v4 =	vmul.f32 v8, v11  }
0x16f: {  	v0 =	vadd.f32 v2, v0;
	v2 =	vmul.f32 v11, v7  }
0x170: {  	v1 =	vadd.f32 v4, v1;
	v4 =	vmul.f32 v56, v10  }
0x171: {  	v0 =	vadd.f32 v2, v0;
	v2 =	vmul.f32 v10, v45  }
0x172: {  	v1 =	vadd.f32 v4, v1  }
0x173: {  	v0 =	vadd.f32 v2, v0  }
0x174: {  	[tilespmem:s1+$0x0] =	vst v1  }
0x175: {  	[tilespmem:s9+$0x0] =	vst v0  }
0x176: {  	v4 =	vld [tilespmem:s0+$0x80]  }
0x177: {  	v2 =	vld [tilespmem:s10+$0xC0]  }
0x178: {  	v6 =	vld [tilespmem:s0+$0x90]  }
0x179: {  	v0 =	vld [tilespmem:s10+$0xD0]  }
0x17a: {  	v7 =	vld [tilespmem:s0+$0xA0]  }
0x17b: {  	v1 =	vld [tilespmem:s10+$0xE0];
	v3 =	vmul.f32 v4, v3  }
0x17c: {  	v10 =	vld [tilespmem:s0+$0xB0];
	v4 =	vmul.f32 v2, v4  }
0x17d: {  	v5 =	vmul.f32 v6, v5;
	v11 =	vadd.f32 $0.0e+00, v3;
	v3 =	vld [tilespmem:s10+$0xF0]  }
0x17e: {  	v58 =	vld [tilespmem:s0+$0xC0];
	v6 =	vmul.f32 v0, v6;
	v57 =	vadd.f32 $0.0e+00, v4  }
0x17f: {  	v4 =	vld [tilespmem:s10+$0x100];
	v5 =	vadd.f32 v5, v11;
	v11 =	vmul.f32 v7, v48  }
0x180: {  	v59 =	vld [tilespmem:s0+$0xD0];
	v6 =	vadd.f32 v6, v57;
	v7 =	vmul.f32 v1, v7  }
0x181: {  	v60 =	vmul.f32 v10, v51;
	v11 =	vadd.f32 v11, v5;
	v5 =	vld [tilespmem:s10+$0x110]  }
0x182: {  	v61 =	vld [tilespmem:s0+$0xE0];
	v7 =	vadd.f32 v7, v6;
	v10 =	vmul.f32 v3, v10  }
0x183: {  	v62 =	vmul.f32 v58, v54;
	v6 =	vld [tilespmem:s10+$0x120];
	v11 =	vadd.f32 v60, v11  }
0x184: {  	v63 =	vld [tilespmem:s0+$0xF0];
	v15 =	vmul.f32 v4, v58;
	v10 =	vadd.f32 v10, v7  }
0x185: {  	v9 =	vmul.f32 v59, v9;
	v7 =	vld [tilespmem:s10+$0x130];
	v11 =	vadd.f32 v62, v11  }
0x186: {  	v10 =	vadd.f32 v15, v10;
	v12 =	vmul.f32 v5, v59  }
0x187: {  	v8 =	vmul.f32 v61, v8;
	v9 =	vadd.f32 v9, v11  }
0x188: {  	v11 =	vmul.f32 v6, v61;
	v10 =	vadd.f32 v12, v10  }
0x189: {  	s28 =	simm.s32 $0x19C60;
	v8 =	vadd.f32 v8, v9  }
0x18a: {  	s12 =	simm.s32 $0x1A8A0;
	s21 =	simm.s32 $0x13740;
	s10 =	simm.s32 $0x0;
	v9 =	vmul.f32 v63, v56;
	v10 =	vadd.f32 v11, v10;
	v11 =	vmul.f32 v7, v63  }
.LBB2_5:
0x18b: {  	s10 =	sadd.s32 $0x4, s10;
	s0 =	sadd.s32 $0x200, s0;
	s9 =	sadd.s32 $0x40, s9  }
0x18c: {  	p0 =	slt.u32 s10, $0xC4;
	v10 =	vadd.f32 v11, v10  }
0x18d: {  	v8 =	vadd.f32 v9, v8  }
0x18e: {  	[tilespmem:s1+$0x10] =	vst v10;
	s1 =	smov.u32 s28  }
0x18f: {  	[tilespmem:s12+$0x10] =	vst v8;
	s12 =	smov.u32 s9  }
0x190: {  	v8 =	vld [tilespmem:s0+$0xFFFFFF00]  }
0x191: {  	v9 =	vld [tilespmem:s21+$0xFFFFFF40]  }
0x192: {  	v10 =	vld [tilespmem:s0+$0xFFFFFF10]  }
0x193: {  	v11 =	vld [tilespmem:s21+$0xFFFFFF50]  }
0x194: {  	v12 =	vld [tilespmem:s0+$0xFFFFFF20]  }
0x195: {  	v2 =	vmul.f32 v8, v2;
	v13 =	vld [tilespmem:s21+$0xFFFFFF60]  }
0x196: {  	v8 =	vmul.f32 v9, v8;
	v14 =	vld [tilespmem:s0+$0xFFFFFF30]  }
0x197: {  	v2 =	vadd.f32 $0.0e+00, v2;
	v0 =	vmul.f32 v10, v0;
	v15 =	vld [tilespmem:s21+$0xFFFFFF70]  }
0x198: {  	v8 =	vadd.f32 $0.0e+00, v8;
	v10 =	vmul.f32 v11, v10;
	v16 =	vld [tilespmem:s0+$0xFFFFFF40]  }
0x199: {  	v0 =	vadd.f32 v0, v2;
	v1 =	vmul.f32 v12, v1;
	v2 =	vld [tilespmem:s21+$0xFFFFFF80]  }
0x19a: {  	v8 =	vadd.f32 v10, v8;
	v10 =	vmul.f32 v13, v12;
	v12 =	vld [tilespmem:s0+$0xFFFFFF50]  }
0x19b: {  	v0 =	vadd.f32 v1, v0;
	v1 =	vmul.f32 v14, v3;
	v3 =	vld [tilespmem:s21+$0xFFFFFF90]  }
0x19c: {  	v8 =	vadd.f32 v10, v8;
	v10 =	vmul.f32 v15, v14;
	v14 =	vld [tilespmem:s0+$0xFFFFFF60]  }
0x19d: {  	v0 =	vadd.f32 v1, v0;
	v1 =	vmul.f32 v16, v4;
	v4 =	vld [tilespmem:s21+$0xFFFFFFA0]  }
0x19e: {  	v8 =	vadd.f32 v10, v8;
	v10 =	vmul.f32 v2, v16;
	v16 =	vld [tilespmem:s21+$0xFFFFFFB0]  }
0x19f: {  	v0 =	vadd.f32 v1, v0;
	v1 =	vmul.f32 v12, v5;
	v5 =	vld [tilespmem:s0+$0xFFFFFF70]  }
0x1a0: {  	v8 =	vadd.f32 v10, v8;
	v10 =	vmul.f32 v3, v12  }
0x1a1: {  	v0 =	vadd.f32 v1, v0;
	v1 =	vmul.f32 v14, v6  }
0x1a2: {  	v6 =	vadd.f32 v10, v8;
	v8 =	vmul.f32 v4, v14  }
0x1a3: {  	v0 =	vadd.f32 v1, v0  }
0x1a4: {  	v1 =	vadd.f32 v8, v6;
	v6 =	vmul.f32 v16, v5  }
0x1a5: {  	v5 =	vmul.f32 v5, v7  }
0x1a6: {  	v1 =	vadd.f32 v6, v1  }
0x1a7: {  	v0 =	vadd.f32 v5, v0  }
0x1a8: {  	[tilespmem:s28+$0xFFFFFFE0] =	vst v1  }
0x1a9: {  	[tilespmem:s9+$0xFFFFFFE0] =	vst v0  }
0x1aa: {  	v0 =	vld [tilespmem:s21+$0xFFFFFFD0]  }
0x1ab: {  	v1 =	vld [tilespmem:s0+$0xFFFFFF80]  }
0x1ac: {  	v5 =	vld [tilespmem:s21+$0xFFFFFFC0]  }
0x1ad: {  	v6 =	vld [tilespmem:s0+$0xFFFFFF90];
	_ =	sdelay $0x1  }
0x1ae: {  	v7 =	vld [tilespmem:s0+$0xFFFFFFA0]  }
0x1af: {  	v8 =	vmul.f32 v1, v9;
	v9 =	vld [tilespmem:s21+$0xFFFFFFE0]  }
0x1b0: {  	v1 =	vmul.f32 v5, v1;
	v10 =	vld [tilespmem:s0+$0xFFFFFFB0]  }
0x1b1: {  	v8 =	vadd.f32 $0.0e+00, v8;
	v11 =	vmul.f32 v6, v11;
	v6 =	vmul.f32 v0, v6;
	v12 =	vld [tilespmem:s21+$0xFFFFFFF0]  }
0x1b2: {  	v1 =	vadd.f32 $0.0e+00, v1;
	v14 =	vld [tilespmem:s0+$0xFFFFFFC0]  }
0x1b3: {  	v8 =	vadd.f32 v11, v8;
	v11 =	vmul.f32 v7, v13;
	v13 =	vld [tilespmem:s21+$0x0]  }
0x1b4: {  	v1 =	vadd.f32 v6, v1;
	v6 =	vmul.f32 v9, v7;
	v7 =	vld [tilespmem:s0+$0xFFFFFFD0]  }
0x1b5: {  	v8 =	vadd.f32 v11, v8;
	v11 =	vmul.f32 v10, v15;
	v15 =	vld [tilespmem:s21+$0x10]  }
0x1b6: {  	v1 =	vadd.f32 v6, v1;
	v6 =	vmul.f32 v12, v10;
	v10 =	vld [tilespmem:s0+$0xFFFFFFE0]  }
0x1b7: {  	v8 =	vadd.f32 v11, v8;
	v2 =	vmul.f32 v14, v2;
	v11 =	vld [tilespmem:s21+$0x20]  }
0x1b8: {  	v1 =	vadd.f32 v6, v1;
	v6 =	vmul.f32 v13, v14;
	v14 =	vld [tilespmem:s21+$0x30]  }
0x1b9: {  	v2 =	vadd.f32 v2, v8;
	v3 =	vmul.f32 v7, v3;
	v8 =	vld [tilespmem:s0+$0xFFFFFFF0]  }
0x1ba: {  	v1 =	vadd.f32 v6, v1;
	v6 =	vmul.f32 v15, v7  }
0x1bb: {  	v2 =	vadd.f32 v3, v2;
	v3 =	vmul.f32 v10, v4  }
0x1bc: {  	v1 =	vadd.f32 v6, v1;
	v4 =	vmul.f32 v11, v10  }
0x1bd: {  	v2 =	vadd.f32 v3, v2  }
0x1be: {  	v1 =	vadd.f32 v4, v1;
	v3 =	vmul.f32 v8, v16;
	v4 =	vmul.f32 v14, v8;
	_ =	sdelay $0x1  }
0x1bf: {  	v1 =	vadd.f32 v4, v1  }
0x1c0: {  	v2 =	vadd.f32 v3, v2  }
0x1c1: {  	[tilespmem:s28+$0xFFFFFFF0] =	vst v1  }
0x1c2: {  	[tilespmem:s9+$0xFFFFFFF0] =	vst v2  }
0x1c3: {  	v1 =	vld [tilespmem:s0+$0x0]  }
0x1c4: {  	v3 =	vld [tilespmem:s21+$0x40]  }
0x1c5: {  	v2 =	vld [tilespmem:s0+$0x10]  }
0x1c6: {  	v4 =	vld [tilespmem:s21+$0x50]  }
0x1c7: {  	v6 =	vld [tilespmem:s0+$0x20]  }
0x1c8: {  	v5 =	vmul.f32 v1, v5;
	v7 =	vld [tilespmem:s21+$0x60]  }
0x1c9: {  	v1 =	vmul.f32 v3, v1;
	v8 =	vld [tilespmem:s0+$0x30]  }
0x1ca: {  	v5 =	vadd.f32 $0.0e+00, v5;
	v0 =	vmul.f32 v2, v0;
	v10 =	vld [tilespmem:s21+$0x70]  }
0x1cb: {  	v1 =	vadd.f32 $0.0e+00, v1;
	v2 =	vmul.f32 v4, v2;
	v16 =	vld [tilespmem:s0+$0x40]  }
0x1cc: {  	v0 =	vadd.f32 v0, v5;
	v5 =	vmul.f32 v6, v9;
	v9 =	vld [tilespmem:s21+$0x80]  }
0x1cd: {  	v1 =	vadd.f32 v2, v1;
	v2 =	vmul.f32 v7, v6;
	v6 =	vld [tilespmem:s0+$0x50]  }
0x1ce: {  	v0 =	vadd.f32 v5, v0;
	v5 =	vmul.f32 v8, v12;
	v12 =	vld [tilespmem:s21+$0x90]  }
0x1cf: {  	v1 =	vadd.f32 v2, v1;
	v2 =	vmul.f32 v10, v8;
	v8 =	vld [tilespmem:s0+$0x60]  }
0x1d0: {  	v0 =	vadd.f32 v5, v0;
	v5 =	vmul.f32 v16, v13;
	v13 =	vld [tilespmem:s21+$0xA0]  }
0x1d1: {  	v1 =	vadd.f32 v2, v1;
	v2 =	vmul.f32 v9, v16;
	v16 =	vld [tilespmem:s21+$0xB0]  }
0x1d2: {  	v0 =	vadd.f32 v5, v0;
	v5 =	vmul.f32 v6, v15;
	v15 =	vld [tilespmem:s0+$0x70]  }
0x1d3: {  	v1 =	vadd.f32 v2, v1;
	v2 =	vmul.f32 v12, v6  }
0x1d4: {  	v0 =	vadd.f32 v5, v0;
	v5 =	vmul.f32 v8, v11  }
0x1d5: {  	v1 =	vadd.f32 v2, v1;
	v2 =	vmul.f32 v13, v8  }
0x1d6: {  	v0 =	vadd.f32 v5, v0  }
0x1d7: {  	v1 =	vadd.f32 v2, v1;
	v2 =	vmul.f32 v16, v15  }
0x1d8: {  	v5 =	vmul.f32 v15, v14  }
0x1d9: {  	v1 =	vadd.f32 v2, v1  }
0x1da: {  	v0 =	vadd.f32 v5, v0  }
0x1db: {  	[tilespmem:s28+$0x0] =	vst v1  }
0x1dc: {  	[tilespmem:s9+$0x0] =	vst v0  }
0x1dd: {  	v5 =	vld [tilespmem:s0+$0x80]  }
0x1de: {  	v2 =	vld [tilespmem:s21+$0xC0]  }
0x1df: {  	v6 =	vld [tilespmem:s0+$0x90]  }
0x1e0: {  	v0 =	vld [tilespmem:s21+$0xD0]  }
0x1e1: {  	v8 =	vld [tilespmem:s0+$0xA0]  }
0x1e2: {  	v3 =	vmul.f32 v5, v3;
	v1 =	vld [tilespmem:s21+$0xE0]  }
0x1e3: {  	v5 =	vmul.f32 v2, v5;
	v11 =	vld [tilespmem:s0+$0xB0]  }
0x1e4: {  	v14 =	vadd.f32 $0.0e+00, v3;
	v4 =	vmul.f32 v6, v4;
	v3 =	vld [tilespmem:s21+$0xF0]  }
0x1e5: {  	v5 =	vadd.f32 $0.0e+00, v5;
	v6 =	vmul.f32 v0, v6;
	v15 =	vld [tilespmem:s0+$0xC0]  }
0x1e6: {  	v14 =	vadd.f32 v4, v14;
	v7 =	vmul.f32 v8, v7;
	v4 =	vld [tilespmem:s21+$0x100]  }
0x1e7: {  	v6 =	vadd.f32 v6, v5;
	v8 =	vmul.f32 v1, v8;
	v17 =	vld [tilespmem:s0+$0xD0]  }
0x1e8: {  	v7 =	vadd.f32 v7, v14;
	v10 =	vmul.f32 v11, v10;
	v5 =	vld [tilespmem:s21+$0x110]  }
0x1e9: {  	v8 =	vadd.f32 v8, v6;
	v11 =	vmul.f32 v3, v11;
	v14 =	vld [tilespmem:s0+$0xE0]  }
0x1ea: {  	v7 =	vadd.f32 v10, v7;
	v9 =	vmul.f32 v15, v9;
	v6 =	vld [tilespmem:s21+$0x120]  }
0x1eb: {  	v8 =	vadd.f32 v11, v8;
	v10 =	vmul.f32 v4, v15;
	v11 =	vld [tilespmem:s0+$0xF0]  }
0x1ec: {  	v9 =	vadd.f32 v9, v7;
	v12 =	vmul.f32 v17, v12;
	v7 =	vld [tilespmem:s21+$0x130]  }
.Ltmp1:
0x1ed: {  	v8 =	vadd.f32 v10, v8;
	v10 =	vmul.f32 v5, v17;
	(pc) =	sbr.rel @p0 .LBB2_5-.Ltmp1, $4  }
0x1ee: {  	v9 =	vadd.f32 v12, v9;
	v12 =	vmul.f32 v14, v13  }
0x1ef: {  	v10 =	vadd.f32 v10, v8;
	v13 =	vmul.f32 v6, v14  }
0x1f0: {  	v8 =	vadd.f32 v12, v9;
	v9 =	vmul.f32 v11, v16  }
0x1f1: {  	s28 =	sadd.s32 $0x40, s28;
	s21 =	sadd.s32 $0x200, s21;
	v10 =	vadd.f32 v13, v10;
	v11 =	vmul.f32 v7, v11  }
0x1f2: {  	_ = 	snop  }
0x1f3: {  	v0 =	vadd.f32 v11, v10  }
0x1f4: {  	v1 =	vadd.f32 v9, v8;
	s0 =	sshll.u32 s30, $0x1  }
0x1f5: {  	s0 =	sand.u32 $0x1FFFFFF0, s0;
	[tilespmem:s1+$0x10] =	vst v0  }
0x1f6: {  	s31 =	sadd.s32 s7, s0;
	[tilespmem:s12+$0x10] =	vst v1  }
0x1f7: {  	[hbm4b:s31+s3] =	stream.linear.scatter [tilespmem:s24], [sflag:$0x3], $0xC80, $0x38;
	[tilespmem:$0x1B500] =	vst v63  }
0x1f8: {  	s29 =	sadd.s32 $0x1, s29;
	_ =	swait.ge [sflag:s13], $0xC80  }
0x1f9: {  	p0 =	sne.s32 s29, $0x19;
	[sflag:s13] =	ssyncset.done $0x0  }
.Ltmp2:
0x1fa: {  	s0 =	sadd.s32 s8, s0;
	[sflag:s13] =	ssyncadd.s32 $0xFFFFF380;
	(pc) =	sbr.rel @p0 .LBB2_2-.Ltmp2, $4  }
0x1fb: {  	[hbm4b:s0+s3] =	stream.linear.scatter [tilespmem:s25], [sflag:$0x3], $0xC80, $0x38;
	[tilespmem:$0x1B500] =	vst v63  }
0x1fc: {  	_ =	swait.ge [sflag:s13], $0xC80  }
0x1fd: {  	[sflag:s13] =	ssyncset.done $0x0  }
0x1fe: {  	[sflag:s13] =	ssyncadd.s32 $0xFFFFF380  }
0x1ff: {  	_ =	swait.ge [sflag:s23], $0x6400  }
0x200: {  	[sflag:s23] =	ssyncset.done $0x0  }
0x201: {  	[sflag:s23] =	ssyncadd.s32 $0xFFFF9C00  }
0x202: {  	_ =	swait.ge [sflag:s23], $0x6800  }
0x203: {  	s1 =	rddreg [dreg:$0x6]  }
0x204: {  	s0 =	rddreg [dreg:$0x5];
	s1 =	sadd.s32 $0x1, s1  }
0x205: {  	p0 =	sne.s32 s1, s0  }
.Ltmp3:
0x206: {  	_ = 	snop;
	(pc) =	sbr.rel @p0 .LBB2_1-.Ltmp3, $3  }
0x207: {  	_ =	sdelay $0x1  }
0x208: {  	[sflag:s23] =	ssyncset.done $0x0  }
0x209: {  	[sflag:s23] =	ssyncadd.s32 $0xFFFF9800  }
0x20a: {  	_ =	sfence.sel $0x180000  }
0x20b: {  	[bflag:$0x0] =	sbarrier.arrive $0xFFFF  }
0x20c: {  	_ =	strace $0x9000004D  }
0x20d: {  	s0 =	stileid.u32;
	[bflag:$0x2] =	sbarrier.arrive $0xFFFF  }
0x20e: {  	p0 =	sne.s32 s0, $0x0;
	s0 =	rddreg [dreg:$0x2]  }
0x20f: {  	s0 =	sadd.s32 @!p0 $0x100000, s0  }
0x210: {  	[sflag:s0] =	ssyncadd.tile.s32 @!p0 $0x1;
	_ =	shalt  }
.Lfunc_end2:
_tile_overlayer_lowered:
.L_overlay_start_2:
0x211: {  	(tag) =	ssettag $0x2  }
0x212: {  	s0 =	rddreg [dreg:$0x0];
	s2 =	stileid.u32  }
0x213: {  	s1 =	rddreg [dreg:$0x1];
	p0 =	sne.s32 s2, $0x0  }
0x214: {  	s3 =	rddreg [dreg:$0x2];
	[bflag:$0x3] =	sbarrier.arrive $0xFFFF;
	s2 =	simm.s32 @!p0 $0x1C03  }
0x215: {  	[timem:s3], [sflag:s2] =	dma.local @!p0 [hbm:s0], s1  }
0x216: {  	s0 =	simm.s32 @!p0 $0x3  }
0x217: {  	_ =	swait.ge @!p0 [sflag:s0], s1  }
0x218: {  	s1 =	ssub.s32 @!p0 $0x0, s1;
	[sflag:s0] =	ssyncset.done @!p0 $0x0  }
0x219: {  	[sflag:s0] =	ssyncadd.s32 @!p0 s1  }
0x21a: {  	[bflag:$0x3] =	sbarrier.arrive $0xFFFF  }
0x21b: {  	_ =	shalt  }

// kernel: kernel.8.cloned.1.call-start
scs
__scs_entry_jumppad:
0x0: {  	(pc) =	sbr.rel $0x88, $3  }
0x1: {  	(tag) =	ssettag $0x0;
	lr =	simm.s32 $0x1  }
0x2: {  	[smem:$0x3F9D] =	sst lr;
	_ =	strace $0xD0000000  }
0x3: {  	_ = 	snop  }
0x4: {  	_ = 	snop  }
0x5: {  	_ = 	snop  }
0x6: {  	_ = 	snop  }
0x7: {  	_ = 	snop  }
__scs_overlays_trampoline_lowered:
0x8: {  	[smem:$0x3FAC] =	sst s0  }
0x9: {  	[smem:$0x3FAD] =	sst s1  }
0xa: {  	[smem:$0x3FAE] =	sst s2  }
0xb: {  	[smem:$0x3FAF] =	sst s3  }
0xc: {  	[smem:$0x3FB0] =	sst s4  }
0xd: {  	[smem:$0x3FB1] =	sst s5  }
0xe: {  	[smem:$0x3FB2] =	sst s6  }
0xf: {  	[smem:$0x3FB3] =	sst s7  }
0x10: {  	[smem:$0x3FB4] =	sst s8  }
0x11: {  	[smem:$0x3FB5] =	sst s9;
	s0 =	simm.s32 @!p0 $0x0  }
0x12: {  	s1 =	sld [smem:$0x3F9B];
	s0 =	simm.s32 @p0 $0x1  }
0x13: {  	[smem:$0x3FB6] =	sst s0;
	s0 =	simm.s32 @!p1 $0x0  }
0x14: {  	s2 =	sld [smem:$0x3F9A];
	s0 =	simm.s32 @p1 $0x1  }
0x15: {  	[smem:$0x3FB7] =	sst s0;
	s0 =	simm.s32 @!p2 $0x0  }
0x16: {  	s3 =	sld [smem:$0x3FDB];
	s0 =	simm.s32 @p2 $0x1  }
0x17: {  	s4 =	simm.s32 $0x1BF5;
	[smem:$0x3FB9] =	sst s0  }
0x18: {  	s0 =	sld [smem:$0x3F9C];
	_ =	swait.ge [sflag:s4], $0x0  }
0x19: {  	s7 =	sld [smem:$0x3F9D]  }
0x1a: {  	s8 =	sadd.s32 $0xFFFFE003, lr  }
0x1b: {  	s9 =	sadd.s32 $0xFFFFFEF7, lr;
	s5 =	simm.s32 $0xFFFFFFFF;
	p2 =	slt.u32 s8, $0xFFFFF086  }
0x1c: {  	p1 =	slt.u32 s9, $0xF7A;
	s5 =	simm.s32 @!p2 $0x0  }
0x1d: {  	s5 =	simm.s32 @p1 $0x1;
	p0 =	seq.s32 s7, s2  }
0x1e: {  	s7 =	smul.u32 @!p0 $0xF7A, s2;
	p2 =	seq.s32 @!p0 s5, $0x0  }
0x1f: {  	s9 =	smul.u32 $0xF7A, s1;
	s8 =	simm.s32 @!p0 $0x1BF5;
	p2 =	por !p2, p0  }
0x20: {  	[sflag:s8] =	ssyncset.s32 @!p0 $0xFFFFF086;
	s6 =	sadd.s32 @!p0 s3, s7;
	s7 =	simm.s32 @!p0 $0x108  }
0x21: {  	s3 =	sadd.s32 s3, s9;
	s6 =	sadd.s32 @!p0 $0x88, s6;
	s7 =	simm.s32 @p2 $0x1082  }
0x22: {  	[simem:s7], [sflag:s8] =	dma.local @!p0 [hbm:s6], $0xF7A  }
0x23: {  	s9 =	sor.u32 $0xD0000000, s2;
	s6 =	simm.s32 $0x108;
	_ =	swait.ge @!p0 [sflag:s8], $0x0  }
0x24: {  	s3 =	sadd.s32 $0x88, s3;
	s6 =	simm.s32 @!p1 $0x1082;
	[sflag:s4] =	ssyncset.s32 $0xFFFFF086  }
0x25: {  	[simem:s6], [sflag:s4] =	dma.local [hbm:s3], $0xF7A  }
0x26: {  	[smem:$0x3F9D] =	sst s1;
	(tag) =	ssettag s2;
	_ =	strace s9  }
0x27: {  	s1 =	sld [smem:$0x3FAD]  }
0x28: {  	s2 =	sld [smem:$0x3FAE]  }
0x29: {  	s4 =	sld [smem:$0x3FB0]  }
0x2a: {  	p0 =	seq.s32 s5, $0x0;
	s5 =	sld [smem:$0x3FB1]  }
0x2b: {  	s6 =	sld [smem:$0x3FB2]  }
0x2c: {  	s7 =	sld [smem:$0x3FB3]  }
0x2d: {  	s3 =	simm.s32 $0x108;
	s8 =	sld [smem:$0x3FB4]  }
0x2e: {  	s3 =	simm.s32 @!p0 $0x1082;
	s9 =	sld [smem:$0x3FB5]  }
0x2f: {  	lr =	sadd.s32 s0, s3;
	s0 =	sld [smem:$0x3FAC]  }
0x30: {  	s3 =	sld [smem:$0x3FAF]  }
0x31: {  	[smem:$0x3FB8] =	sst s10  }
0x32: {  	s10 =	sld [smem:$0x3FB6];
	_ =	sdelay $0x3  }
0x33: {  	p0 =	seq.s32 s10, $0x1;
	s10 =	sld [smem:$0x3FB8];
	_ =	sdelay $0x3  }
0x34: {  	[smem:$0x3FB8] =	sst s10  }
0x35: {  	s10 =	sld [smem:$0x3FB7];
	_ =	sdelay $0x3  }
0x36: {  	p1 =	seq.s32 s10, $0x1;
	s10 =	sld [smem:$0x3FB8];
	_ =	sdelay $0x3  }
0x37: {  	[smem:$0x3FB8] =	sst s10  }
0x38: {  	s10 =	sld [smem:$0x3FB9]  }
0x39: {  	_ = 	snop;
	(pc) =	sbr.ind lr, $3  }
0x3a: {  	_ = 	snop  }
0x3b: {  	_ = 	snop  }
0x3c: {  	p2 =	seq.s32 s10, $0x1;
	s10 =	sld [smem:$0x3FB8]  }
0x3d: {  	_ =	shalt  }
0x3e: {  	_ =	shalt  }
0x3f: {  	_ =	shalt  }
0x40: {  	_ =	shalt  }
0x41: {  	_ =	shalt  }
0x42: {  	_ =	shalt  }
0x43: {  	_ =	shalt  }
0x44: {  	_ =	shalt  }
0x45: {  	_ =	shalt  }
0x46: {  	_ =	shalt  }
0x47: {  	_ =	shalt  }
0x48: {  	_ =	shalt  }
0x49: {  	_ =	shalt  }
0x4a: {  	_ =	shalt  }
0x4b: {  	_ =	shalt  }
0x4c: {  	_ =	shalt  }
0x4d: {  	_ =	shalt  }
0x4e: {  	_ =	shalt  }
0x4f: {  	_ =	shalt  }
0x50: {  	_ =	shalt  }
0x51: {  	_ =	shalt  }
0x52: {  	_ =	shalt  }
0x53: {  	_ =	shalt  }
0x54: {  	_ =	shalt  }
0x55: {  	_ =	shalt  }
0x56: {  	_ =	shalt  }
0x57: {  	_ =	shalt  }
0x58: {  	_ =	shalt  }
0x59: {  	_ =	shalt  }
0x5a: {  	_ =	shalt  }
0x5b: {  	_ =	shalt  }
0x5c: {  	_ =	shalt  }
0x5d: {  	_ =	shalt  }
0x5e: {  	_ =	shalt  }
0x5f: {  	_ =	shalt  }
0x60: {  	_ =	shalt  }
0x61: {  	_ =	shalt  }
0x62: {  	_ =	shalt  }
0x63: {  	_ =	shalt  }
0x64: {  	_ =	shalt  }
0x65: {  	_ =	shalt  }
0x66: {  	_ =	shalt  }
0x67: {  	_ =	shalt  }
0x68: {  	_ =	shalt  }
0x69: {  	_ =	shalt  }
0x6a: {  	_ =	shalt  }
0x6b: {  	_ =	shalt  }
0x6c: {  	_ =	shalt  }
0x6d: {  	_ =	shalt  }
0x6e: {  	_ =	shalt  }
0x6f: {  	_ =	shalt  }
0x70: {  	_ =	shalt  }
0x71: {  	_ =	shalt  }
0x72: {  	_ =	shalt  }
0x73: {  	_ =	shalt  }
0x74: {  	_ =	shalt  }
0x75: {  	_ =	shalt  }
0x76: {  	_ =	shalt  }
0x77: {  	_ =	shalt  }
0x78: {  	_ =	shalt  }
0x79: {  	_ =	shalt  }
0x7a: {  	_ =	shalt  }
0x7b: {  	_ =	shalt  }
0x7c: {  	_ =	shalt  }
0x7d: {  	_ =	shalt  }
0x7e: {  	_ =	shalt  }
0x7f: {  	_ =	shalt  }
0x80: {  	_ =	shalt  }
0x81: {  	_ =	shalt  }
0x82: {  	_ =	shalt  }
0x83: {  	_ =	shalt  }
0x84: {  	_ =	shalt  }
0x85: {  	_ =	shalt  }
0x86: {  	_ =	shalt  }
0x87: {  	_ =	shalt  }
.Lfunc_end0:
.L_simem_size_0:
called_computation_lowered:
.L_overlay_start_0:
0x88: {  	s2 =	sld [smem:$0x3FD9]  }
0x89: {  	s3 =	sld [smem:$0x3FFE];
	_ =	sdelay $0x1  }
0x8a: {  	s1 =	srdreg.scid  }
0x8b: {  	s0 =	sand.u32 $0x1, s1  }
0x8c: {  	s14 =	sshll.u32 s0, $0xA;
	s2 =	sadd.s32 s3, s2  }
0x8d: {  	s2 =	sadd.s32 s2, s14  }
0x8e: {  	[smem:$0x3FC4] =	sst s2  }
0x8f: {  	_ = 	snop  }
0x90: {  	s2 =	sld [smem:$0x3FD0];
	_ =	sdelay $0x2  }
0x91: {  	s15 =	simm.s32 $0xA;
	s4 =	simm.s32 $0x10  }
0x92: {  	[smem:s4], [sflag:s15] =	dma.local [hbm:s2], $0x1  }
0x93: {  	_ =	swait.eq [sflag:s15], $0x1  }
0x94: {  	[sflag:s15] =	ssyncset.done $0x0  }
0x95: {  	[sflag:s15] =	ssyncadd.s32 $0xFFFFFFFF  }
0x96: {  	s16 =	sld [smem:$0x10];
	(tm) =	ssettm $0x1  }
0x97: {  	s17 =	sld [smem:$0x3FFB];
	_ =	sdelay $0x3  }
0x98: {  	_ =	strace s17  }
0x99: {  	s3 =	sld [smem:$0x3FFC];
	_ =	sdelay $0x3  }
0x9a: {  	_ =	strace s3  }
0x9b: {  	s3 =	sld [smem:$0x3FFD];
	_ =	sdelay $0x3  }
0x9c: {  	_ =	strace s3  }
0x9d: {  	_ =	strace $0x8FFFFFFF  }
0x9e: {  	s18 =	sld [smem:$0x3FDB];
	_ =	sdelay $0x1  }
0x9f: {  	s19 =	simm.s32 $_scs_section_size  }
0xa0: {  	s5 =	simm.s32 $_size__tile_overlayer_lowered;
	s6 =	simm.s32 $_tile_overlayer_lowered  }
0xa1: {  	s22 =	simm.s32 $0x1BFF;
	s21 =	sshll.u32 s6, $0x1;
	s3 =	sadd.s32 s19, s18  }
0xa2: {  	s7 =	simm.s32 $0x0;
	s20 =	sshll.u32 s5, $0x1;
	s5 =	sadd.s32 s21, s3  }
0xa3: {  	[timem:s7], [sflag:s22] =	dma.local [hbm:s5], s20  }
0xa4: {  	_ =	swait.ge [sflag:s22], s20  }
0xa5: {  	s4 =	ssub.s32 $0x0, s20;
	[sflag:s22] =	ssyncset.done $0x0  }
0xa6: {  	[sflag:s22] =	ssyncadd.s32 s4;
	_ =	sdelay $0x1  }
0xa7: {  	s23 =	simm.s32 $0x1B8B  }
0xa8: {  	_ =	swait.ge [sflag:s23], $0x1  }
0xa9: {  	[sflag:s23] =	ssyncset.done $0x0  }
0xaa: {  	s25 =	simm.s32 $0x1B8E;
	s24 =	sld [smem:$0x3FFE];
	[sflag:s23] =	ssyncadd.s32 $0xFFFFFFFF  }
0xab: {  	s26 =	simm.s32 $execute0_lowered;
	[smem:$0x3FD2] =	sst s25  }
0xac: {  	s5 =	sshll.u32 s26, $0x1;
	_ =	strace $0x80000046;
	[dreg:$0x1] =	wrdreg $0xFFFFFFFF  }
0xad: {  	s28 =	simm.s32 $_size_execute0_lowered;
	s3 =	sadd.s32 s3, s5;
	[dreg:$0x0] =	wrdreg $0x0  }
0xae: {  	s5 =	sshll.u32 s28, $0x1;
	[dreg:$0x2] =	wrdreg s3  }
0xaf: {  	[dreg:$0x3] =	wrdreg s5  }
0xb0: {  	[dreg:$0x4] =	wrdreg $0xC0  }
0xb1: {  	_ =	task [dreg:s7], $0x5FFFF  }
0xb2: {  	[dreg:$0x1] =	wrdreg $0xFFFFFFFF  }
0xb3: {  	[dreg:$0x0] =	wrdreg $0x60  }
0xb4: {  	[dreg:$0x2] =	wrdreg s24  }
0xb5: {  	[dreg:$0x3] =	wrdreg s16  }
0xb6: {  	[dreg:$0x4] =	wrdreg $0x12800  }
0xb7: {  	[dreg:$0x5] =	wrdreg $0x9  }
0xb8: {  	_ =	task.clear_ibuf [dreg:s7], $0x6FFFF;
	_ =	strace $0x90000046  }
0xb9: {  	s29 =	simm.s32 $0x9;
	_ =	strace $0x80000048  }
0xba: {  	_ =	swait.ge [sflag:s29], $0x1  }
0xbb: {  	[sflag:s29] =	ssyncadd.s32 $0xFFFFFFFF  }
0xbc: {  	_ =	strace $0x90000048  }
0xbd: {  	_ =	sfence  }
0xbe: {  	s30 =	sld [smem:$0x0];
	_ =	sdelay $0x2  }
0xbf: {  	s31 =	sshll.u32 s1, $0xD;
	s1 =	sshrl.u32 s1, $0x2  }
0xc0: {  	s3 =	sand.u32 $0x4000, s31;
	s1 =	sadd.s32 s1, s30  }
0xc1: {  	s0 =	sor.u32 s3, s0;
	s1 =	sshll.u32 s1, $0x11  }
0xc2: {  	s0 =	sor.u32 s1, s0  }
0xc3: {  	s0 =	sadd.s32 $0x8F2B, s0  }
0xc4: {  	[sflag:s0] =	ssyncadd.remote.s32 $0x1  }
0xc5: {  	_ =	sfence.sel $0xFFFF  }
0xc6: {  	[dreg:$0x0] =	wrdreg $0xFFFFFFFF;
	(pc) =	sbr.abs _section_cstart, $3  }
0xc7: {  	[dreg:$0x1] =	wrdreg $0xFFFFFFFF  }
0xc8: {  	_ =	task.clear_ibuf [dreg:s7], $0x2FFFF;
	_ =	strace $0x9FFFFFFF  }
0xc9: {  	(tm) =	ssettm $0x7FFFFFFF  }
tec
execute0_lowered:
.L_overlay_start_1:
0x0: {  	(tag) =	ssettag $0x1  }
0x1: {  	s4 =	rddreg [dreg:$0x0]  }
0x2: {  	s1 =	srdreg.scid;
	s5 =	rddreg [dreg:$0x1]  }
0x3: {  	s0 =	stileid.u32;
	s2 =	rddreg [dreg:$0x2];
	s3 =	simm.s32 $0x0  }
0x4: {  	s12 =	simm.s32 $0x1000;
	s13 =	simm.s32 $0x1;
	s14 =	simm.s32 $0x7D0  }
0x5: {  	s15 =	simm.s32 $0x800;
	s18 =	simm.s32 $0x20;
	s19 =	simm.s32 $0x10  }
0x6: {  	s20 =	simm.s32 $0x0;
	s6 =	sand.u32 $0x1, s1;
	s1 =	rddreg [dreg:$0x3]  }
0x7: {  	s28 =	sshll.u32 s0, $0x1;
	[smem:$0x7FF] =	sst s3;
	s8 =	smul.u32 $0x500, s0  }
0x8: {  	s10 =	smul.u32 $0xA00, s0;
	s16 =	sshll.u32 s0, $0x6;
	s7 =	sor.u32 s6, s28  }
0x9: {  	_ =	strace $0x80000047;
	s9 =	ssub.s32 $0x2, s6;
	s6 =	sshll.u32 s6, $0x7  }
0xa: {  	s16 =	sor.u32 $0x1C01, s16;
	s7 =	smul.u32 $0x2710, s7;
	s6 =	sor.u32 s6, s8  }
0xb: {  	s29 =	sshrl.u32 s9, $0x1;
	s31 =	sshrl.u32 s10, $0x2;
	s6 =	sshrl.u32 s6, $0x3  }
0xc: {  	s30 =	ssub.s32 s9, s29;
	s7 =	sshrl.u32 s7, $0x3;
	s5 =	sadd.s32 s5, s6  }
0xd: {  	s11 =	sadd.s32 s7, s4;
	s4 =	sadd.s32 s31, s2;
	s7 =	smax.u32 s30, $0x1  }
0xe: {  	s6 =	sadd.s32 $0x2600, s11;
	s8 =	sadd.s32 $0x26FA, s11;
	s9 =	sadd.s32 $0x27F4, s11  }
0xf: {  	v0 =	vimm.f32 $1.000000000e+00;
	v1 =	vimm.f32 $0.0e+00;
	s10 =	sadd.s32 $0x28EE, s11;
	s11 =	sadd.s32 $0x29E8, s11;
	s17 =	sshrl.u32 s4, $0x3  }
.LBB2_1:
0x10: {  	s21 =	simm.s32 $0x40;
	s22 =	simm.s32 $0x0  }
.LBB2_2:
0x11: {  	p0 =	sne.s32 s21, $0x1F00;
	[tilespmem:s22+$0x800] =	vst v0;
	s22 =	smov.u32 s21;
	s21 =	sadd.s32 $0x40, s21  }
.Ltmp0:
0x12: {  	(pc) =	sbr.rel @p0 .LBB2_2-.Ltmp0, $2  }
0x13: {  	_ =	sdelay $0x2  }
0x14: {  	s22 =	sshra.s32 s22, $0x2  }
0x15: {  	[tilespmem:s22+$0x800] =	vst v0  }
0x16: {  	[tilespmem:$0x1000] =	vst v1  }
0x17: {  	[tilespmem:$0x1010] =	vst v1  }
0x18: {  	[tilespmem:$0x1020] =	vst v1  }
0x19: {  	[tilespmem:$0x1030] =	vst v1  }
0x1a: {  	[tilespmem:$0x1040] =	vst v1  }
0x1b: {  	[tilespmem:$0x1050] =	vst v1  }
0x1c: {  	[tilespmem:$0x1060] =	vst v1  }
0x1d: {  	[tilespmem:$0x1070] =	vst v1  }
0x1e: {  	[tilespmem:$0x1080] =	vst v1  }
0x1f: {  	[tilespmem:$0x1090] =	vst v1  }
0x20: {  	[tilespmem:$0x10A0] =	vst v1  }
0x21: {  	[tilespmem:$0x10B0] =	vst v1  }
0x22: {  	[tilespmem:$0x10C0] =	vst v1  }
0x23: {  	[tilespmem:$0x10D0] =	vst v1  }
0x24: {  	[tilespmem:$0x10E0] =	vst v1  }
0x25: {  	[tilespmem:$0x10F0] =	vst v1  }
0x26: {  	[tilespmem:$0x1100] =	vst v1  }
0x27: {  	[tilespmem:$0x1110] =	vst v1  }
0x28: {  	[tilespmem:$0x1120] =	vst v1  }
0x29: {  	[tilespmem:$0x1130] =	vst v1  }
0x2a: {  	[tilespmem:$0x1140] =	vst v1  }
0x2b: {  	[tilespmem:$0x1150] =	vst v1  }
0x2c: {  	[tilespmem:$0x1160] =	vst v1  }
0x2d: {  	[tilespmem:$0x1170] =	vst v1  }
0x2e: {  	[tilespmem:$0x1180] =	vst v1  }
0x2f: {  	[tilespmem:$0x1190] =	vst v1  }
0x30: {  	[tilespmem:$0x11A0] =	vst v1  }
0x31: {  	[tilespmem:$0x11B0] =	vst v1  }
0x32: {  	[tilespmem:$0x11C0] =	vst v1  }
0x33: {  	[tilespmem:$0x11D0] =	vst v1  }
0x34: {  	[tilespmem:$0x11E0] =	vst v1  }
0x35: {  	[tilespmem:$0x11F0] =	vst v1  }
0x36: {  	[tilespmem:$0x1200] =	vst v1  }
0x37: {  	[tilespmem:$0x1210] =	vst v1  }
0x38: {  	[tilespmem:$0x1220] =	vst v1  }
0x39: {  	[tilespmem:$0x1230] =	vst v1  }
0x3a: {  	[tilespmem:$0x1240] =	vst v1  }
0x3b: {  	[tilespmem:$0x1250] =	vst v1  }
0x3c: {  	[tilespmem:$0x1260] =	vst v1  }
0x3d: {  	[tilespmem:$0x1270] =	vst v1  }
0x3e: {  	[spmem:s4] =	stream.linear.scatter [tilespmem:s12], [sflag:$0x1], $0x280, $0x38;
	[tilespmem:$0x1500] =	vst v63  }
0x3f: {  	_ =	swait.ge [sflag:s13], $0x280  }
0x40: {  	[sflag:s13] =	ssyncset.done $0x0  }
0x41: {  	[sflag:s13] =	ssyncadd.s32 $0xFFFFFD80  }
0x42: {  	[bflag:$0x0] =	sbarrier.arrive $0xFFFF  }
0x43: {  	[tilespmem:s3], [sflag:$0x1] =	stream.linear.gather [hbm4b:s6+s3], $0x7D0, $0x38;
	[tilespmem:$0x1500] =	vst v63  }
0x44: {  	_ =	swait.ge [sflag:s13], $0x7D0  }
0x45: {  	[sflag:s13] =	ssyncset.done $0x0  }
0x46: {  	[sflag:s13] =	ssyncadd.s32 $0xFFFFF830  }
0x47: {  	[spmem:s2] =	stream.indirect.scatter.add.f32 [tilespmem:s15], [sflag:$0x1], $0x1, s3, s14, $0xb8;
	[tilespmem:$0x1500] =	vst v63  }
0x48: {  	_ =	swait.ge [sflag:s13], $0x7D0  }
0x49: {  	[sflag:s13] =	ssyncset.done $0x0  }
0x4a: {  	[sflag:s13] =	ssyncadd.s32 $0xFFFFF830  }
0x4b: {  	[tilespmem:s3], [sflag:$0x1] =	stream.linear.gather [hbm4b:s8+s3], $0x7D0, $0x38;
	[tilespmem:$0x1500] =	vst v63  }
0x4c: {  	_ =	swait.ge [sflag:s13], $0x7D0  }
0x4d: {  	[sflag:s13] =	ssyncset.done $0x0  }
0x4e: {  	[sflag:s13] =	ssyncadd.s32 $0xFFFFF830  }
0x4f: {  	[spmem:s2] =	stream.indirect.scatter.add.f32 [tilespmem:s15], [sflag:$0x1], $0x1, s3, s14, $0xb8;
	[tilespmem:$0x1500] =	vst v63  }
0x50: {  	_ =	swait.ge [sflag:s13], $0x7D0  }
0x51: {  	[sflag:s13] =	ssyncset.done $0x0  }
0x52: {  	[sflag:s13] =	ssyncadd.s32 $0xFFFFF830  }
0x53: {  	[tilespmem:s3], [sflag:$0x1] =	stream.linear.gather [hbm4b:s9+s3], $0x7D0, $0x38;
	[tilespmem:$0x1500] =	vst v63  }
0x54: {  	_ =	swait.ge [sflag:s13], $0x7D0  }
0x55: {  	[sflag:s13] =	ssyncset.done $0x0  }
0x56: {  	[sflag:s13] =	ssyncadd.s32 $0xFFFFF830  }
0x57: {  	[spmem:s2] =	stream.indirect.scatter.add.f32 [tilespmem:s15], [sflag:$0x1], $0x1, s3, s14, $0xb8;
	[tilespmem:$0x1500] =	vst v63  }
0x58: {  	_ =	swait.ge [sflag:s13], $0x7D0  }
0x59: {  	[sflag:s13] =	ssyncset.done $0x0  }
0x5a: {  	[sflag:s13] =	ssyncadd.s32 $0xFFFFF830  }
0x5b: {  	[tilespmem:s3], [sflag:$0x1] =	stream.linear.gather [hbm4b:s10+s3], $0x7D0, $0x38;
	[tilespmem:$0x1500] =	vst v63  }
0x5c: {  	_ =	swait.ge [sflag:s13], $0x7D0  }
0x5d: {  	[sflag:s13] =	ssyncset.done $0x0  }
0x5e: {  	[sflag:s13] =	ssyncadd.s32 $0xFFFFF830  }
0x5f: {  	[spmem:s2] =	stream.indirect.scatter.add.f32 [tilespmem:s15], [sflag:$0x1], $0x1, s3, s14, $0xb8;
	[tilespmem:$0x1500] =	vst v63  }
0x60: {  	_ =	swait.ge [sflag:s13], $0x7D0  }
0x61: {  	[sflag:s13] =	ssyncset.done $0x0  }
0x62: {  	[sflag:s13] =	ssyncadd.s32 $0xFFFFF830  }
0x63: {  	[tilespmem:s3], [sflag:$0x1] =	stream.linear.gather [hbm4b:s11+s3], $0x7D0, $0x38;
	[tilespmem:$0x1500] =	vst v63  }
0x64: {  	_ =	swait.ge [sflag:s13], $0x7D0  }
0x65: {  	[sflag:s13] =	ssyncset.done $0x0  }
0x66: {  	[sflag:s13] =	ssyncadd.s32 $0xFFFFF830  }
0x67: {  	[spmem:s2] =	stream.indirect.scatter.add.f32 [tilespmem:s15], [sflag:$0x1], $0x1, s3, s14, $0xb8;
	[tilespmem:$0x1500] =	vst v63  }
0x68: {  	_ =	swait.ge [sflag:s13], $0x7D0  }
0x69: {  	s20 =	sadd.s32 $0x1, s20;
	[sflag:s13] =	ssyncset.done $0x0  }
0x6a: {  	p0 =	sne.s32 s20, s7;
	[sflag:s13] =	ssyncadd.s32 $0xFFFFF830  }
.Ltmp1:
0x6b: {  	[bflag:$0x0] =	sbarrier.arrive $0xFFFF;
	(pc) =	sbr.rel @p0 .LBB2_1-.Ltmp1, $4  }
0x6c: {  	[hbm:s5@s18], [sflag:s16] =	dma.strided [spmem:s17@s19], $0x50, s13, $0x10   }
0x6d: {  	_ =	swait.ge [sflag:s13], $0x50  }
0x6e: {  	[sflag:s13] =	ssyncset.done $0x0  }
0x6f: {  	[sflag:s13] =	ssyncadd.s32 $0xFFFFFFB0  }
0x70: {  	_ =	sfence.sel $0x180000  }
0x71: {  	[bflag:$0x0] =	sbarrier.arrive $0xFFFF  }
0x72: {  	p0 =	sne.s32 s0, $0x0;
	_ =	strace $0x90000047  }
0x73: {  	s0 =	sadd.s32 @!p0 $0x100000, s1;
	[bflag:$0x2] =	sbarrier.arrive $0xFFFF  }
0x74: {  	[sflag:s0] =	ssyncadd.tile.s32 @!p0 $0x1;
	_ =	shalt  }
.Lfunc_end2:
_tile_overlayer_lowered:
.L_overlay_start_2:
0x75: {  	(tag) =	ssettag $0x2  }
0x76: {  	s0 =	rddreg [dreg:$0x0];
	s2 =	stileid.u32  }
0x77: {  	s1 =	rddreg [dreg:$0x1];
	p0 =	sne.s32 s2, $0x0  }
0x78: {  	s3 =	rddreg [dreg:$0x2];
	[bflag:$0x3] =	sbarrier.arrive $0xFFFF;
	s2 =	simm.s32 @!p0 $0x1C01  }
0x79: {  	[timem:s3], [sflag:s2] =	dma.local @!p0 [hbm:s0], s1  }
0x7a: {  	s0 =	simm.s32 @!p0 $0x1  }
0x7b: {  	_ =	swait.ge @!p0 [sflag:s0], s1  }
0x7c: {  	s1 =	ssub.s32 @!p0 $0x0, s1;
	[sflag:s0] =	ssyncset.done @!p0 $0x0  }
0x7d: {  	[sflag:s0] =	ssyncadd.s32 @!p0 s1  }
0x7e: {  	[bflag:$0x3] =	sbarrier.arrive $0xFFFF  }
0x7f: {  	_ =	shalt  }

</sc_bundles>
